<compile_context>
chip_gen: v7x
topology: tpu7x:2x2x1
jax: 0.10.2.dev20260603
libtpu: 0.0.44.dev20260713+nightly
codegen_flags: <defaults>
</compile_context>

<pallas_src>
import jax
import jax.numpy as jnp
from jax import lax
from jax.experimental import pallas as pl
from jax.experimental.pallas import tpu as pltpu
from jax.experimental.pallas import tpu_sc as plsc

B, S, H = 4, 8192, 1024
FFN = 512
E = 16
N = B * S
BT = 256
GBLK = (2 * N) // BT + E
P = GBLK * BT

NW = 32
TW = N // NW
CTD = 32
NCHD = TW // CTD
CTC = 16
NCHC = TW // CTC


def _router_body(x_ref, gw_ref, gb_ref, s0_ref, s1_ref, w0_ref, w1_ref):
    x = x_ref[...]
    logits = lax.dot_general(x, gw_ref[...], (((1,), (1,)), ((), ())),
                             preferred_element_type=jnp.float32)
    logits = logits + gb_ref[...]
    lane = lax.broadcasted_iota(jnp.int32, logits.shape, 1)
    m1 = jnp.max(logits, axis=1, keepdims=True)
    a1 = jnp.min(jnp.where(logits == m1, lane, E), axis=1, keepdims=True)
    masked = jnp.where(lane == a1, -1e30, logits)
    m2 = jnp.max(masked, axis=1, keepdims=True)
    a2 = jnp.min(jnp.where(masked == m2, lane, E), axis=1, keepdims=True)
    w1 = 1.0 / (1.0 + jnp.exp(m2 - m1))
    s0_ref[...] = a1
    s1_ref[...] = a2
    w0_ref[...] = jnp.broadcast_to(w1, (w1.shape[0], 16))
    w1_ref[...] = jnp.broadcast_to(1.0 - w1, (w1.shape[0], 16))


def _router(x_flat, gate_w, gate_b):
    tb = 1024
    out = jax.ShapeDtypeStruct((N, 1), jnp.int32)
    outf = jax.ShapeDtypeStruct((N, 16), jnp.float32)
    return pl.pallas_call(
        _router_body,
        grid=(N // tb,),
        in_specs=[
            pl.BlockSpec((tb, H), lambda g: (g, 0)),
            pl.BlockSpec((E, H), lambda g: (0, 0)),
            pl.BlockSpec((1, E), lambda g: (0, 0)),
        ],
        out_specs=[pl.BlockSpec((tb, 1), lambda g: (g, 0))] * 2
        + [pl.BlockSpec((tb, 16), lambda g: (g, 0))] * 2,
        out_shape=[out, out, outf, outf],
    )(x_flat, gate_w, gate_b.reshape(1, E))


def _sortmeta_body(a_ref, dest_ref, be_ref):
    a = a_ref[...]
    r1 = lax.broadcasted_iota(jnp.int32, (128, 128), 0)
    c1 = lax.broadcasted_iota(jnp.int32, (128, 128), 1)
    u128 = (r1 < c1).astype(jnp.float32)
    r5 = lax.broadcasted_iota(jnp.int32, (512, 512), 0)
    c5 = lax.broadcasted_iota(jnp.int32, (512, 512), 1)
    s512 = (r5 > c5).astype(jnp.float32)
    gstart = (lax.broadcasted_iota(jnp.int32, (1, 512), 1)
              .astype(jnp.float32) * BT)

    dest = jnp.zeros((512, 128), jnp.float32)
    nactive = jnp.zeros((1, 512), jnp.float32)
    off = jnp.float32(0.0)
    for e in range(E):
        oh = (a == e).astype(jnp.float32)
        rowpre = lax.dot_general(oh, u128, (((1,), (0,)), ((), ())),
                                 preferred_element_type=jnp.float32,
                                 precision=lax.Precision.HIGHEST)
        rt = jnp.sum(oh, axis=1, keepdims=True)
        rtb = jnp.broadcast_to(rt, (512, 128))
        blkpre = lax.dot_general(s512, rtb, (((1,), (0,)), ((), ())),
                                 preferred_element_type=jnp.float32,
                                 precision=lax.Precision.HIGHEST)
        rank = rowpre + blkpre
        cnt = jnp.sum(rt)
        dest = jnp.where(oh > 0, off + rank, dest)
        nactive = nactive + (gstart >= off).astype(jnp.float32)
        off = off + jnp.ceil(cnt / BT) * BT
    dest_ref[...] = dest.astype(jnp.int32)
    be = jnp.clip(nactive - 1.0, 0.0, float(E - 1))
    be_ref[...] = be.astype(jnp.int32)


def _sortmeta(sel01):
    return pl.pallas_call(
        _sortmeta_body,
        out_shape=[jax.ShapeDtypeStruct((512, 128), jnp.int32),
                   jax.ShapeDtypeStruct((1, 512), jnp.int32)],
    )(sel01)


def _dispatch_body(x_hbm, d0_hbm, d1_hbm, xs_hbm,
                   d0_v, d1_v, buf_a, buf_b, sa0, sa1, sb0, sb1):
    w = lax.axis_index("s") * 2 + lax.axis_index("c")
    pltpu.sync_copy(d0_hbm.at[w], d0_v)
    pltpu.sync_copy(d1_hbm.at[w], d1_v)

    @pl.loop(0, NCHD // 2)
    def _pair(p):
        ca = 2 * p
        cb = 2 * p + 1
        pltpu.sync_copy(x_hbm.at[pl.ds(w * TW + ca * CTD, CTD)], buf_a)
        cpa0 = pltpu.make_async_copy(buf_a, xs_hbm.at[d0_v.at[ca]], sa0)
        cpa1 = pltpu.make_async_copy(buf_a, xs_hbm.at[d1_v.at[ca]], sa1)
        cpa0.start()
        cpa1.start()

        @pl.when(p > 0)
        def _():
            pltpu.make_async_copy(buf_b, xs_hbm.at[d0_v.at[cb]], sb0).wait()
            pltpu.make_async_copy(buf_b, xs_hbm.at[d1_v.at[cb]], sb1).wait()

        pltpu.sync_copy(x_hbm.at[pl.ds(w * TW + cb * CTD, CTD)], buf_b)
        cpa0.wait()
        cpa1.wait()
        pltpu.make_async_copy(buf_b, xs_hbm.at[d0_v.at[cb]], sb0).start()
        pltpu.make_async_copy(buf_b, xs_hbm.at[d1_v.at[cb]], sb1).start()

    last = NCHD - 1
    pltpu.make_async_copy(buf_b, xs_hbm.at[d0_v.at[last]], sb0).wait()
    pltpu.make_async_copy(buf_b, xs_hbm.at[d1_v.at[last]], sb1).wait()


def _dispatch(x_flat, d0, d1):
    mesh = plsc.VectorSubcoreMesh(core_axis_name="c", subcore_axis_name="s")
    kern = pl.kernel(
        _dispatch_body,
        out_type=jax.ShapeDtypeStruct((P, H), jnp.float32),
        mesh=mesh,
        scratch_types=[
            pltpu.VMEM((NCHD, CTD), jnp.int32),
            pltpu.VMEM((NCHD, CTD), jnp.int32),
            pltpu.VMEM((CTD, H), jnp.float32),
            pltpu.VMEM((CTD, H), jnp.float32),
            pltpu.SemaphoreType.DMA,
            pltpu.SemaphoreType.DMA,
            pltpu.SemaphoreType.DMA,
            pltpu.SemaphoreType.DMA,
        ],
    )
    return kern(x_flat, d0.reshape(NW, NCHD, CTD), d1.reshape(NW, NCHD, CTD))


_A1, _A2, _A3, _A4, _A5 = (0.254829592, -0.284496736, 1.421413741,
                           -1.453152027, 1.061405429)


def _gelu_exact(x):
    z = x * 0.7071067811865476
    az = jnp.abs(z)
    t = 1.0 / (1.0 + 0.3275911 * az)
    poly = t * (_A1 + t * (_A2 + t * (_A3 + t * (_A4 + t * _A5))))
    erf_az = 1.0 - poly * jnp.exp(-az * az)
    erf_z = jnp.where(z < 0, -erf_az, erf_az)
    return 0.5 * x * (1.0 + erf_z)


def _ffn_body(be_ref, xs_ref, f1_ref, b1_ref, f2_ref, b2_ref, ys_ref):
    xb = xs_ref[...].astype(jnp.bfloat16)
    h = lax.dot_general(xb, f1_ref[0], (((1,), (1,)), ((), ())),
                        preferred_element_type=jnp.float32)
    h = _gelu_exact(h + b1_ref[0])
    y = lax.dot_general(h.astype(jnp.bfloat16), f2_ref[0],
                        (((1,), (1,)), ((), ())),
                        preferred_element_type=jnp.float32)
    ys_ref[...] = y + b2_ref[0]


def _ffn(xs, block_expert, fc1_w, fc1_b, fc2_w, fc2_b):
    grid_spec = pltpu.PrefetchScalarGridSpec(
        num_scalar_prefetch=1,
        grid=(GBLK,),
        in_specs=[
            pl.BlockSpec((BT, H), lambda g, be: (g, 0)),
            pl.BlockSpec((1, FFN, H), lambda g, be: (be[g], 0, 0)),
            pl.BlockSpec((1, 1, FFN), lambda g, be: (be[g], 0, 0)),
            pl.BlockSpec((1, H, FFN), lambda g, be: (be[g], 0, 0)),
            pl.BlockSpec((1, 1, H), lambda g, be: (be[g], 0, 0)),
        ],
        out_specs=pl.BlockSpec((BT, H), lambda g, be: (g, 0)),
    )
    return pl.pallas_call(
        _ffn_body,
        grid_spec=grid_spec,
        out_shape=jax.ShapeDtypeStruct((P, H), jnp.float32),
    )(block_expert, xs, fc1_w.astype(jnp.bfloat16),
      fc1_b.reshape(E, 1, FFN), fc2_w.astype(jnp.bfloat16),
      fc2_b.reshape(E, 1, H))


def _combine_body(ys_hbm, d0_hbm, d1_hbm, w0_hbm, w1_hbm, out_hbm,
                  d0_v, d1_v, w0_v, w1_v,
                  ga0, ga1, gb0, gb1, o_v, sa0, sa1, sb0, sb1):
    w = lax.axis_index("s") * 2 + lax.axis_index("c")
    pltpu.sync_copy(d0_hbm.at[w], d0_v)
    pltpu.sync_copy(d1_hbm.at[w], d1_v)

    def _compute(c, g0, g1):
        @pl.loop(0, CTC)
        def _tok(t):
            wv0 = w0_v[t]
            wv1 = w1_v[t]

            @pl.loop(0, H // 16, unroll=4)
            def _vec(j):
                sl = pl.ds(j * 16, 16)
                o_v[t, sl] = wv0 * g0[t, sl] + wv1 * g1[t, sl]

        pltpu.sync_copy(o_v, out_hbm.at[pl.ds(w * TW + c * CTC, CTC)])

    pltpu.make_async_copy(ys_hbm.at[d0_v.at[0]], ga0, sa0).start()
    pltpu.make_async_copy(ys_hbm.at[d1_v.at[0]], ga1, sa1).start()

    @pl.loop(0, NCHC // 2)
    def _pair(p):
        ca = 2 * p
        cb = 2 * p + 1
        pltpu.make_async_copy(ys_hbm.at[d0_v.at[ca]], ga0, sa0).wait()
        pltpu.make_async_copy(ys_hbm.at[d1_v.at[ca]], ga1, sa1).wait()
        pltpu.make_async_copy(ys_hbm.at[d0_v.at[cb]], gb0, sb0).start()
        pltpu.make_async_copy(ys_hbm.at[d1_v.at[cb]], gb1, sb1).start()
        pltpu.sync_copy(w0_hbm.at[w, ca], w0_v)
        pltpu.sync_copy(w1_hbm.at[w, ca], w1_v)
        _compute(ca, ga0, ga1)
        pltpu.make_async_copy(ys_hbm.at[d0_v.at[cb]], gb0, sb0).wait()
        pltpu.make_async_copy(ys_hbm.at[d1_v.at[cb]], gb1, sb1).wait()

        @pl.when(p < NCHC // 2 - 1)
        def _():
            pltpu.make_async_copy(ys_hbm.at[d0_v.at[ca + 2]], ga0, sa0).start()
            pltpu.make_async_copy(ys_hbm.at[d1_v.at[ca + 2]], ga1, sa1).start()

        pltpu.sync_copy(w0_hbm.at[w, cb], w0_v)
        pltpu.sync_copy(w1_hbm.at[w, cb], w1_v)
        _compute(cb, gb0, gb1)


def _combine(ys, d0, d1, w0, w1):
    mesh = plsc.VectorSubcoreMesh(core_axis_name="c", subcore_axis_name="s")
    kern = pl.kernel(
        _combine_body,
        out_type=jax.ShapeDtypeStruct((N, H), jnp.float32),
        mesh=mesh,
        scratch_types=[
            pltpu.VMEM((NCHC, CTC), jnp.int32),
            pltpu.VMEM((NCHC, CTC), jnp.int32),
            pltpu.VMEM((CTC, 16), jnp.float32),
            pltpu.VMEM((CTC, 16), jnp.float32),
            pltpu.VMEM((CTC, H), jnp.float32),
            pltpu.VMEM((CTC, H), jnp.float32),
            pltpu.VMEM((CTC, H), jnp.float32),
            pltpu.VMEM((CTC, H), jnp.float32),
            pltpu.VMEM((CTC, H), jnp.float32),
            pltpu.SemaphoreType.DMA,
            pltpu.SemaphoreType.DMA,
            pltpu.SemaphoreType.DMA,
            pltpu.SemaphoreType.DMA,
        ],
    )
    return kern(ys,
                d0.reshape(NW, NCHC, CTC), d1.reshape(NW, NCHC, CTC),
                w0.reshape(NW, NCHC, CTC, 16), w1.reshape(NW, NCHC, CTC, 16))


@jax.jit
def kernel(x, gate_w, gate_b, fc1_w, fc1_b, fc2_w, fc2_b):
    x_flat = x.reshape(N, H)
    s0, s1, w0, w1 = _router(x_flat, gate_w, gate_b)
    sel01 = jnp.concatenate(
        [s0.reshape(256, 128), s1.reshape(256, 128)], axis=0)
    dest, be = _sortmeta(sel01)
    d0 = dest[:256].reshape(N)
    d1 = dest[256:].reshape(N)
    block_expert = be.reshape(512)[:GBLK]
    xs = _dispatch(x_flat, d0, d1)
    ys = _ffn(xs, block_expert, fc1_w, fc1_b, fc2_w, fc2_b)
    out = _combine(ys, d0, d1, w0, w1)
    return out.reshape(B, S, H)

# --- scband reference (transcript-rebuilt; emitter-appended) ---
"""Pipeline reference for scband-mo-elayer-83932250899016 (READ-ONLY COPY).

The authoritative reference and input builder live on the scoring server;
editing this copy changes nothing except your own understanding.
"""

import jax, jax.numpy as jnp
import numpy as np

B, S, H = 4, 8192, 1024
FFN = 512
E = 16
TOP_K = 2


def setup_inputs(seed: int = 0) -> dict:
    key = jax.random.key(seed)
    ks = jax.random.split(key, 8)
    x = jax.random.normal(ks[0], (B, S, H), dtype=jnp.float32)
    gate_w = jax.random.normal(ks[1], (E, H), dtype=jnp.float32) * 0.02
    gate_b = jnp.zeros((E,), dtype=jnp.float32)
    fc1_w = jax.random.normal(ks[2], (E, FFN, H), dtype=jnp.float32) * 0.02
    fc1_b = jnp.zeros((E, FFN), dtype=jnp.float32)
    fc2_w = jax.random.normal(ks[3], (E, H, FFN), dtype=jnp.float32) * 0.02
    fc2_b = jnp.zeros((E, H), dtype=jnp.float32)
    return {"x": x, "gate_w": gate_w, "gate_b": gate_b,
            "fc1_w": fc1_w, "fc1_b": fc1_b, "fc2_w": fc2_w, "fc2_b": fc2_b}


def reference(x, gate_w, gate_b, fc1_w, fc1_b, fc2_w, fc2_b):
    batch_size, seq_len, hidden_dim = x.shape
    x_flat = x.reshape(-1, hidden_dim)
    router_logits = x_flat @ gate_w.T + gate_b
    router_weights, selected_experts = jax.lax.top_k(router_logits, TOP_K)
    router_weights = jax.nn.softmax(router_weights, axis=-1)
    output = jnp.zeros_like(x_flat)
    for i in range(E):
        # per-token weight for expert i: sum of router weights over the k slots where selected == i
        w_i = jnp.sum(jnp.where(selected_experts == i, router_weights, 0.0), axis=-1)
        h = jax.nn.gelu(x_flat @ fc1_w[i].T + fc1_b[i], approximate=False)
        expert_out = h @ fc2_w[i].T + fc2_b[i]
        output = output + expert_out * w_i[:, None]
    return output.reshape(batch_size, seq_len, hidden_dim)

if __name__ == "__main__":
    import jax
    _d = setup_inputs()
    print(jax.jit(kernel)(*tuple(_d.values())))

</pallas_src>

<mosaic_0001>
#map = affine_map<(d0, d1) -> (0, 0)>
#map1 = affine_map<(d0, d1) -> (0, 0, 0)>
#map2 = affine_map<(d0, d1) -> (0, 0, 0, 0)>
module attributes {stable_mosaic.version = 14 : i64} {
  func.func @_combine_body(%arg0: i32, %arg1: i32, %arg2: memref<69632x1024xf32, #tpu.memory_space<hbm>>, %arg3: memref<32x64x16xi32, #tpu.memory_space<hbm>>, %arg4: memref<32x64x16xi32, #tpu.memory_space<hbm>>, %arg5: memref<32x64x16x16xf32, #tpu.memory_space<hbm>>, %arg6: memref<32x64x16x16xf32, #tpu.memory_space<hbm>>, %arg7: memref<32768x1024xf32, #tpu.memory_space<hbm>>, %arg8: memref<64x16xi32, #tpu.memory_space<vmem>>, %arg9: memref<64x16xi32, #tpu.memory_space<vmem>>, %arg10: memref<16x16xf32, #tpu.memory_space<vmem>>, %arg11: memref<16x16xf32, #tpu.memory_space<vmem>>, %arg12: memref<16x1024xf32, #tpu.memory_space<vmem>>, %arg13: memref<16x1024xf32, #tpu.memory_space<vmem>>, %arg14: memref<16x1024xf32, #tpu.memory_space<vmem>>, %arg15: memref<16x1024xf32, #tpu.memory_space<vmem>>, %arg16: memref<16x1024xf32, #tpu.memory_space<vmem>>, %arg17: memref<!tpu.dma_semaphore, #tpu.memory_space<semaphore_mem>>, %arg18: memref<!tpu.dma_semaphore, #tpu.memory_space<semaphore_mem>>, %arg19: memref<!tpu.dma_semaphore, #tpu.memory_space<semaphore_mem>>, %arg20: memref<!tpu.dma_semaphore, #tpu.memory_space<semaphore_mem>>) attributes {dimension_semantics = [#tpu.dimension_semantics<core_parallel>, #tpu.dimension_semantics<subcore_parallel>], iteration_bounds = array<i64: 2, 16>, scalar_prefetch = 0 : i64, scratch_operands = 13 : i64, tpu.core_type = #tpu.core_type<sc_vector_subcore>, window_params = [{transform_indices = #map}, {transform_indices = #map1}, {transform_indices = #map1}, {transform_indices = #map2}, {transform_indices = #map2}, {transform_indices = #map}]} {
    %mul3A = arith.constant 2 : i32
    %mul3A_0 = arith.muli %arg1, %mul3A : i32
    %add3A = arith.addi %mul3A_0, %arg0 : i32
    "tpu.region"() ({
      %run_scoped3A = tpu.sem_alloc : memref<!tpu.dma_semaphore, #tpu.memory_space<semaphore_mem>>
      %dma_start3A_18 = arith.constant 0 : i32
      %dma_start3A_19 = arith.constant 0 : i32
      %dma_start3A_20 = tpu.memref_slice %arg3[%add3A, %dma_start3A_18, %dma_start3A_19] : memref<32x64x16xi32, #tpu.memory_space<hbm>> -> memref<1x64x16xi32, #tpu.memory_space<hbm>>
      %dma_start3A_21 = tpu.memref_squeeze %dma_start3A_20 : memref<1x64x16xi32, #tpu.memory_space<hbm>> -> memref<64x16xi32, #tpu.memory_space<hbm>>
      %dma_start3A_22 = arith.constant 0 : i32
      %dma_start3A_23 = arith.constant 0 : i32
      %dma_start3A_24 = tpu.memref_slice %arg3[%add3A, %dma_start3A_22, %dma_start3A_23] : memref<32x64x16xi32, #tpu.memory_space<hbm>> -> memref<1x64x16xi32, #tpu.memory_space<hbm>>
      %dma_start3A_25 = tpu.memref_squeeze %dma_start3A_24 : memref<1x64x16xi32, #tpu.memory_space<hbm>> -> memref<64x16xi32, #tpu.memory_space<hbm>>
      tpu.enqueue_dma source(%dma_start3A_25 : memref<64x16xi32, #tpu.memory_space<hbm>>) target(%arg8 : memref<64x16xi32, #tpu.memory_space<vmem>>) target_semaphore(%run_scoped3A : memref<!tpu.dma_semaphore, #tpu.memory_space<semaphore_mem>>)
      %dma_wait3A = arith.constant 0 : i32
      %dma_wait3A_26 = arith.constant 0 : i32
      %dma_wait3A_27 = tpu.memref_slice %arg3[%add3A, %dma_wait3A, %dma_wait3A_26] : memref<32x64x16xi32, #tpu.memory_space<hbm>> -> memref<1x64x16xi32, #tpu.memory_space<hbm>>
      %dma_wait3A_28 = tpu.memref_squeeze %dma_wait3A_27 : memref<1x64x16xi32, #tpu.memory_space<hbm>> -> memref<64x16xi32, #tpu.memory_space<hbm>>
      %dma_wait3A_29 = arith.constant 0 : i32
      %dma_wait3A_30 = arith.constant 0 : i32
      %dma_wait3A_31 = tpu.memref_slice %arg3[%add3A, %dma_wait3A_29, %dma_wait3A_30] : memref<32x64x16xi32, #tpu.memory_space<hbm>> -> memref<1x64x16xi32, #tpu.memory_space<hbm>>
      %dma_wait3A_32 = tpu.memref_squeeze %dma_wait3A_31 : memref<1x64x16xi32, #tpu.memory_space<hbm>> -> memref<64x16xi32, #tpu.memory_space<hbm>>
      tpu.wait_dma2 semaphore(%run_scoped3A : memref<!tpu.dma_semaphore, #tpu.memory_space<semaphore_mem>>) src(%dma_wait3A_32 : memref<64x16xi32, #tpu.memory_space<hbm>>) dst(%arg8 : memref<64x16xi32, #tpu.memory_space<vmem>>)
      tpu.yield
    }) : () -> ()
    "tpu.region"() ({
      %run_scoped3A = tpu.sem_alloc : memref<!tpu.dma_semaphore, #tpu.memory_space<semaphore_mem>>
      %dma_start3A_18 = arith.constant 0 : i32
      %dma_start3A_19 = arith.constant 0 : i32
      %dma_start3A_20 = tpu.memref_slice %arg4[%add3A, %dma_start3A_18, %dma_start3A_19] : memref<32x64x16xi32, #tpu.memory_space<hbm>> -> memref<1x64x16xi32, #tpu.memory_space<hbm>>
      %dma_start3A_21 = tpu.memref_squeeze %dma_start3A_20 : memref<1x64x16xi32, #tpu.memory_space<hbm>> -> memref<64x16xi32, #tpu.memory_space<hbm>>
      %dma_start3A_22 = arith.constant 0 : i32
      %dma_start3A_23 = arith.constant 0 : i32
      %dma_start3A_24 = tpu.memref_slice %arg4[%add3A, %dma_start3A_22, %dma_start3A_23] : memref<32x64x16xi32, #tpu.memory_space<hbm>> -> memref<1x64x16xi32, #tpu.memory_space<hbm>>
      %dma_start3A_25 = tpu.memref_squeeze %dma_start3A_24 : memref<1x64x16xi32, #tpu.memory_space<hbm>> -> memref<64x16xi32, #tpu.memory_space<hbm>>
      tpu.enqueue_dma source(%dma_start3A_25 : memref<64x16xi32, #tpu.memory_space<hbm>>) target(%arg9 : memref<64x16xi32, #tpu.memory_space<vmem>>) target_semaphore(%run_scoped3A : memref<!tpu.dma_semaphore, #tpu.memory_space<semaphore_mem>>)
      %dma_wait3A = arith.constant 0 : i32
      %dma_wait3A_26 = arith.constant 0 : i32
      %dma_wait3A_27 = tpu.memref_slice %arg4[%add3A, %dma_wait3A, %dma_wait3A_26] : memref<32x64x16xi32, #tpu.memory_space<hbm>> -> memref<1x64x16xi32, #tpu.memory_space<hbm>>
      %dma_wait3A_28 = tpu.memref_squeeze %dma_wait3A_27 : memref<1x64x16xi32, #tpu.memory_space<hbm>> -> memref<64x16xi32, #tpu.memory_space<hbm>>
      %dma_wait3A_29 = arith.constant 0 : i32
      %dma_wait3A_30 = arith.constant 0 : i32
      %dma_wait3A_31 = tpu.memref_slice %arg4[%add3A, %dma_wait3A_29, %dma_wait3A_30] : memref<32x64x16xi32, #tpu.memory_space<hbm>> -> memref<1x64x16xi32, #tpu.memory_space<hbm>>
      %dma_wait3A_32 = tpu.memref_squeeze %dma_wait3A_31 : memref<1x64x16xi32, #tpu.memory_space<hbm>> -> memref<64x16xi32, #tpu.memory_space<hbm>>
      tpu.wait_dma2 semaphore(%run_scoped3A : memref<!tpu.dma_semaphore, #tpu.memory_space<semaphore_mem>>) src(%dma_wait3A_32 : memref<64x16xi32, #tpu.memory_space<hbm>>) dst(%arg9 : memref<64x16xi32, #tpu.memory_space<vmem>>)
      tpu.yield
    }) : () -> ()
    %dma_start3A = arith.constant 0 : i32
    %dma_start3A_1 = arith.constant 0 : i32
    %dma_start3A_2 = tpu.memref_slice %arg8[%dma_start3A, %dma_start3A_1] : memref<64x16xi32, #tpu.memory_space<vmem>> -> memref<1x16xi32, #tpu.memory_space<vmem>>
    %dma_start3A_3 = tpu.memref_squeeze %dma_start3A_2 : memref<1x16xi32, #tpu.memory_space<vmem>> -> memref<16xi32, #tpu.memory_space<vmem>>
    %dma_start3A_4 = arith.constant 0 : i32
    %dma_start3A_5 = arith.constant 0 : i32
    %dma_start3A_6 = tpu.memref_slice %arg2[%dma_start3A_4, %dma_start3A_5] : memref<69632x1024xf32, #tpu.memory_space<hbm>> -> memref<69632x1024xf32, #tpu.memory_space<hbm>>
    tpu.enqueue_indirect_dma source(%dma_start3A_6 : memref<69632x1024xf32, #tpu.memory_space<hbm>>) target(%arg12 : memref<16x1024xf32, #tpu.memory_space<vmem>>) offsets(%dma_start3A_3 : memref<16xi32, #tpu.memory_space<vmem>>) semaphore(%arg17 : memref<!tpu.dma_semaphore, #tpu.memory_space<semaphore_mem>>)
    %dma_start3A_7 = arith.constant 0 : i32
    %dma_start3A_8 = arith.constant 0 : i32
    %dma_start3A_9 = tpu.memref_slice %arg9[%dma_start3A_7, %dma_start3A_8] : memref<64x16xi32, #tpu.memory_space<vmem>> -> memref<1x16xi32, #tpu.memory_space<vmem>>
    %dma_start3A_10 = tpu.memref_squeeze %dma_start3A_9 : memref<1x16xi32, #tpu.memory_space<vmem>> -> memref<16xi32, #tpu.memory_space<vmem>>
    %dma_start3A_11 = arith.constant 0 : i32
    %dma_start3A_12 = arith.constant 0 : i32
    %dma_start3A_13 = tpu.memref_slice %arg2[%dma_start3A_11, %dma_start3A_12] : memref<69632x1024xf32, #tpu.memory_space<hbm>> -> memref<69632x1024xf32, #tpu.memory_space<hbm>>
    tpu.enqueue_indirect_dma source(%dma_start3A_13 : memref<69632x1024xf32, #tpu.memory_space<hbm>>) target(%arg13 : memref<16x1024xf32, #tpu.memory_space<vmem>>) offsets(%dma_start3A_10 : memref<16xi32, #tpu.memory_space<vmem>>) semaphore(%arg18 : memref<!tpu.dma_semaphore, #tpu.memory_space<semaphore_mem>>)
    %scan3A = arith.constant 0 : i32
    %scan3A_14 = arith.constant 32 : i32
    %scan3A_15 = arith.addi %scan3A, %scan3A_14 : i32
    %scan3A_16 = arith.constant 1 : i32
    scf.for %scan3A_18 = %scan3A to %scan3A_15 step %scan3A_16  : i32 {
      %mul3A_19 = arith.constant 1 : i32
      %mul3A_20 = arith.muli %scan3A_18, %mul3A_19 : i32
      %add3A_21 = arith.constant 0 : i32
      %add3A_22 = arith.addi %add3A_21, %mul3A_20 : i32
      %mul3A_23 = arith.constant 2 : i32
      %mul3A_24 = arith.muli %mul3A_23, %add3A_22 : i32
      %mul3A_25 = arith.constant 2 : i32
      %mul3A_26 = arith.muli %mul3A_25, %add3A_22 : i32
      %add3A_27 = arith.constant 1 : i32
      %add3A_28 = arith.addi %mul3A_26, %add3A_27 : i32
      %dma_wait3A = arith.constant 0 : i32
      %dma_wait3A_29 = tpu.memref_slice %arg8[%mul3A_24, %dma_wait3A] : memref<64x16xi32, #tpu.memory_space<vmem>> -> memref<1x16xi32, #tpu.memory_space<vmem>>
      %dma_wait3A_30 = tpu.memref_squeeze %dma_wait3A_29 : memref<1x16xi32, #tpu.memory_space<vmem>> -> memref<16xi32, #tpu.memory_space<vmem>>
      %dma_wait3A_31 = arith.constant 0 : i32
      %dma_wait3A_32 = arith.constant 0 : i32
      %dma_wait3A_33 = tpu.memref_slice %arg2[%dma_wait3A_31, %dma_wait3A_32] : memref<69632x1024xf32, #tpu.memory_space<hbm>> -> memref<69632x1024xf32, #tpu.memory_space<hbm>>
      tpu.wait_indirect_dma semaphore(%arg17 : memref<!tpu.dma_semaphore, #tpu.memory_space<semaphore_mem>>) src(%dma_wait3A_33 : memref<69632x1024xf32, #tpu.memory_space<hbm>>) dst(%arg12 : memref<16x1024xf32, #tpu.memory_space<vmem>>)
      %dma_wait3A_34 = arith.constant 0 : i32
      %dma_wait3A_35 = tpu.memref_slice %arg9[%mul3A_24, %dma_wait3A_34] : memref<64x16xi32, #tpu.memory_space<vmem>> -> memref<1x16xi32, #tpu.memory_space<vmem>>
      %dma_wait3A_36 = tpu.memref_squeeze %dma_wait3A_35 : memref<1x16xi32, #tpu.memory_space<vmem>> -> memref<16xi32, #tpu.memory_space<vmem>>
      %dma_wait3A_37 = arith.constant 0 : i32
      %dma_wait3A_38 = arith.constant 0 : i32
      %dma_wait3A_39 = tpu.memref_slice %arg2[%dma_wait3A_37, %dma_wait3A_38] : memref<69632x1024xf32, #tpu.memory_space<hbm>> -> memref<69632x1024xf32, #tpu.memory_space<hbm>>
      tpu.wait_indirect_dma semaphore(%arg18 : memref<!tpu.dma_semaphore, #tpu.memory_space<semaphore_mem>>) src(%dma_wait3A_39 : memref<69632x1024xf32, #tpu.memory_space<hbm>>) dst(%arg13 : memref<16x1024xf32, #tpu.memory_space<vmem>>)
      %dma_start3A_40 = arith.constant 0 : i32
      %dma_start3A_41 = tpu.memref_slice %arg8[%add3A_28, %dma_start3A_40] : memref<64x16xi32, #tpu.memory_space<vmem>> -> memref<1x16xi32, #tpu.memory_space<vmem>>
      %dma_start3A_42 = tpu.memref_squeeze %dma_start3A_41 : memref<1x16xi32, #tpu.memory_space<vmem>> -> memref<16xi32, #tpu.memory_space<vmem>>
      %dma_start3A_43 = arith.constant 0 : i32
      %dma_start3A_44 = arith.constant 0 : i32
      %dma_start3A_45 = tpu.memref_slice %arg2[%dma_start3A_43, %dma_start3A_44] : memref<69632x1024xf32, #tpu.memory_space<hbm>> -> memref<69632x1024xf32, #tpu.memory_space<hbm>>
      tpu.enqueue_indirect_dma source(%dma_start3A_45 : memref<69632x1024xf32, #tpu.memory_space<hbm>>) target(%arg14 : memref<16x1024xf32, #tpu.memory_space<vmem>>) offsets(%dma_start3A_42 : memref<16xi32, #tpu.memory_space<vmem>>) semaphore(%arg19 : memref<!tpu.dma_semaphore, #tpu.memory_space<semaphore_mem>>)
      %dma_start3A_46 = arith.constant 0 : i32
      %dma_start3A_47 = tpu.memref_slice %arg9[%add3A_28, %dma_start3A_46] : memref<64x16xi32, #tpu.memory_space<vmem>> -> memref<1x16xi32, #tpu.memory_space<vmem>>
      %dma_start3A_48 = tpu.memref_squeeze %dma_start3A_47 : memref<1x16xi32, #tpu.memory_space<vmem>> -> memref<16xi32, #tpu.memory_space<vmem>>
      %dma_start3A_49 = arith.constant 0 : i32
      %dma_start3A_50 = arith.constant 0 : i32
      %dma_start3A_51 = tpu.memref_slice %arg2[%dma_start3A_49, %dma_start3A_50] : memref<69632x1024xf32, #tpu.memory_space<hbm>> -> memref<69632x1024xf32, #tpu.memory_space<hbm>>
      tpu.enqueue_indirect_dma source(%dma_start3A_51 : memref<69632x1024xf32, #tpu.memory_space<hbm>>) target(%arg15 : memref<16x1024xf32, #tpu.memory_space<vmem>>) offsets(%dma_start3A_48 : memref<16xi32, #tpu.memory_space<vmem>>) semaphore(%arg20 : memref<!tpu.dma_semaphore, #tpu.memory_space<semaphore_mem>>)
      "tpu.region"() ({
        %run_scoped3A = tpu.sem_alloc : memref<!tpu.dma_semaphore, #tpu.memory_space<semaphore_mem>>
        %dma_start3A_86 = arith.constant 0 : i32
        %dma_start3A_87 = arith.constant 0 : i32
        %dma_start3A_88 = tpu.memref_slice %arg5[%add3A, %mul3A_24, %dma_start3A_86, %dma_start3A_87] : memref<32x64x16x16xf32, #tpu.memory_space<hbm>> -> memref<1x1x16x16xf32, #tpu.memory_space<hbm>>
        %dma_start3A_89 = tpu.memref_squeeze %dma_start3A_88 : memref<1x1x16x16xf32, #tpu.memory_space<hbm>> -> memref<16x16xf32, #tpu.memory_space<hbm>>
        %dma_start3A_90 = arith.constant 0 : i32
        %dma_start3A_91 = arith.constant 0 : i32
        %dma_start3A_92 = tpu.memref_slice %arg5[%add3A, %mul3A_24, %dma_start3A_90, %dma_start3A_91] : memref<32x64x16x16xf32, #tpu.memory_space<hbm>> -> memref<1x1x16x16xf32, #tpu.memory_space<hbm>>
        %dma_start3A_93 = tpu.memref_squeeze %dma_start3A_92 : memref<1x1x16x16xf32, #tpu.memory_space<hbm>> -> memref<16x16xf32, #tpu.memory_space<hbm>>
        tpu.enqueue_dma source(%dma_start3A_93 : memref<16x16xf32, #tpu.memory_space<hbm>>) target(%arg10 : memref<16x16xf32, #tpu.memory_space<vmem>>) target_semaphore(%run_scoped3A : memref<!tpu.dma_semaphore, #tpu.memory_space<semaphore_mem>>)
        %dma_wait3A_94 = arith.constant 0 : i32
        %dma_wait3A_95 = arith.constant 0 : i32
        %dma_wait3A_96 = tpu.memref_slice %arg5[%add3A, %mul3A_24, %dma_wait3A_94, %dma_wait3A_95] : memref<32x64x16x16xf32, #tpu.memory_space<hbm>> -> memref<1x1x16x16xf32, #tpu.memory_space<hbm>>
        %dma_wait3A_97 = tpu.memref_squeeze %dma_wait3A_96 : memref<1x1x16x16xf32, #tpu.memory_space<hbm>> -> memref<16x16xf32, #tpu.memory_space<hbm>>
        %dma_wait3A_98 = arith.constant 0 : i32
        %dma_wait3A_99 = arith.constant 0 : i32
        %dma_wait3A_100 = tpu.memref_slice %arg5[%add3A, %mul3A_24, %dma_wait3A_98, %dma_wait3A_99] : memref<32x64x16x16xf32, #tpu.memory_space<hbm>> -> memref<1x1x16x16xf32, #tpu.memory_space<hbm>>
        %dma_wait3A_101 = tpu.memref_squeeze %dma_wait3A_100 : memref<1x1x16x16xf32, #tpu.memory_space<hbm>> -> memref<16x16xf32, #tpu.memory_space<hbm>>
        tpu.wait_dma2 semaphore(%run_scoped3A : memref<!tpu.dma_semaphore, #tpu.memory_space<semaphore_mem>>) src(%dma_wait3A_101 : memref<16x16xf32, #tpu.memory_space<hbm>>) dst(%arg10 : memref<16x16xf32, #tpu.memory_space<vmem>>)
        tpu.yield
      }) : () -> ()
      "tpu.region"() ({
        %run_scoped3A = tpu.sem_alloc : memref<!tpu.dma_semaphore, #tpu.memory_space<semaphore_mem>>
        %dma_start3A_86 = arith.constant 0 : i32
        %dma_start3A_87 = arith.constant 0 : i32
        %dma_start3A_88 = tpu.memref_slice %arg6[%add3A, %mul3A_24, %dma_start3A_86, %dma_start3A_87] : memref<32x64x16x16xf32, #tpu.memory_space<hbm>> -> memref<1x1x16x16xf32, #tpu.memory_space<hbm>>
        %dma_start3A_89 = tpu.memref_squeeze %dma_start3A_88 : memref<1x1x16x16xf32, #tpu.memory_space<hbm>> -> memref<16x16xf32, #tpu.memory_space<hbm>>
        %dma_start3A_90 = arith.constant 0 : i32
        %dma_start3A_91 = arith.constant 0 : i32
        %dma_start3A_92 = tpu.memref_slice %arg6[%add3A, %mul3A_24, %dma_start3A_90, %dma_start3A_91] : memref<32x64x16x16xf32, #tpu.memory_space<hbm>> -> memref<1x1x16x16xf32, #tpu.memory_space<hbm>>
        %dma_start3A_93 = tpu.memref_squeeze %dma_start3A_92 : memref<1x1x16x16xf32, #tpu.memory_space<hbm>> -> memref<16x16xf32, #tpu.memory_space<hbm>>
        tpu.enqueue_dma source(%dma_start3A_93 : memref<16x16xf32, #tpu.memory_space<hbm>>) target(%arg11 : memref<16x16xf32, #tpu.memory_space<vmem>>) target_semaphore(%run_scoped3A : memref<!tpu.dma_semaphore, #tpu.memory_space<semaphore_mem>>)
        %dma_wait3A_94 = arith.constant 0 : i32
        %dma_wait3A_95 = arith.constant 0 : i32
        %dma_wait3A_96 = tpu.memref_slice %arg6[%add3A, %mul3A_24, %dma_wait3A_94, %dma_wait3A_95] : memref<32x64x16x16xf32, #tpu.memory_space<hbm>> -> memref<1x1x16x16xf32, #tpu.memory_space<hbm>>
        %dma_wait3A_97 = tpu.memref_squeeze %dma_wait3A_96 : memref<1x1x16x16xf32, #tpu.memory_space<hbm>> -> memref<16x16xf32, #tpu.memory_space<hbm>>
        %dma_wait3A_98 = arith.constant 0 : i32
        %dma_wait3A_99 = arith.constant 0 : i32
        %dma_wait3A_100 = tpu.memref_slice %arg6[%add3A, %mul3A_24, %dma_wait3A_98, %dma_wait3A_99] : memref<32x64x16x16xf32, #tpu.memory_space<hbm>> -> memref<1x1x16x16xf32, #tpu.memory_space<hbm>>
        %dma_wait3A_101 = tpu.memref_squeeze %dma_wait3A_100 : memref<1x1x16x16xf32, #tpu.memory_space<hbm>> -> memref<16x16xf32, #tpu.memory_space<hbm>>
        tpu.wait_dma2 semaphore(%run_scoped3A : memref<!tpu.dma_semaphore, #tpu.memory_space<semaphore_mem>>) src(%dma_wait3A_101 : memref<16x16xf32, #tpu.memory_space<hbm>>) dst(%arg11 : memref<16x16xf32, #tpu.memory_space<vmem>>)
        tpu.yield
      }) : () -> ()
      %scan3A_52 = arith.constant 0 : i32
      %scan3A_53 = arith.constant 16 : i32
      %scan3A_54 = arith.addi %scan3A_52, %scan3A_53 : i32
      %scan3A_55 = arith.constant 1 : i32
      scf.for %scan3A_86 = %scan3A_52 to %scan3A_54 step %scan3A_55  : i32 {
        %mul3A_87 = arith.constant 1 : i32
        %mul3A_88 = arith.muli %scan3A_86, %mul3A_87 : i32
        %add3A_89 = arith.constant 0 : i32
        %add3A_90 = arith.addi %add3A_89, %mul3A_88 : i32
        %get3A = arith.index_cast %add3A_90 : i32 to index
        %get3A_91 = arith.constant 0 : index
        %get3A_92 = tpu.vector_load %arg10[%get3A, %get3A_91] {strides = array<i32>} : memref<16x16xf32, #tpu.memory_space<vmem>>, vector<1x16xf32>,
        %get3A_93 = vector.shape_cast %get3A_92 : vector<1x16xf32> to vector<16xf32>
        %get3A_94 = arith.index_cast %add3A_90 : i32 to index
        %get3A_95 = arith.constant 0 : index
        %get3A_96 = tpu.vector_load %arg11[%get3A_94, %get3A_95] {strides = array<i32>} : memref<16x16xf32, #tpu.memory_space<vmem>>, vector<1x16xf32>,
        %get3A_97 = vector.shape_cast %get3A_96 : vector<1x16xf32> to vector<16xf32>
        %scan3A_98 = arith.constant 0 : i32
        %scan3A_99 = arith.constant 64 : i32
        %scan3A_100 = arith.addi %scan3A_98, %scan3A_99 : i32
        %scan3A_101 = arith.constant 4 : i32
        scf.for %scan3A_103 = %scan3A_98 to %scan3A_100 step %scan3A_101  : i32 {
          %mul3A_104 = arith.constant 1 : i32
          %mul3A_105 = arith.muli %scan3A_103, %mul3A_104 : i32
          %add3A_106 = arith.constant 0 : i32
          %add3A_107 = arith.addi %add3A_106, %mul3A_105 : i32
          %mul3A_108 = arith.constant 16 : i32
          %mul3A_109 = arith.muli %add3A_107, %mul3A_108 : i32
          %get3A_110 = arith.index_cast %add3A_90 : i32 to index
          %get3A_111 = arith.index_cast %mul3A_109 : i32 to index
          %get3A_112 = tpu.vector_load %arg12[%get3A_110, %get3A_111] {strides = array<i32>} : memref<16x1024xf32, #tpu.memory_space<vmem>>, vector<1x16xf32>,
          %get3A_113 = vector.shape_cast %get3A_112 : vector<1x16xf32> to vector<16xf32>
          %mul3A_114 = arith.mulf %get3A_93, %get3A_113 : vector<16xf32>
          %get3A_115 = arith.index_cast %add3A_90 : i32 to index
          %get3A_116 = arith.index_cast %mul3A_109 : i32 to index
          %get3A_117 = tpu.vector_load %arg13[%get3A_115, %get3A_116] {strides = array<i32>} : memref<16x1024xf32, #tpu.memory_space<vmem>>, vector<1x16xf32>,
          %get3A_118 = vector.shape_cast %get3A_117 : vector<1x16xf32> to vector<16xf32>
          %mul3A_119 = arith.mulf %get3A_97, %get3A_118 : vector<16xf32>
          %add3A_120 = arith.addf %mul3A_114, %mul3A_119 : vector<16xf32>
          %swap3A = arith.index_cast %add3A_90 : i32 to index
          %swap3A_121 = arith.index_cast %mul3A_109 : i32 to index
          %swap3A_122 = tpu.vector_load %arg16[%swap3A, %swap3A_121] {strides = array<i32>} : memref<16x1024xf32, #tpu.memory_space<vmem>>, vector<1x16xf32>,
          %swap3A_123 = vector.shape_cast %swap3A_122 : vector<1x16xf32> to vector<16xf32>
          %swap3A_124 = vector.shape_cast %add3A_120 : vector<16xf32> to vector<1x16xf32>
          tpu.vector_store %arg16[%swap3A, %swap3A_121], %swap3A_124 {strides = array<i32>} : memref<16x1024xf32, #tpu.memory_space<vmem>>, vector<1x16xf32>,
          %scan3A_125 = arith.constant 1 : i32
          %scan3A_126 = arith.addi %scan3A_103, %scan3A_125 : i32
          %mul3A_127 = arith.constant 1 : i32
          %mul3A_128 = arith.muli %scan3A_126, %mul3A_127 : i32
          %add3A_129 = arith.constant 0 : i32
          %add3A_130 = arith.addi %add3A_129, %mul3A_128 : i32
          %mul3A_131 = arith.constant 16 : i32
          %mul3A_132 = arith.muli %add3A_130, %mul3A_131 : i32
          %get3A_133 = arith.index_cast %add3A_90 : i32 to index
          %get3A_134 = arith.index_cast %mul3A_132 : i32 to index
          %get3A_135 = tpu.vector_load %arg12[%get3A_133, %get3A_134] {strides = array<i32>} : memref<16x1024xf32, #tpu.memory_space<vmem>>, vector<1x16xf32>,
          %get3A_136 = vector.shape_cast %get3A_135 : vector<1x16xf32> to vector<16xf32>
          %mul3A_137 = arith.mulf %get3A_93, %get3A_136 : vector<16xf32>
          %get3A_138 = arith.index_cast %add3A_90 : i32 to index
          %get3A_139 = arith.index_cast %mul3A_132 : i32 to index
          %get3A_140 = tpu.vector_load %arg13[%get3A_138, %get3A_139] {strides = array<i32>} : memref<16x1024xf32, #tpu.memory_space<vmem>>, vector<1x16xf32>,
          %get3A_141 = vector.shape_cast %get3A_140 : vector<1x16xf32> to vector<16xf32>
          %mul3A_142 = arith.mulf %get3A_97, %get3A_141 : vector<16xf32>
          %add3A_143 = arith.addf %mul3A_137, %mul3A_142 : vector<16xf32>
          %swap3A_144 = arith.index_cast %add3A_90 : i32 to index
          %swap3A_145 = arith.index_cast %mul3A_132 : i32 to index
          %swap3A_146 = tpu.vector_load %arg16[%swap3A_144, %swap3A_145] {strides = array<i32>} : memref<16x1024xf32, #tpu.memory_space<vmem>>, vector<1x16xf32>,
          %swap3A_147 = vector.shape_cast %swap3A_146 : vector<1x16xf32> to vector<16xf32>
          %swap3A_148 = vector.shape_cast %add3A_143 : vector<16xf32> to vector<1x16xf32>
          tpu.vector_store %arg16[%swap3A_144, %swap3A_145], %swap3A_148 {strides = array<i32>} : memref<16x1024xf32, #tpu.memory_space<vmem>>, vector<1x16xf32>,
          %scan3A_149 = arith.constant 2 : i32
          %scan3A_150 = arith.addi %scan3A_103, %scan3A_149 : i32
          %mul3A_151 = arith.constant 1 : i32
          %mul3A_152 = arith.muli %scan3A_150, %mul3A_151 : i32
          %add3A_153 = arith.constant 0 : i32
          %add3A_154 = arith.addi %add3A_153, %mul3A_152 : i32
          %mul3A_155 = arith.constant 16 : i32
          %mul3A_156 = arith.muli %add3A_154, %mul3A_155 : i32
          %get3A_157 = arith.index_cast %add3A_90 : i32 to index
          %get3A_158 = arith.index_cast %mul3A_156 : i32 to index
          %get3A_159 = tpu.vector_load %arg12[%get3A_157, %get3A_158] {strides = array<i32>} : memref<16x1024xf32, #tpu.memory_space<vmem>>, vector<1x16xf32>,
          %get3A_160 = vector.shape_cast %get3A_159 : vector<1x16xf32> to vector<16xf32>
          %mul3A_161 = arith.mulf %get3A_93, %get3A_160 : vector<16xf32>
          %get3A_162 = arith.index_cast %add3A_90 : i32 to index
          %get3A_163 = arith.index_cast %mul3A_156 : i32 to index
          %get3A_164 = tpu.vector_load %arg13[%get3A_162, %get3A_163] {strides = array<i32>} : memref<16x1024xf32, #tpu.memory_space<vmem>>, vector<1x16xf32>,
          %get3A_165 = vector.shape_cast %get3A_164 : vector<1x16xf32> to vector<16xf32>
          %mul3A_166 = arith.mulf %get3A_97, %get3A_165 : vector<16xf32>
          %add3A_167 = arith.addf %mul3A_161, %mul3A_166 : vector<16xf32>
          %swap3A_168 = arith.index_cast %add3A_90 : i32 to index
          %swap3A_169 = arith.index_cast %mul3A_156 : i32 to index
          %swap3A_170 = tpu.vector_load %arg16[%swap3A_168, %swap3A_169] {strides = array<i32>} : memref<16x1024xf32, #tpu.memory_space<vmem>>, vector<1x16xf32>,
          %swap3A_171 = vector.shape_cast %swap3A_170 : vector<1x16xf32> to vector<16xf32>
          %swap3A_172 = vector.shape_cast %add3A_167 : vector<16xf32> to vector<1x16xf32>
          tpu.vector_store %arg16[%swap3A_168, %swap3A_169], %swap3A_172 {strides = array<i32>} : memref<16x1024xf32, #tpu.memory_space<vmem>>, vector<1x16xf32>,
          %scan3A_173 = arith.constant 3 : i32
          %scan3A_174 = arith.addi %scan3A_103, %scan3A_173 : i32
          %mul3A_175 = arith.constant 1 : i32
          %mul3A_176 = arith.muli %scan3A_174, %mul3A_175 : i32
          %add3A_177 = arith.constant 0 : i32
          %add3A_178 = arith.addi %add3A_177, %mul3A_176 : i32
          %mul3A_179 = arith.constant 16 : i32
          %mul3A_180 = arith.muli %add3A_178, %mul3A_179 : i32
          %get3A_181 = arith.index_cast %add3A_90 : i32 to index
          %get3A_182 = arith.index_cast %mul3A_180 : i32 to index
          %get3A_183 = tpu.vector_load %arg12[%get3A_181, %get3A_182] {strides = array<i32>} : memref<16x1024xf32, #tpu.memory_space<vmem>>, vector<1x16xf32>,
          %get3A_184 = vector.shape_cast %get3A_183 : vector<1x16xf32> to vector<16xf32>
          %mul3A_185 = arith.mulf %get3A_93, %get3A_184 : vector<16xf32>
          %get3A_186 = arith.index_cast %add3A_90 : i32 to index
          %get3A_187 = arith.index_cast %mul3A_180 : i32 to index
          %get3A_188 = tpu.vector_load %arg13[%get3A_186, %get3A_187] {strides = array<i32>} : memref<16x1024xf32, #tpu.memory_space<vmem>>, vector<1x16xf32>,
          %get3A_189 = vector.shape_cast %get3A_188 : vector<1x16xf32> to vector<16xf32>
          %mul3A_190 = arith.mulf %get3A_97, %get3A_189 : vector<16xf32>
          %add3A_191 = arith.addf %mul3A_185, %mul3A_190 : vector<16xf32>
          %swap3A_192 = arith.index_cast %add3A_90 : i32 to index
          %swap3A_193 = arith.index_cast %mul3A_180 : i32 to index
          %swap3A_194 = tpu.vector_load %arg16[%swap3A_192, %swap3A_193] {strides = array<i32>} : memref<16x1024xf32, #tpu.memory_space<vmem>>, vector<1x16xf32>,
          %swap3A_195 = vector.shape_cast %swap3A_194 : vector<1x16xf32> to vector<16xf32>
          %swap3A_196 = vector.shape_cast %add3A_191 : vector<16xf32> to vector<1x16xf32>
          tpu.vector_store %arg16[%swap3A_192, %swap3A_193], %swap3A_196 {strides = array<i32>} : memref<16x1024xf32, #tpu.memory_space<vmem>>, vector<1x16xf32>,
        }
        %scan3A_102 = arith.constant 64 : i32
      }
      %scan3A_56 = arith.constant 16 : i32
      %mul3A_57 = arith.constant 1024 : i32
      %mul3A_58 = arith.muli %add3A, %mul3A_57 : i32
      %mul3A_59 = arith.constant 16 : i32
      %mul3A_60 = arith.muli %mul3A_24, %mul3A_59 : i32
      %add3A_61 = arith.addi %mul3A_58, %mul3A_60 : i32
      "tpu.region"() ({
        %run_scoped3A = tpu.sem_alloc : memref<!tpu.dma_semaphore, #tpu.memory_space<semaphore_mem>>
        %dma_start3A_86 = arith.constant 0 : i32
        %dma_start3A_87 = tpu.memref_slice %arg7[%add3A_61, %dma_start3A_86] : memref<32768x1024xf32, #tpu.memory_space<hbm>> -> memref<16x1024xf32, #tpu.memory_space<hbm>>
        %dma_start3A_88 = arith.constant 0 : i32
        %dma_start3A_89 = tpu.memref_slice %arg7[%add3A_61, %dma_start3A_88] : memref<32768x1024xf32, #tpu.memory_space<hbm>> -> memref<16x1024xf32, #tpu.memory_space<hbm>>
        tpu.enqueue_dma source(%arg16 : memref<16x1024xf32, #tpu.memory_space<vmem>>) target(%dma_start3A_89 : memref<16x1024xf32, #tpu.memory_space<hbm>>) target_semaphore(%run_scoped3A : memref<!tpu.dma_semaphore, #tpu.memory_space<semaphore_mem>>)
        %dma_wait3A_90 = arith.constant 0 : i32
        %dma_wait3A_91 = tpu.memref_slice %arg7[%add3A_61, %dma_wait3A_90] : memref<32768x1024xf32, #tpu.memory_space<hbm>> -> memref<16x1024xf32, #tpu.memory_space<hbm>>
        %dma_wait3A_92 = arith.constant 0 : i32
        %dma_wait3A_93 = tpu.memref_slice %arg7[%add3A_61, %dma_wait3A_92] : memref<32768x1024xf32, #tpu.memory_space<hbm>> -> memref<16x1024xf32, #tpu.memory_space<hbm>>
        tpu.wait_dma2 semaphore(%run_scoped3A : memref<!tpu.dma_semaphore, #tpu.memory_space<semaphore_mem>>) src(%arg16 : memref<16x1024xf32, #tpu.memory_space<vmem>>) dst(%dma_wait3A_93 : memref<16x1024xf32, #tpu.memory_space<hbm>>)
        tpu.yield
      }) : () -> ()
      %dma_wait3A_62 = arith.constant 0 : i32
      %dma_wait3A_63 = tpu.memref_slice %arg8[%add3A_28, %dma_wait3A_62] : memref<64x16xi32, #tpu.memory_space<vmem>> -> memref<1x16xi32, #tpu.memory_space<vmem>>
      %dma_wait3A_64 = tpu.memref_squeeze %dma_wait3A_63 : memref<1x16xi32, #tpu.memory_space<vmem>> -> memref<16xi32, #tpu.memory_space<vmem>>
      %dma_wait3A_65 = arith.constant 0 : i32
      %dma_wait3A_66 = arith.constant 0 : i32
      %dma_wait3A_67 = tpu.memref_slice %arg2[%dma_wait3A_65, %dma_wait3A_66] : memref<69632x1024xf32, #tpu.memory_space<hbm>> -> memref<69632x1024xf32, #tpu.memory_space<hbm>>
      tpu.wait_indirect_dma semaphore(%arg19 : memref<!tpu.dma_semaphore, #tpu.memory_space<semaphore_mem>>) src(%dma_wait3A_67 : memref<69632x1024xf32, #tpu.memory_space<hbm>>) dst(%arg14 : memref<16x1024xf32, #tpu.memory_space<vmem>>)
      %dma_wait3A_68 = arith.constant 0 : i32
      %dma_wait3A_69 = tpu.memref_slice %arg9[%add3A_28, %dma_wait3A_68] : memref<64x16xi32, #tpu.memory_space<vmem>> -> memref<1x16xi32, #tpu.memory_space<vmem>>
      %dma_wait3A_70 = tpu.memref_squeeze %dma_wait3A_69 : memref<1x16xi32, #tpu.memory_space<vmem>> -> memref<16xi32, #tpu.memory_space<vmem>>
      %dma_wait3A_71 = arith.constant 0 : i32
      %dma_wait3A_72 = arith.constant 0 : i32
      %dma_wait3A_73 = tpu.memref_slice %arg2[%dma_wait3A_71, %dma_wait3A_72] : memref<69632x1024xf32, #tpu.memory_space<hbm>> -> memref<69632x1024xf32, #tpu.memory_space<hbm>>
      tpu.wait_indirect_dma semaphore(%arg20 : memref<!tpu.dma_semaphore, #tpu.memory_space<semaphore_mem>>) src(%dma_wait3A_73 : memref<69632x1024xf32, #tpu.memory_space<hbm>>) dst(%arg15 : memref<16x1024xf32, #tpu.memory_space<vmem>>)
      %lt3A = arith.constant 31 : i32
      %lt3A_74 = arith.cmpi slt, %add3A_22, %lt3A : i32
      %convert_element_type3A = arith.extui %lt3A_74 : i1 to i32
      %cond3A = arith.constant 0 : i32
      %cond3A_75 = arith.cmpi ne, %convert_element_type3A, %cond3A : i32
      scf.if %cond3A_75 {
        %add3A_86 = arith.constant 2 : i32
        %add3A_87 = arith.addi %mul3A_24, %add3A_86 : i32
        %dma_start3A_88 = arith.constant 0 : i32
        %dma_start3A_89 = tpu.memref_slice %arg8[%add3A_87, %dma_start3A_88] : memref<64x16xi32, #tpu.memory_space<vmem>> -> memref<1x16xi32, #tpu.memory_space<vmem>>
        %dma_start3A_90 = tpu.memref_squeeze %dma_start3A_89 : memref<1x16xi32, #tpu.memory_space<vmem>> -> memref<16xi32, #tpu.memory_space<vmem>>
        %dma_start3A_91 = arith.constant 0 : i32
        %dma_start3A_92 = arith.constant 0 : i32
        %dma_start3A_93 = tpu.memref_slice %arg2[%dma_start3A_91, %dma_start3A_92] : memref<69632x1024xf32, #tpu.memory_space<hbm>> -> memref<69632x1024xf32, #tpu.memory_space<hbm>>
        tpu.enqueue_indirect_dma source(%dma_start3A_93 : memref<69632x1024xf32, #tpu.memory_space<hbm>>) target(%arg12 : memref<16x1024xf32, #tpu.memory_space<vmem>>) offsets(%dma_start3A_90 : memref<16xi32, #tpu.memory_space<vmem>>) semaphore(%arg17 : memref<!tpu.dma_semaphore, #tpu.memory_space<semaphore_mem>>)
        %add3A_94 = arith.constant 2 : i32
        %add3A_95 = arith.addi %mul3A_24, %add3A_94 : i32
        %dma_start3A_96 = arith.constant 0 : i32
        %dma_start3A_97 = tpu.memref_slice %arg9[%add3A_95, %dma_start3A_96] : memref<64x16xi32, #tpu.memory_space<vmem>> -> memref<1x16xi32, #tpu.memory_space<vmem>>
        %dma_start3A_98 = tpu.memref_squeeze %dma_start3A_97 : memref<1x16xi32, #tpu.memory_space<vmem>> -> memref<16xi32, #tpu.memory_space<vmem>>
        %dma_start3A_99 = arith.constant 0 : i32
        %dma_start3A_100 = arith.constant 0 : i32
        %dma_start3A_101 = tpu.memref_slice %arg2[%dma_start3A_99, %dma_start3A_100] : memref<69632x1024xf32, #tpu.memory_space<hbm>> -> memref<69632x1024xf32, #tpu.memory_space<hbm>>
        tpu.enqueue_indirect_dma source(%dma_start3A_101 : memref<69632x1024xf32, #tpu.memory_space<hbm>>) target(%arg13 : memref<16x1024xf32, #tpu.memory_space<vmem>>) offsets(%dma_start3A_98 : memref<16xi32, #tpu.memory_space<vmem>>) semaphore(%arg18 : memref<!tpu.dma_semaphore, #tpu.memory_space<semaphore_mem>>)
      } else {
      }
      "tpu.region"() ({
        %run_scoped3A = tpu.sem_alloc : memref<!tpu.dma_semaphore, #tpu.memory_space<semaphore_mem>>
        %dma_start3A_86 = arith.constant 0 : i32
        %dma_start3A_87 = arith.constant 0 : i32
        %dma_start3A_88 = tpu.memref_slice %arg5[%add3A, %add3A_28, %dma_start3A_86, %dma_start3A_87] : memref<32x64x16x16xf32, #tpu.memory_space<hbm>> -> memref<1x1x16x16xf32, #tpu.memory_space<hbm>>
        %dma_start3A_89 = tpu.memref_squeeze %dma_start3A_88 : memref<1x1x16x16xf32, #tpu.memory_space<hbm>> -> memref<16x16xf32, #tpu.memory_space<hbm>>
        %dma_start3A_90 = arith.constant 0 : i32
        %dma_start3A_91 = arith.constant 0 : i32
        %dma_start3A_92 = tpu.memref_slice %arg5[%add3A, %add3A_28, %dma_start3A_90, %dma_start3A_91] : memref<32x64x16x16xf32, #tpu.memory_space<hbm>> -> memref<1x1x16x16xf32, #tpu.memory_space<hbm>>
        %dma_start3A_93 = tpu.memref_squeeze %dma_start3A_92 : memref<1x1x16x16xf32, #tpu.memory_space<hbm>> -> memref<16x16xf32, #tpu.memory_space<hbm>>
        tpu.enqueue_dma source(%dma_start3A_93 : memref<16x16xf32, #tpu.memory_space<hbm>>) target(%arg10 : memref<16x16xf32, #tpu.memory_space<vmem>>) target_semaphore(%run_scoped3A : memref<!tpu.dma_semaphore, #tpu.memory_space<semaphore_mem>>)
        %dma_wait3A_94 = arith.constant 0 : i32
        %dma_wait3A_95 = arith.constant 0 : i32
        %dma_wait3A_96 = tpu.memref_slice %arg5[%add3A, %add3A_28, %dma_wait3A_94, %dma_wait3A_95] : memref<32x64x16x16xf32, #tpu.memory_space<hbm>> -> memref<1x1x16x16xf32, #tpu.memory_space<hbm>>
        %dma_wait3A_97 = tpu.memref_squeeze %dma_wait3A_96 : memref<1x1x16x16xf32, #tpu.memory_space<hbm>> -> memref<16x16xf32, #tpu.memory_space<hbm>>
        %dma_wait3A_98 = arith.constant 0 : i32
        %dma_wait3A_99 = arith.constant 0 : i32
        %dma_wait3A_100 = tpu.memref_slice %arg5[%add3A, %add3A_28, %dma_wait3A_98, %dma_wait3A_99] : memref<32x64x16x16xf32, #tpu.memory_space<hbm>> -> memref<1x1x16x16xf32, #tpu.memory_space<hbm>>
        %dma_wait3A_101 = tpu.memref_squeeze %dma_wait3A_100 : memref<1x1x16x16xf32, #tpu.memory_space<hbm>> -> memref<16x16xf32, #tpu.memory_space<hbm>>
        tpu.wait_dma2 semaphore(%run_scoped3A : memref<!tpu.dma_semaphore, #tpu.memory_space<semaphore_mem>>) src(%dma_wait3A_101 : memref<16x16xf32, #tpu.memory_space<hbm>>) dst(%arg10 : memref<16x16xf32, #tpu.memory_space<vmem>>)
        tpu.yield
      }) : () -> ()
      "tpu.region"() ({
        %run_scoped3A = tpu.sem_alloc : memref<!tpu.dma_semaphore, #tpu.memory_space<semaphore_mem>>
        %dma_start3A_86 = arith.constant 0 : i32
        %dma_start3A_87 = arith.constant 0 : i32
        %dma_start3A_88 = tpu.memref_slice %arg6[%add3A, %add3A_28, %dma_start3A_86, %dma_start3A_87] : memref<32x64x16x16xf32, #tpu.memory_space<hbm>> -> memref<1x1x16x16xf32, #tpu.memory_space<hbm>>
        %dma_start3A_89 = tpu.memref_squeeze %dma_start3A_88 : memref<1x1x16x16xf32, #tpu.memory_space<hbm>> -> memref<16x16xf32, #tpu.memory_space<hbm>>
        %dma_start3A_90 = arith.constant 0 : i32
        %dma_start3A_91 = arith.constant 0 : i32
        %dma_start3A_92 = tpu.memref_slice %arg6[%add3A, %add3A_28, %dma_start3A_90, %dma_start3A_91] : memref<32x64x16x16xf32, #tpu.memory_space<hbm>> -> memref<1x1x16x16xf32, #tpu.memory_space<hbm>>
        %dma_start3A_93 = tpu.memref_squeeze %dma_start3A_92 : memref<1x1x16x16xf32, #tpu.memory_space<hbm>> -> memref<16x16xf32, #tpu.memory_space<hbm>>
        tpu.enqueue_dma source(%dma_start3A_93 : memref<16x16xf32, #tpu.memory_space<hbm>>) target(%arg11 : memref<16x16xf32, #tpu.memory_space<vmem>>) target_semaphore(%run_scoped3A : memref<!tpu.dma_semaphore, #tpu.memory_space<semaphore_mem>>)
        %dma_wait3A_94 = arith.constant 0 : i32
        %dma_wait3A_95 = arith.constant 0 : i32
        %dma_wait3A_96 = tpu.memref_slice %arg6[%add3A, %add3A_28, %dma_wait3A_94, %dma_wait3A_95] : memref<32x64x16x16xf32, #tpu.memory_space<hbm>> -> memref<1x1x16x16xf32, #tpu.memory_space<hbm>>
        %dma_wait3A_97 = tpu.memref_squeeze %dma_wait3A_96 : memref<1x1x16x16xf32, #tpu.memory_space<hbm>> -> memref<16x16xf32, #tpu.memory_space<hbm>>
        %dma_wait3A_98 = arith.constant 0 : i32
        %dma_wait3A_99 = arith.constant 0 : i32
        %dma_wait3A_100 = tpu.memref_slice %arg6[%add3A, %add3A_28, %dma_wait3A_98, %dma_wait3A_99] : memref<32x64x16x16xf32, #tpu.memory_space<hbm>> -> memref<1x1x16x16xf32, #tpu.memory_space<hbm>>
        %dma_wait3A_101 = tpu.memref_squeeze %dma_wait3A_100 : memref<1x1x16x16xf32, #tpu.memory_space<hbm>> -> memref<16x16xf32, #tpu.memory_space<hbm>>
        tpu.wait_dma2 semaphore(%run_scoped3A : memref<!tpu.dma_semaphore, #tpu.memory_space<semaphore_mem>>) src(%dma_wait3A_101 : memref<16x16xf32, #tpu.memory_space<hbm>>) dst(%arg11 : memref<16x16xf32, #tpu.memory_space<vmem>>)
        tpu.yield
      }) : () -> ()
      %scan3A_76 = arith.constant 0 : i32
      %scan3A_77 = arith.constant 16 : i32
      %scan3A_78 = arith.addi %scan3A_76, %scan3A_77 : i32
      %scan3A_79 = arith.constant 1 : i32
      scf.for %scan3A_86 = %scan3A_76 to %scan3A_78 step %scan3A_79  : i32 {
        %mul3A_87 = arith.constant 1 : i32
        %mul3A_88 = arith.muli %scan3A_86, %mul3A_87 : i32
        %add3A_89 = arith.constant 0 : i32
        %add3A_90 = arith.addi %add3A_89, %mul3A_88 : i32
        %get3A = arith.index_cast %add3A_90 : i32 to index
        %get3A_91 = arith.constant 0 : index
        %get3A_92 = tpu.vector_load %arg10[%get3A, %get3A_91] {strides = array<i32>} : memref<16x16xf32, #tpu.memory_space<vmem>>, vector<1x16xf32>,
        %get3A_93 = vector.shape_cast %get3A_92 : vector<1x16xf32> to vector<16xf32>
        %get3A_94 = arith.index_cast %add3A_90 : i32 to index
        %get3A_95 = arith.constant 0 : index
        %get3A_96 = tpu.vector_load %arg11[%get3A_94, %get3A_95] {strides = array<i32>} : memref<16x16xf32, #tpu.memory_space<vmem>>, vector<1x16xf32>,
        %get3A_97 = vector.shape_cast %get3A_96 : vector<1x16xf32> to vector<16xf32>
        %scan3A_98 = arith.constant 0 : i32
        %scan3A_99 = arith.constant 64 : i32
        %scan3A_100 = arith.addi %scan3A_98, %scan3A_99 : i32
        %scan3A_101 = arith.constant 4 : i32
        scf.for %scan3A_103 = %scan3A_98 to %scan3A_100 step %scan3A_101  : i32 {
          %mul3A_104 = arith.constant 1 : i32
          %mul3A_105 = arith.muli %scan3A_103, %mul3A_104 : i32
          %add3A_106 = arith.constant 0 : i32
          %add3A_107 = arith.addi %add3A_106, %mul3A_105 : i32
          %mul3A_108 = arith.constant 16 : i32
          %mul3A_109 = arith.muli %add3A_107, %mul3A_108 : i32
          %get3A_110 = arith.index_cast %add3A_90 : i32 to index
          %get3A_111 = arith.index_cast %mul3A_109 : i32 to index
          %get3A_112 = tpu.vector_load %arg14[%get3A_110, %get3A_111] {strides = array<i32>} : memref<16x1024xf32, #tpu.memory_space<vmem>>, vector<1x16xf32>,
          %get3A_113 = vector.shape_cast %get3A_112 : vector<1x16xf32> to vector<16xf32>
          %mul3A_114 = arith.mulf %get3A_93, %get3A_113 : vector<16xf32>
          %get3A_115 = arith.index_cast %add3A_90 : i32 to index
          %get3A_116 = arith.index_cast %mul3A_109 : i32 to index
          %get3A_117 = tpu.vector_load %arg15[%get3A_115, %get3A_116] {strides = array<i32>} : memref<16x1024xf32, #tpu.memory_space<vmem>>, vector<1x16xf32>,
          %get3A_118 = vector.shape_cast %get3A_117 : vector<1x16xf32> to vector<16xf32>
          %mul3A_119 = arith.mulf %get3A_97, %get3A_118 : vector<16xf32>
          %add3A_120 = arith.addf %mul3A_114, %mul3A_119 : vector<16xf32>
          %swap3A = arith.index_cast %add3A_90 : i32 to index
          %swap3A_121 = arith.index_cast %mul3A_109 : i32 to index
          %swap3A_122 = tpu.vector_load %arg16[%swap3A, %swap3A_121] {strides = array<i32>} : memref<16x1024xf32, #tpu.memory_space<vmem>>, vector<1x16xf32>,
          %swap3A_123 = vector.shape_cast %swap3A_122 : vector<1x16xf32> to vector<16xf32>
          %swap3A_124 = vector.shape_cast %add3A_120 : vector<16xf32> to vector<1x16xf32>
          tpu.vector_store %arg16[%swap3A, %swap3A_121], %swap3A_124 {strides = array<i32>} : memref<16x1024xf32, #tpu.memory_space<vmem>>, vector<1x16xf32>,
          %scan3A_125 = arith.constant 1 : i32
          %scan3A_126 = arith.addi %scan3A_103, %scan3A_125 : i32
          %mul3A_127 = arith.constant 1 : i32
          %mul3A_128 = arith.muli %scan3A_126, %mul3A_127 : i32
          %add3A_129 = arith.constant 0 : i32
          %add3A_130 = arith.addi %add3A_129, %mul3A_128 : i32
          %mul3A_131 = arith.constant 16 : i32
          %mul3A_132 = arith.muli %add3A_130, %mul3A_131 : i32
          %get3A_133 = arith.index_cast %add3A_90 : i32 to index
          %get3A_134 = arith.index_cast %mul3A_132 : i32 to index
          %get3A_135 = tpu.vector_load %arg14[%get3A_133, %get3A_134] {strides = array<i32>} : memref<16x1024xf32, #tpu.memory_space<vmem>>, vector<1x16xf32>,
          %get3A_136 = vector.shape_cast %get3A_135 : vector<1x16xf32> to vector<16xf32>
          %mul3A_137 = arith.mulf %get3A_93, %get3A_136 : vector<16xf32>
          %get3A_138 = arith.index_cast %add3A_90 : i32 to index
          %get3A_139 = arith.index_cast %mul3A_132 : i32 to index
          %get3A_140 = tpu.vector_load %arg15[%get3A_138, %get3A_139] {strides = array<i32>} : memref<16x1024xf32, #tpu.memory_space<vmem>>, vector<1x16xf32>,
          %get3A_141 = vector.shape_cast %get3A_140 : vector<1x16xf32> to vector<16xf32>
          %mul3A_142 = arith.mulf %get3A_97, %get3A_141 : vector<16xf32>
          %add3A_143 = arith.addf %mul3A_137, %mul3A_142 : vector<16xf32>
          %swap3A_144 = arith.index_cast %add3A_90 : i32 to index
          %swap3A_145 = arith.index_cast %mul3A_132 : i32 to index
          %swap3A_146 = tpu.vector_load %arg16[%swap3A_144, %swap3A_145] {strides = array<i32>} : memref<16x1024xf32, #tpu.memory_space<vmem>>, vector<1x16xf32>,
          %swap3A_147 = vector.shape_cast %swap3A_146 : vector<1x16xf32> to vector<16xf32>
          %swap3A_148 = vector.shape_cast %add3A_143 : vector<16xf32> to vector<1x16xf32>
          tpu.vector_store %arg16[%swap3A_144, %swap3A_145], %swap3A_148 {strides = array<i32>} : memref<16x1024xf32, #tpu.memory_space<vmem>>, vector<1x16xf32>,
          %scan3A_149 = arith.constant 2 : i32
          %scan3A_150 = arith.addi %scan3A_103, %scan3A_149 : i32
          %mul3A_151 = arith.constant 1 : i32
          %mul3A_152 = arith.muli %scan3A_150, %mul3A_151 : i32
          %add3A_153 = arith.constant 0 : i32
          %add3A_154 = arith.addi %add3A_153, %mul3A_152 : i32
          %mul3A_155 = arith.constant 16 : i32
          %mul3A_156 = arith.muli %add3A_154, %mul3A_155 : i32
          %get3A_157 = arith.index_cast %add3A_90 : i32 to index
          %get3A_158 = arith.index_cast %mul3A_156 : i32 to index
          %get3A_159 = tpu.vector_load %arg14[%get3A_157, %get3A_158] {strides = array<i32>} : memref<16x1024xf32, #tpu.memory_space<vmem>>, vector<1x16xf32>,
          %get3A_160 = vector.shape_cast %get3A_159 : vector<1x16xf32> to vector<16xf32>
          %mul3A_161 = arith.mulf %get3A_93, %get3A_160 : vector<16xf32>
          %get3A_162 = arith.index_cast %add3A_90 : i32 to index
          %get3A_163 = arith.index_cast %mul3A_156 : i32 to index
          %get3A_164 = tpu.vector_load %arg15[%get3A_162, %get3A_163] {strides = array<i32>} : memref<16x1024xf32, #tpu.memory_space<vmem>>, vector<1x16xf32>,
          %get3A_165 = vector.shape_cast %get3A_164 : vector<1x16xf32> to vector<16xf32>
          %mul3A_166 = arith.mulf %get3A_97, %get3A_165 : vector<16xf32>
          %add3A_167 = arith.addf %mul3A_161, %mul3A_166 : vector<16xf32>
          %swap3A_168 = arith.index_cast %add3A_90 : i32 to index
          %swap3A_169 = arith.index_cast %mul3A_156 : i32 to index
          %swap3A_170 = tpu.vector_load %arg16[%swap3A_168, %swap3A_169] {strides = array<i32>} : memref<16x1024xf32, #tpu.memory_space<vmem>>, vector<1x16xf32>,
          %swap3A_171 = vector.shape_cast %swap3A_170 : vector<1x16xf32> to vector<16xf32>
          %swap3A_172 = vector.shape_cast %add3A_167 : vector<16xf32> to vector<1x16xf32>
          tpu.vector_store %arg16[%swap3A_168, %swap3A_169], %swap3A_172 {strides = array<i32>} : memref<16x1024xf32, #tpu.memory_space<vmem>>, vector<1x16xf32>,
          %scan3A_173 = arith.constant 3 : i32
          %scan3A_174 = arith.addi %scan3A_103, %scan3A_173 : i32
          %mul3A_175 = arith.constant 1 : i32
          %mul3A_176 = arith.muli %scan3A_174, %mul3A_175 : i32
          %add3A_177 = arith.constant 0 : i32
          %add3A_178 = arith.addi %add3A_177, %mul3A_176 : i32
          %mul3A_179 = arith.constant 16 : i32
          %mul3A_180 = arith.muli %add3A_178, %mul3A_179 : i32
          %get3A_181 = arith.index_cast %add3A_90 : i32 to index
          %get3A_182 = arith.index_cast %mul3A_180 : i32 to index
          %get3A_183 = tpu.vector_load %arg14[%get3A_181, %get3A_182] {strides = array<i32>} : memref<16x1024xf32, #tpu.memory_space<vmem>>, vector<1x16xf32>,
          %get3A_184 = vector.shape_cast %get3A_183 : vector<1x16xf32> to vector<16xf32>
          %mul3A_185 = arith.mulf %get3A_93, %get3A_184 : vector<16xf32>
          %get3A_186 = arith.index_cast %add3A_90 : i32 to index
          %get3A_187 = arith.index_cast %mul3A_180 : i32 to index
          %get3A_188 = tpu.vector_load %arg15[%get3A_186, %get3A_187] {strides = array<i32>} : memref<16x1024xf32, #tpu.memory_space<vmem>>, vector<1x16xf32>,
          %get3A_189 = vector.shape_cast %get3A_188 : vector<1x16xf32> to vector<16xf32>
          %mul3A_190 = arith.mulf %get3A_97, %get3A_189 : vector<16xf32>
          %add3A_191 = arith.addf %mul3A_185, %mul3A_190 : vector<16xf32>
          %swap3A_192 = arith.index_cast %add3A_90 : i32 to index
          %swap3A_193 = arith.index_cast %mul3A_180 : i32 to index
          %swap3A_194 = tpu.vector_load %arg16[%swap3A_192, %swap3A_193] {strides = array<i32>} : memref<16x1024xf32, #tpu.memory_space<vmem>>, vector<1x16xf32>,
          %swap3A_195 = vector.shape_cast %swap3A_194 : vector<1x16xf32> to vector<16xf32>
          %swap3A_196 = vector.shape_cast %add3A_191 : vector<16xf32> to vector<1x16xf32>
          tpu.vector_store %arg16[%swap3A_192, %swap3A_193], %swap3A_196 {strides = array<i32>} : memref<16x1024xf32, #tpu.memory_space<vmem>>, vector<1x16xf32>,
        }
        %scan3A_102 = arith.constant 64 : i32
      }
      %scan3A_80 = arith.constant 16 : i32
      %mul3A_81 = arith.constant 1024 : i32
      %mul3A_82 = arith.muli %add3A, %mul3A_81 : i32
      %mul3A_83 = arith.constant 16 : i32
      %mul3A_84 = arith.muli %add3A_28, %mul3A_83 : i32
      %add3A_85 = arith.addi %mul3A_82, %mul3A_84 : i32
      "tpu.region"() ({
        %run_scoped3A = tpu.sem_alloc : memref<!tpu.dma_semaphore, #tpu.memory_space<semaphore_mem>>
        %dma_start3A_86 = arith.constant 0 : i32
        %dma_start3A_87 = tpu.memref_slice %arg7[%add3A_85, %dma_start3A_86] : memref<32768x1024xf32, #tpu.memory_space<hbm>> -> memref<16x1024xf32, #tpu.memory_space<hbm>>
        %dma_start3A_88 = arith.constant 0 : i32
        %dma_start3A_89 = tpu.memref_slice %arg7[%add3A_85, %dma_start3A_88] : memref<32768x1024xf32, #tpu.memory_space<hbm>> -> memref<16x1024xf32, #tpu.memory_space<hbm>>
        tpu.enqueue_dma source(%arg16 : memref<16x1024xf32, #tpu.memory_space<vmem>>) target(%dma_start3A_89 : memref<16x1024xf32, #tpu.memory_space<hbm>>) target_semaphore(%run_scoped3A : memref<!tpu.dma_semaphore, #tpu.memory_space<semaphore_mem>>)
        %dma_wait3A_90 = arith.constant 0 : i32
        %dma_wait3A_91 = tpu.memref_slice %arg7[%add3A_85, %dma_wait3A_90] : memref<32768x1024xf32, #tpu.memory_space<hbm>> -> memref<16x1024xf32, #tpu.memory_space<hbm>>
        %dma_wait3A_92 = arith.constant 0 : i32
        %dma_wait3A_93 = tpu.memref_slice %arg7[%add3A_85, %dma_wait3A_92] : memref<32768x1024xf32, #tpu.memory_space<hbm>> -> memref<16x1024xf32, #tpu.memory_space<hbm>>
        tpu.wait_dma2 semaphore(%run_scoped3A : memref<!tpu.dma_semaphore, #tpu.memory_space<semaphore_mem>>) src(%arg16 : memref<16x1024xf32, #tpu.memory_space<vmem>>) dst(%dma_wait3A_93 : memref<16x1024xf32, #tpu.memory_space<hbm>>)
        tpu.yield
      }) : () -> ()
    }
    %scan3A_17 = arith.constant 32 : i32
    return
  }
}

#map = affine_map<(d0, d1) -> (0, 0)>
#map1 = affine_map<(d0, d1) -> (0, 0, 0)>
module attributes {stable_mosaic.version = 14 : i64} {
  func.func @_dispatch_body(%arg0: i32, %arg1: i32, %arg2: memref<32768x1024xf32, #tpu.memory_space<hbm>>, %arg3: memref<32x32x32xi32, #tpu.memory_space<hbm>>, %arg4: memref<32x32x32xi32, #tpu.memory_space<hbm>>, %arg5: memref<69632x1024xf32, #tpu.memory_space<hbm>>, %arg6: memref<32x32xi32, #tpu.memory_space<vmem>>, %arg7: memref<32x32xi32, #tpu.memory_space<vmem>>, %arg8: memref<32x1024xf32, #tpu.memory_space<vmem>>, %arg9: memref<32x1024xf32, #tpu.memory_space<vmem>>, %arg10: memref<!tpu.dma_semaphore, #tpu.memory_space<semaphore_mem>>, %arg11: memref<!tpu.dma_semaphore, #tpu.memory_space<semaphore_mem>>, %arg12: memref<!tpu.dma_semaphore, #tpu.memory_space<semaphore_mem>>, %arg13: memref<!tpu.dma_semaphore, #tpu.memory_space<semaphore_mem>>) attributes {dimension_semantics = [#tpu.dimension_semantics<core_parallel>, #tpu.dimension_semantics<subcore_parallel>], iteration_bounds = array<i64: 2, 16>, scalar_prefetch = 0 : i64, scratch_operands = 8 : i64, tpu.core_type = #tpu.core_type<sc_vector_subcore>, window_params = [{transform_indices = #map}, {transform_indices = #map1}, {transform_indices = #map1}, {transform_indices = #map}]} {
    %mul3A = arith.constant 2 : i32
    %mul3A_0 = arith.muli %arg1, %mul3A : i32
    %add3A = arith.addi %mul3A_0, %arg0 : i32
    "tpu.region"() ({
      %run_scoped3A = tpu.sem_alloc : memref<!tpu.dma_semaphore, #tpu.memory_space<semaphore_mem>>
      %dma_start3A = arith.constant 0 : i32
      %dma_start3A_18 = arith.constant 0 : i32
      %dma_start3A_19 = tpu.memref_slice %arg3[%add3A, %dma_start3A, %dma_start3A_18] : memref<32x32x32xi32, #tpu.memory_space<hbm>> -> memref<1x32x32xi32, #tpu.memory_space<hbm>>
      %dma_start3A_20 = tpu.memref_squeeze %dma_start3A_19 : memref<1x32x32xi32, #tpu.memory_space<hbm>> -> memref<32x32xi32, #tpu.memory_space<hbm>>
      %dma_start3A_21 = arith.constant 0 : i32
      %dma_start3A_22 = arith.constant 0 : i32
      %dma_start3A_23 = tpu.memref_slice %arg3[%add3A, %dma_start3A_21, %dma_start3A_22] : memref<32x32x32xi32, #tpu.memory_space<hbm>> -> memref<1x32x32xi32, #tpu.memory_space<hbm>>
      %dma_start3A_24 = tpu.memref_squeeze %dma_start3A_23 : memref<1x32x32xi32, #tpu.memory_space<hbm>> -> memref<32x32xi32, #tpu.memory_space<hbm>>
      tpu.enqueue_dma source(%dma_start3A_24 : memref<32x32xi32, #tpu.memory_space<hbm>>) target(%arg6 : memref<32x32xi32, #tpu.memory_space<vmem>>) target_semaphore(%run_scoped3A : memref<!tpu.dma_semaphore, #tpu.memory_space<semaphore_mem>>)
      %dma_wait3A_25 = arith.constant 0 : i32
      %dma_wait3A_26 = arith.constant 0 : i32
      %dma_wait3A_27 = tpu.memref_slice %arg3[%add3A, %dma_wait3A_25, %dma_wait3A_26] : memref<32x32x32xi32, #tpu.memory_space<hbm>> -> memref<1x32x32xi32, #tpu.memory_space<hbm>>
      %dma_wait3A_28 = tpu.memref_squeeze %dma_wait3A_27 : memref<1x32x32xi32, #tpu.memory_space<hbm>> -> memref<32x32xi32, #tpu.memory_space<hbm>>
      %dma_wait3A_29 = arith.constant 0 : i32
      %dma_wait3A_30 = arith.constant 0 : i32
      %dma_wait3A_31 = tpu.memref_slice %arg3[%add3A, %dma_wait3A_29, %dma_wait3A_30] : memref<32x32x32xi32, #tpu.memory_space<hbm>> -> memref<1x32x32xi32, #tpu.memory_space<hbm>>
      %dma_wait3A_32 = tpu.memref_squeeze %dma_wait3A_31 : memref<1x32x32xi32, #tpu.memory_space<hbm>> -> memref<32x32xi32, #tpu.memory_space<hbm>>
      tpu.wait_dma2 semaphore(%run_scoped3A : memref<!tpu.dma_semaphore, #tpu.memory_space<semaphore_mem>>) src(%dma_wait3A_32 : memref<32x32xi32, #tpu.memory_space<hbm>>) dst(%arg6 : memref<32x32xi32, #tpu.memory_space<vmem>>)
      tpu.yield
    }) : () -> ()
    "tpu.region"() ({
      %run_scoped3A = tpu.sem_alloc : memref<!tpu.dma_semaphore, #tpu.memory_space<semaphore_mem>>
      %dma_start3A = arith.constant 0 : i32
      %dma_start3A_18 = arith.constant 0 : i32
      %dma_start3A_19 = tpu.memref_slice %arg4[%add3A, %dma_start3A, %dma_start3A_18] : memref<32x32x32xi32, #tpu.memory_space<hbm>> -> memref<1x32x32xi32, #tpu.memory_space<hbm>>
      %dma_start3A_20 = tpu.memref_squeeze %dma_start3A_19 : memref<1x32x32xi32, #tpu.memory_space<hbm>> -> memref<32x32xi32, #tpu.memory_space<hbm>>
      %dma_start3A_21 = arith.constant 0 : i32
      %dma_start3A_22 = arith.constant 0 : i32
      %dma_start3A_23 = tpu.memref_slice %arg4[%add3A, %dma_start3A_21, %dma_start3A_22] : memref<32x32x32xi32, #tpu.memory_space<hbm>> -> memref<1x32x32xi32, #tpu.memory_space<hbm>>
      %dma_start3A_24 = tpu.memref_squeeze %dma_start3A_23 : memref<1x32x32xi32, #tpu.memory_space<hbm>> -> memref<32x32xi32, #tpu.memory_space<hbm>>
      tpu.enqueue_dma source(%dma_start3A_24 : memref<32x32xi32, #tpu.memory_space<hbm>>) target(%arg7 : memref<32x32xi32, #tpu.memory_space<vmem>>) target_semaphore(%run_scoped3A : memref<!tpu.dma_semaphore, #tpu.memory_space<semaphore_mem>>)
      %dma_wait3A_25 = arith.constant 0 : i32
      %dma_wait3A_26 = arith.constant 0 : i32
      %dma_wait3A_27 = tpu.memref_slice %arg4[%add3A, %dma_wait3A_25, %dma_wait3A_26] : memref<32x32x32xi32, #tpu.memory_space<hbm>> -> memref<1x32x32xi32, #tpu.memory_space<hbm>>
      %dma_wait3A_28 = tpu.memref_squeeze %dma_wait3A_27 : memref<1x32x32xi32, #tpu.memory_space<hbm>> -> memref<32x32xi32, #tpu.memory_space<hbm>>
      %dma_wait3A_29 = arith.constant 0 : i32
      %dma_wait3A_30 = arith.constant 0 : i32
      %dma_wait3A_31 = tpu.memref_slice %arg4[%add3A, %dma_wait3A_29, %dma_wait3A_30] : memref<32x32x32xi32, #tpu.memory_space<hbm>> -> memref<1x32x32xi32, #tpu.memory_space<hbm>>
      %dma_wait3A_32 = tpu.memref_squeeze %dma_wait3A_31 : memref<1x32x32xi32, #tpu.memory_space<hbm>> -> memref<32x32xi32, #tpu.memory_space<hbm>>
      tpu.wait_dma2 semaphore(%run_scoped3A : memref<!tpu.dma_semaphore, #tpu.memory_space<semaphore_mem>>) src(%dma_wait3A_32 : memref<32x32xi32, #tpu.memory_space<hbm>>) dst(%arg7 : memref<32x32xi32, #tpu.memory_space<vmem>>)
      tpu.yield
    }) : () -> ()
    %scan3A = arith.constant 0 : i32
    %scan3A_1 = arith.constant 16 : i32
    %scan3A_2 = arith.addi %scan3A, %scan3A_1 : i32
    %scan3A_3 = arith.constant 1 : i32
    scf.for %scan3A_18 = %scan3A to %scan3A_2 step %scan3A_3  : i32 {
      %mul3A_19 = arith.constant 1 : i32
      %mul3A_20 = arith.muli %scan3A_18, %mul3A_19 : i32
      %add3A_21 = arith.constant 0 : i32
      %add3A_22 = arith.addi %add3A_21, %mul3A_20 : i32
      %mul3A_23 = arith.constant 2 : i32
      %mul3A_24 = arith.muli %mul3A_23, %add3A_22 : i32
      %mul3A_25 = arith.constant 2 : i32
      %mul3A_26 = arith.muli %mul3A_25, %add3A_22 : i32
      %add3A_27 = arith.constant 1 : i32
      %add3A_28 = arith.addi %mul3A_26, %add3A_27 : i32
      %mul3A_29 = arith.constant 1024 : i32
      %mul3A_30 = arith.muli %add3A, %mul3A_29 : i32
      %mul3A_31 = arith.constant 32 : i32
      %mul3A_32 = arith.muli %mul3A_24, %mul3A_31 : i32
      %add3A_33 = arith.addi %mul3A_30, %mul3A_32 : i32
      "tpu.region"() ({
        %run_scoped3A = tpu.sem_alloc : memref<!tpu.dma_semaphore, #tpu.memory_space<semaphore_mem>>
        %dma_start3A_76 = arith.constant 0 : i32
        %dma_start3A_77 = tpu.memref_slice %arg2[%add3A_33, %dma_start3A_76] : memref<32768x1024xf32, #tpu.memory_space<hbm>> -> memref<32x1024xf32, #tpu.memory_space<hbm>>
        %dma_start3A_78 = arith.constant 0 : i32
        %dma_start3A_79 = tpu.memref_slice %arg2[%add3A_33, %dma_start3A_78] : memref<32768x1024xf32, #tpu.memory_space<hbm>> -> memref<32x1024xf32, #tpu.memory_space<hbm>>
        tpu.enqueue_dma source(%dma_start3A_79 : memref<32x1024xf32, #tpu.memory_space<hbm>>) target(%arg8 : memref<32x1024xf32, #tpu.memory_space<vmem>>) target_semaphore(%run_scoped3A : memref<!tpu.dma_semaphore, #tpu.memory_space<semaphore_mem>>)
        %dma_wait3A_80 = arith.constant 0 : i32
        %dma_wait3A_81 = tpu.memref_slice %arg2[%add3A_33, %dma_wait3A_80] : memref<32768x1024xf32, #tpu.memory_space<hbm>> -> memref<32x1024xf32, #tpu.memory_space<hbm>>
        %dma_wait3A_82 = arith.constant 0 : i32
        %dma_wait3A_83 = tpu.memref_slice %arg2[%add3A_33, %dma_wait3A_82] : memref<32768x1024xf32, #tpu.memory_space<hbm>> -> memref<32x1024xf32, #tpu.memory_space<hbm>>
        tpu.wait_dma2 semaphore(%run_scoped3A : memref<!tpu.dma_semaphore, #tpu.memory_space<semaphore_mem>>) src(%dma_wait3A_83 : memref<32x1024xf32, #tpu.memory_space<hbm>>) dst(%arg8 : memref<32x1024xf32, #tpu.memory_space<vmem>>)
        tpu.yield
      }) : () -> ()
      %dma_start3A = arith.constant 0 : i32
      %dma_start3A_34 = tpu.memref_slice %arg6[%mul3A_24, %dma_start3A] : memref<32x32xi32, #tpu.memory_space<vmem>> -> memref<1x32xi32, #tpu.memory_space<vmem>>
      %dma_start3A_35 = tpu.memref_squeeze %dma_start3A_34 : memref<1x32xi32, #tpu.memory_space<vmem>> -> memref<32xi32, #tpu.memory_space<vmem>>
      %dma_start3A_36 = arith.constant 0 : i32
      %dma_start3A_37 = arith.constant 0 : i32
      %dma_start3A_38 = tpu.memref_slice %arg5[%dma_start3A_36, %dma_start3A_37] : memref<69632x1024xf32, #tpu.memory_space<hbm>> -> memref<69632x1024xf32, #tpu.memory_space<hbm>>
      tpu.enqueue_indirect_dma source(%arg8 : memref<32x1024xf32, #tpu.memory_space<vmem>>) target(%dma_start3A_38 : memref<69632x1024xf32, #tpu.memory_space<hbm>>) offsets(%dma_start3A_35 : memref<32xi32, #tpu.memory_space<vmem>>) semaphore(%arg10 : memref<!tpu.dma_semaphore, #tpu.memory_space<semaphore_mem>>)
      %dma_start3A_39 = arith.constant 0 : i32
      %dma_start3A_40 = tpu.memref_slice %arg7[%mul3A_24, %dma_start3A_39] : memref<32x32xi32, #tpu.memory_space<vmem>> -> memref<1x32xi32, #tpu.memory_space<vmem>>
      %dma_start3A_41 = tpu.memref_squeeze %dma_start3A_40 : memref<1x32xi32, #tpu.memory_space<vmem>> -> memref<32xi32, #tpu.memory_space<vmem>>
      %dma_start3A_42 = arith.constant 0 : i32
      %dma_start3A_43 = arith.constant 0 : i32
      %dma_start3A_44 = tpu.memref_slice %arg5[%dma_start3A_42, %dma_start3A_43] : memref<69632x1024xf32, #tpu.memory_space<hbm>> -> memref<69632x1024xf32, #tpu.memory_space<hbm>>
      tpu.enqueue_indirect_dma source(%arg8 : memref<32x1024xf32, #tpu.memory_space<vmem>>) target(%dma_start3A_44 : memref<69632x1024xf32, #tpu.memory_space<hbm>>) offsets(%dma_start3A_41 : memref<32xi32, #tpu.memory_space<vmem>>) semaphore(%arg11 : memref<!tpu.dma_semaphore, #tpu.memory_space<semaphore_mem>>)
      %gt3A = arith.constant 0 : i32
      %gt3A_45 = arith.cmpi sgt, %add3A_22, %gt3A : i32
      %convert_element_type3A = arith.extui %gt3A_45 : i1 to i32
      %cond3A = arith.constant 0 : i32
      %cond3A_46 = arith.cmpi ne, %convert_element_type3A, %cond3A : i32
      scf.if %cond3A_46 {
        %dma_wait3A_76 = arith.constant 0 : i32
        %dma_wait3A_77 = tpu.memref_slice %arg6[%add3A_28, %dma_wait3A_76] : memref<32x32xi32, #tpu.memory_space<vmem>> -> memref<1x32xi32, #tpu.memory_space<vmem>>
        %dma_wait3A_78 = tpu.memref_squeeze %dma_wait3A_77 : memref<1x32xi32, #tpu.memory_space<vmem>> -> memref<32xi32, #tpu.memory_space<vmem>>
        %dma_wait3A_79 = arith.constant 0 : i32
        %dma_wait3A_80 = arith.constant 0 : i32
        %dma_wait3A_81 = tpu.memref_slice %arg5[%dma_wait3A_79, %dma_wait3A_80] : memref<69632x1024xf32, #tpu.memory_space<hbm>> -> memref<69632x1024xf32, #tpu.memory_space<hbm>>
        tpu.wait_indirect_dma semaphore(%arg12 : memref<!tpu.dma_semaphore, #tpu.memory_space<semaphore_mem>>) src(%arg9 : memref<32x1024xf32, #tpu.memory_space<vmem>>) dst(%dma_wait3A_81 : memref<69632x1024xf32, #tpu.memory_space<hbm>>)
        %dma_wait3A_82 = arith.constant 0 : i32
        %dma_wait3A_83 = tpu.memref_slice %arg7[%add3A_28, %dma_wait3A_82] : memref<32x32xi32, #tpu.memory_space<vmem>> -> memref<1x32xi32, #tpu.memory_space<vmem>>
        %dma_wait3A_84 = tpu.memref_squeeze %dma_wait3A_83 : memref<1x32xi32, #tpu.memory_space<vmem>> -> memref<32xi32, #tpu.memory_space<vmem>>
        %dma_wait3A_85 = arith.constant 0 : i32
        %dma_wait3A_86 = arith.constant 0 : i32
        %dma_wait3A_87 = tpu.memref_slice %arg5[%dma_wait3A_85, %dma_wait3A_86] : memref<69632x1024xf32, #tpu.memory_space<hbm>> -> memref<69632x1024xf32, #tpu.memory_space<hbm>>
        tpu.wait_indirect_dma semaphore(%arg13 : memref<!tpu.dma_semaphore, #tpu.memory_space<semaphore_mem>>) src(%arg9 : memref<32x1024xf32, #tpu.memory_space<vmem>>) dst(%dma_wait3A_87 : memref<69632x1024xf32, #tpu.memory_space<hbm>>)
      } else {
      }
      %mul3A_47 = arith.constant 1024 : i32
      %mul3A_48 = arith.muli %add3A, %mul3A_47 : i32
      %mul3A_49 = arith.constant 32 : i32
      %mul3A_50 = arith.muli %add3A_28, %mul3A_49 : i32
      %add3A_51 = arith.addi %mul3A_48, %mul3A_50 : i32
      "tpu.region"() ({
        %run_scoped3A = tpu.sem_alloc : memref<!tpu.dma_semaphore, #tpu.memory_space<semaphore_mem>>
        %dma_start3A_76 = arith.constant 0 : i32
        %dma_start3A_77 = tpu.memref_slice %arg2[%add3A_51, %dma_start3A_76] : memref<32768x1024xf32, #tpu.memory_space<hbm>> -> memref<32x1024xf32, #tpu.memory_space<hbm>>
        %dma_start3A_78 = arith.constant 0 : i32
        %dma_start3A_79 = tpu.memref_slice %arg2[%add3A_51, %dma_start3A_78] : memref<32768x1024xf32, #tpu.memory_space<hbm>> -> memref<32x1024xf32, #tpu.memory_space<hbm>>
        tpu.enqueue_dma source(%dma_start3A_79 : memref<32x1024xf32, #tpu.memory_space<hbm>>) target(%arg9 : memref<32x1024xf32, #tpu.memory_space<vmem>>) target_semaphore(%run_scoped3A : memref<!tpu.dma_semaphore, #tpu.memory_space<semaphore_mem>>)
        %dma_wait3A_80 = arith.constant 0 : i32
        %dma_wait3A_81 = tpu.memref_slice %arg2[%add3A_51, %dma_wait3A_80] : memref<32768x1024xf32, #tpu.memory_space<hbm>> -> memref<32x1024xf32, #tpu.memory_space<hbm>>
        %dma_wait3A_82 = arith.constant 0 : i32
        %dma_wait3A_83 = tpu.memref_slice %arg2[%add3A_51, %dma_wait3A_82] : memref<32768x1024xf32, #tpu.memory_space<hbm>> -> memref<32x1024xf32, #tpu.memory_space<hbm>>
        tpu.wait_dma2 semaphore(%run_scoped3A : memref<!tpu.dma_semaphore, #tpu.memory_space<semaphore_mem>>) src(%dma_wait3A_83 : memref<32x1024xf32, #tpu.memory_space<hbm>>) dst(%arg9 : memref<32x1024xf32, #tpu.memory_space<vmem>>)
        tpu.yield
      }) : () -> ()
      %dma_wait3A_52 = arith.constant 0 : i32
      %dma_wait3A_53 = tpu.memref_slice %arg6[%mul3A_24, %dma_wait3A_52] : memref<32x32xi32, #tpu.memory_space<vmem>> -> memref<1x32xi32, #tpu.memory_space<vmem>>
      %dma_wait3A_54 = tpu.memref_squeeze %dma_wait3A_53 : memref<1x32xi32, #tpu.memory_space<vmem>> -> memref<32xi32, #tpu.memory_space<vmem>>
      %dma_wait3A_55 = arith.constant 0 : i32
      %dma_wait3A_56 = arith.constant 0 : i32
      %dma_wait3A_57 = tpu.memref_slice %arg5[%dma_wait3A_55, %dma_wait3A_56] : memref<69632x1024xf32, #tpu.memory_space<hbm>> -> memref<69632x1024xf32, #tpu.memory_space<hbm>>
      tpu.wait_indirect_dma semaphore(%arg10 : memref<!tpu.dma_semaphore, #tpu.memory_space<semaphore_mem>>) src(%arg8 : memref<32x1024xf32, #tpu.memory_space<vmem>>) dst(%dma_wait3A_57 : memref<69632x1024xf32, #tpu.memory_space<hbm>>)
      %dma_wait3A_58 = arith.constant 0 : i32
      %dma_wait3A_59 = tpu.memref_slice %arg7[%mul3A_24, %dma_wait3A_58] : memref<32x32xi32, #tpu.memory_space<vmem>> -> memref<1x32xi32, #tpu.memory_space<vmem>>
      %dma_wait3A_60 = tpu.memref_squeeze %dma_wait3A_59 : memref<1x32xi32, #tpu.memory_space<vmem>> -> memref<32xi32, #tpu.memory_space<vmem>>
      %dma_wait3A_61 = arith.constant 0 : i32
      %dma_wait3A_62 = arith.constant 0 : i32
      %dma_wait3A_63 = tpu.memref_slice %arg5[%dma_wait3A_61, %dma_wait3A_62] : memref<69632x1024xf32, #tpu.memory_space<hbm>> -> memref<69632x1024xf32, #tpu.memory_space<hbm>>
      tpu.wait_indirect_dma semaphore(%arg11 : memref<!tpu.dma_semaphore, #tpu.memory_space<semaphore_mem>>) src(%arg8 : memref<32x1024xf32, #tpu.memory_space<vmem>>) dst(%dma_wait3A_63 : memref<69632x1024xf32, #tpu.memory_space<hbm>>)
      %dma_start3A_64 = arith.constant 0 : i32
      %dma_start3A_65 = tpu.memref_slice %arg6[%add3A_28, %dma_start3A_64] : memref<32x32xi32, #tpu.memory_space<vmem>> -> memref<1x32xi32, #tpu.memory_space<vmem>>
      %dma_start3A_66 = tpu.memref_squeeze %dma_start3A_65 : memref<1x32xi32, #tpu.memory_space<vmem>> -> memref<32xi32, #tpu.memory_space<vmem>>
      %dma_start3A_67 = arith.constant 0 : i32
      %dma_start3A_68 = arith.constant 0 : i32
      %dma_start3A_69 = tpu.memref_slice %arg5[%dma_start3A_67, %dma_start3A_68] : memref<69632x1024xf32, #tpu.memory_space<hbm>> -> memref<69632x1024xf32, #tpu.memory_space<hbm>>
      tpu.enqueue_indirect_dma source(%arg9 : memref<32x1024xf32, #tpu.memory_space<vmem>>) target(%dma_start3A_69 : memref<69632x1024xf32, #tpu.memory_space<hbm>>) offsets(%dma_start3A_66 : memref<32xi32, #tpu.memory_space<vmem>>) semaphore(%arg12 : memref<!tpu.dma_semaphore, #tpu.memory_space<semaphore_mem>>)
      %dma_start3A_70 = arith.constant 0 : i32
      %dma_start3A_71 = tpu.memref_slice %arg7[%add3A_28, %dma_start3A_70] : memref<32x32xi32, #tpu.memory_space<vmem>> -> memref<1x32xi32, #tpu.memory_space<vmem>>
      %dma_start3A_72 = tpu.memref_squeeze %dma_start3A_71 : memref<1x32xi32, #tpu.memory_space<vmem>> -> memref<32xi32, #tpu.memory_space<vmem>>
      %dma_start3A_73 = arith.constant 0 : i32
      %dma_start3A_74 = arith.constant 0 : i32
      %dma_start3A_75 = tpu.memref_slice %arg5[%dma_start3A_73, %dma_start3A_74] : memref<69632x1024xf32, #tpu.memory_space<hbm>> -> memref<69632x1024xf32, #tpu.memory_space<hbm>>
      tpu.enqueue_indirect_dma source(%arg9 : memref<32x1024xf32, #tpu.memory_space<vmem>>) target(%dma_start3A_75 : memref<69632x1024xf32, #tpu.memory_space<hbm>>) offsets(%dma_start3A_72 : memref<32xi32, #tpu.memory_space<vmem>>) semaphore(%arg13 : memref<!tpu.dma_semaphore, #tpu.memory_space<semaphore_mem>>)
    }
    %scan3A_4 = arith.constant 16 : i32
    %dma_wait3A = arith.constant 31 : i32
    %dma_wait3A_5 = arith.constant 0 : i32
    %dma_wait3A_6 = tpu.memref_slice %arg6[%dma_wait3A, %dma_wait3A_5] : memref<32x32xi32, #tpu.memory_space<vmem>> -> memref<1x32xi32, #tpu.memory_space<vmem>>
    %dma_wait3A_7 = tpu.memref_squeeze %dma_wait3A_6 : memref<1x32xi32, #tpu.memory_space<vmem>> -> memref<32xi32, #tpu.memory_space<vmem>>
    %dma_wait3A_8 = arith.constant 0 : i32
    %dma_wait3A_9 = arith.constant 0 : i32
    %dma_wait3A_10 = tpu.memref_slice %arg5[%dma_wait3A_8, %dma_wait3A_9] : memref<69632x1024xf32, #tpu.memory_space<hbm>> -> memref<69632x1024xf32, #tpu.memory_space<hbm>>
    tpu.wait_indirect_dma semaphore(%arg12 : memref<!tpu.dma_semaphore, #tpu.memory_space<semaphore_mem>>) src(%arg9 : memref<32x1024xf32, #tpu.memory_space<vmem>>) dst(%dma_wait3A_10 : memref<69632x1024xf32, #tpu.memory_space<hbm>>)
    %dma_wait3A_11 = arith.constant 31 : i32
    %dma_wait3A_12 = arith.constant 0 : i32
    %dma_wait3A_13 = tpu.memref_slice %arg7[%dma_wait3A_11, %dma_wait3A_12] : memref<32x32xi32, #tpu.memory_space<vmem>> -> memref<1x32xi32, #tpu.memory_space<vmem>>
    %dma_wait3A_14 = tpu.memref_squeeze %dma_wait3A_13 : memref<1x32xi32, #tpu.memory_space<vmem>> -> memref<32xi32, #tpu.memory_space<vmem>>
    %dma_wait3A_15 = arith.constant 0 : i32
    %dma_wait3A_16 = arith.constant 0 : i32
    %dma_wait3A_17 = tpu.memref_slice %arg5[%dma_wait3A_15, %dma_wait3A_16] : memref<69632x1024xf32, #tpu.memory_space<hbm>> -> memref<69632x1024xf32, #tpu.memory_space<hbm>>
    tpu.wait_indirect_dma semaphore(%arg13 : memref<!tpu.dma_semaphore, #tpu.memory_space<semaphore_mem>>) src(%arg9 : memref<32x1024xf32, #tpu.memory_space<vmem>>) dst(%dma_wait3A_17 : memref<69632x1024xf32, #tpu.memory_space<hbm>>)
    return
  }
}

module attributes {stable_mosaic.version = 14 : i64} {
  func.func @_router_body(%arg0: i32, %arg1: memref<1024x1024xf32, #tpu.memory_space<vmem>>, %arg2: memref<16x1024xf32, #tpu.memory_space<vmem>>, %arg3: memref<1x16xf32, #tpu.memory_space<vmem>>, %arg4: memref<1024x1xi32, #tpu.memory_space<vmem>>, %arg5: memref<1024x1xi32, #tpu.memory_space<vmem>>, %arg6: memref<1024x16xf32, #tpu.memory_space<vmem>>, %arg7: memref<1024x16xf32, #tpu.memory_space<vmem>>) attributes {dimension_semantics = [#tpu.dimension_semantics<arbitrary>], iteration_bounds = array<i64: 32>, scalar_prefetch = 0 : i64, scratch_operands = 0 : i64, tpu.core_type = #tpu.core_type<tc>, window_params = [{transform_indices = @transform_0, window_bounds = array<i64: 1024, 1024>}, {pipeline_mode = #tpu.pipeline_mode<synchronous>, transform_indices = @transform_1, window_bounds = array<i64: 16, 1024>}, {pipeline_mode = #tpu.pipeline_mode<synchronous>, transform_indices = @transform_2, window_bounds = array<i64: 1, 16>}, {transform_indices = @transform_3, window_bounds = array<i64: 1024, 1>}, {transform_indices = @transform_4, window_bounds = array<i64: 1024, 1>}, {transform_indices = @transform_5, window_bounds = array<i64: 1024, 16>}, {transform_indices = @transform_6, window_bounds = array<i64: 1024, 16>}]} {
    %get3A = arith.constant 0 : index
    %get3A_0 = arith.constant 0 : index
    %get3A_1 = vector.load %arg1[%get3A, %get3A_0] : memref<1024x1024xf32, #tpu.memory_space<vmem>>, vector<1024x1024xf32>
    %get3A_2 = arith.constant 0 : index
    %get3A_3 = arith.constant 0 : index
    %get3A_4 = vector.load %arg2[%get3A_2, %get3A_3] : memref<16x1024xf32, #tpu.memory_space<vmem>>, vector<16x1024xf32>
    %dot_general3A = arith.constant dense<0.000000e+00> : vector<1024x16xf32>
    %dot_general3A_5 = tpu.matmul %get3A_1, %get3A_4, %dot_general3A {dimension_numbers = #tpu.dot_dimension_numbers<[1], [1], [0], [0], [0, 0, 1, 0], [], []>, transpose_lhs_hint = false} : vector<1024x1024xf32>, vector<16x1024xf32>, vector<1024x16xf32> -> vector<1024x16xf32>
    %get3A_6 = arith.constant 0 : index
    %get3A_7 = arith.constant 0 : index
    %get3A_8 = vector.load %arg3[%get3A_6, %get3A_7] : memref<1x16xf32, #tpu.memory_space<vmem>>, vector<1x16xf32>
    %add3A = vector.broadcast %get3A_8 : vector<1x16xf32> to vector<1024x16xf32>
    %add3A_9 = arith.addf %dot_general3A_5, %add3A : vector<1024x16xf32>
    %iota3A = tpu.iota {dimensions = array<i32: 1>} : vector<1024x16xi32>
    %reduce_max3A = arith.constant dense<0xFF800000> : vector<1024xf32>
    %reduce_max3A_10 = vector.multi_reduction <maximumf>, %add3A_9, %reduce_max3A [1] : vector<1024x16xf32> to vector<1024xf32>
    %broadcast_in_dim3A = vector.shape_cast %reduce_max3A_10 : vector<1024xf32> to vector<1024x1xf32>
    %eq3A = vector.broadcast %broadcast_in_dim3A : vector<1024x1xf32> to vector<1024x16xf32>
    %eq3A_11 = arith.cmpf oeq, %add3A_9, %eq3A : vector<1024x16xf32>
    %jit3A = arith.constant 16 : i32
    %broadcast_in_dim3A_12 = vector.broadcast %jit3A : i32 to vector<1024x16xi32>
    %select_n3A = arith.select %eq3A_11, %iota3A, %broadcast_in_dim3A_12 : vector<1024x16xi1>, vector<1024x16xi32>
    %reduce_min3A = arith.constant dense<2147483647> : vector<1024xi32>
    %reduce_min3A_13 = vector.multi_reduction <minsi>, %select_n3A, %reduce_min3A [1] : vector<1024x16xi32> to vector<1024xi32>
    %broadcast_in_dim3A_14 = vector.shape_cast %reduce_min3A_13 : vector<1024xi32> to vector<1024x1xi32>
    %eq3A_15 = vector.broadcast %broadcast_in_dim3A_14 : vector<1024x1xi32> to vector<1024x16xi32>
    %eq3A_16 = arith.cmpi eq, %iota3A, %eq3A_15 : vector<1024x16xi32>
    %jit3A_17 = arith.constant -1.000000e+30 : f32
    %broadcast_in_dim3A_18 = vector.broadcast %jit3A_17 : f32 to vector<1024x16xf32>
    %select_n3A_19 = arith.select %eq3A_16, %broadcast_in_dim3A_18, %add3A_9 : vector<1024x16xi1>, vector<1024x16xf32>
    %reduce_max3A_20 = arith.constant dense<0xFF800000> : vector<1024xf32>
    %reduce_max3A_21 = vector.multi_reduction <maximumf>, %select_n3A_19, %reduce_max3A_20 [1] : vector<1024x16xf32> to vector<1024xf32>
    %broadcast_in_dim3A_22 = vector.shape_cast %reduce_max3A_21 : vector<1024xf32> to vector<1024x1xf32>
    %eq3A_23 = vector.broadcast %broadcast_in_dim3A_22 : vector<1024x1xf32> to vector<1024x16xf32>
    %eq3A_24 = arith.cmpf oeq, %select_n3A_19, %eq3A_23 : vector<1024x16xf32>
    %jit3A_25 = arith.constant 16 : i32
    %broadcast_in_dim3A_26 = vector.broadcast %jit3A_25 : i32 to vector<1024x16xi32>
    %select_n3A_27 = arith.select %eq3A_24, %iota3A, %broadcast_in_dim3A_26 : vector<1024x16xi1>, vector<1024x16xi32>
    %reduce_min3A_28 = arith.constant dense<2147483647> : vector<1024xi32>
    %reduce_min3A_29 = vector.multi_reduction <minsi>, %select_n3A_27, %reduce_min3A_28 [1] : vector<1024x16xi32> to vector<1024xi32>
    %broadcast_in_dim3A_30 = vector.shape_cast %reduce_min3A_29 : vector<1024xi32> to vector<1024x1xi32>
    %sub3A = arith.subf %broadcast_in_dim3A_22, %broadcast_in_dim3A : vector<1024x1xf32>
    %exp3A = math.exp %sub3A : vector<1024x1xf32>
    %add3A_31 = arith.constant 1.000000e+00 : f32
    %add3A_32 = vector.broadcast %add3A_31 : f32 to vector<1024x1xf32>
    %add3A_33 = arith.addf %add3A_32, %exp3A : vector<1024x1xf32>
    %div3A = arith.constant 1.000000e+00 : f32
    %div3A_34 = vector.broadcast %div3A : f32 to vector<1024x1xf32>
    %div3A_35 = arith.divf %div3A_34, %add3A_33 : vector<1024x1xf32>
    %swap3A = arith.constant 0 : index
    %swap3A_36 = arith.constant 0 : index
    %swap3A_37 = vector.load %arg4[%swap3A, %swap3A_36] : memref<1024x1xi32, #tpu.memory_space<vmem>>, vector<1024x1xi32>
    tpu.vector_store %arg4[%swap3A, %swap3A_36], %broadcast_in_dim3A_14 {strides = array<i32>} : memref<1024x1xi32, #tpu.memory_space<vmem>>, vector<1024x1xi32>,
    %swap3A_38 = arith.constant 0 : index
    %swap3A_39 = arith.constant 0 : index
    %swap3A_40 = vector.load %arg5[%swap3A_38, %swap3A_39] : memref<1024x1xi32, #tpu.memory_space<vmem>>, vector<1024x1xi32>
    tpu.vector_store %arg5[%swap3A_38, %swap3A_39], %broadcast_in_dim3A_30 {strides = array<i32>} : memref<1024x1xi32, #tpu.memory_space<vmem>>, vector<1024x1xi32>,
    %broadcast_in_dim3A_41 = vector.shape_cast %div3A_35 : vector<1024x1xf32> to vector<1024x1xf32>
    %broadcast_in_dim3A_42 = vector.broadcast %broadcast_in_dim3A_41 : vector<1024x1xf32> to vector<1024x16xf32>
    %swap3A_43 = arith.constant 0 : index
    %swap3A_44 = arith.constant 0 : index
    %swap3A_45 = vector.load %arg6[%swap3A_43, %swap3A_44] : memref<1024x16xf32, #tpu.memory_space<vmem>>, vector<1024x16xf32>
    tpu.vector_store %arg6[%swap3A_43, %swap3A_44], %broadcast_in_dim3A_42 {strides = array<i32>} : memref<1024x16xf32, #tpu.memory_space<vmem>>, vector<1024x16xf32>,
    %sub3A_46 = arith.constant 1.000000e+00 : f32
    %sub3A_47 = vector.broadcast %sub3A_46 : f32 to vector<1024x1xf32>
    %sub3A_48 = arith.subf %sub3A_47, %div3A_35 : vector<1024x1xf32>
    %broadcast_in_dim3A_49 = vector.shape_cast %sub3A_48 : vector<1024x1xf32> to vector<1024x1xf32>
    %broadcast_in_dim3A_50 = vector.broadcast %broadcast_in_dim3A_49 : vector<1024x1xf32> to vector<1024x16xf32>
    %swap3A_51 = arith.constant 0 : index
    %swap3A_52 = arith.constant 0 : index
    %swap3A_53 = vector.load %arg7[%swap3A_51, %swap3A_52] : memref<1024x16xf32, #tpu.memory_space<vmem>>, vector<1024x16xf32>
    tpu.vector_store %arg7[%swap3A_51, %swap3A_52], %broadcast_in_dim3A_50 {strides = array<i32>} : memref<1024x16xf32, #tpu.memory_space<vmem>>, vector<1024x16xf32>,
    return
  }
  func.func @transform_0(%arg0: i32) -> (i32, i32) {
    %c0_i32 = arith.constant 0 : i32
    %c0_i32_0 = arith.constant 0 : i32
    return %arg0, %c0_i32 : i32, i32
  }
  func.func @transform_1(%arg0: i32) -> (i32, i32) {
    %c0_i32 = arith.constant 0 : i32
    %c0_i32_0 = arith.constant 0 : i32
    %c0_i32_1 = arith.constant 0 : i32
    return %c0_i32, %c0_i32_0 : i32, i32
  }
  func.func @transform_2(%arg0: i32) -> (i32, i32) {
    %c0_i32 = arith.constant 0 : i32
    %c0_i32_0 = arith.constant 0 : i32
    %c0_i32_1 = arith.constant 0 : i32
    return %c0_i32, %c0_i32_0 : i32, i32
  }
  func.func @transform_3(%arg0: i32) -> (i32, i32) {
    %c0_i32 = arith.constant 0 : i32
    %c0_i32_0 = arith.constant 0 : i32
    return %arg0, %c0_i32 : i32, i32
  }
  func.func @transform_4(%arg0: i32) -> (i32, i32) {
    %c0_i32 = arith.constant 0 : i32
    %c0_i32_0 = arith.constant 0 : i32
    return %arg0, %c0_i32 : i32, i32
  }
  func.func @transform_5(%arg0: i32) -> (i32, i32) {
    %c0_i32 = arith.constant 0 : i32
    %c0_i32_0 = arith.constant 0 : i32
    return %arg0, %c0_i32 : i32, i32
  }
  func.func @transform_6(%arg0: i32) -> (i32, i32) {
    %c0_i32 = arith.constant 0 : i32
    %c0_i32_0 = arith.constant 0 : i32
    return %arg0, %c0_i32 : i32, i32
  }
}

module attributes {stable_mosaic.version = 14 : i64} {
  func.func @_sortmeta_body(%arg0: memref<512x128xi32, #tpu.memory_space<vmem>>, %arg1: memref<512x128xi32, #tpu.memory_space<vmem>>, %arg2: memref<1x512xi32, #tpu.memory_space<vmem>>) attributes {dimension_semantics = [], scalar_prefetch = 0 : i64, scratch_operands = 0 : i64, tpu.core_type = #tpu.core_type<tc>} {
    %get3A = arith.constant 0 : index
    %get3A_0 = arith.constant 0 : index
    %get3A_1 = vector.load %arg0[%get3A, %get3A_0] : memref<512x128xi32, #tpu.memory_space<vmem>>, vector<512x128xi32>
    %iota3A = tpu.iota {dimensions = array<i32: 0>} : vector<128x128xi32>
    %iota3A_2 = tpu.iota {dimensions = array<i32: 1>} : vector<128x128xi32>
    %lt3A = arith.cmpi slt, %iota3A, %iota3A_2 : vector<128x128xi32>
    %convert_element_type3A = arith.extui %lt3A : vector<128x128xi1> to vector<128x128xi32>
    %convert_element_type3A_3 = arith.sitofp %convert_element_type3A : vector<128x128xi32> to vector<128x128xf32>
    %iota3A_4 = tpu.iota {dimensions = array<i32: 0>} : vector<512x512xi32>
    %iota3A_5 = tpu.iota {dimensions = array<i32: 1>} : vector<512x512xi32>
    %gt3A = arith.cmpi sgt, %iota3A_4, %iota3A_5 : vector<512x512xi32>
    %convert_element_type3A_6 = arith.extui %gt3A : vector<512x512xi1> to vector<512x512xi32>
    %convert_element_type3A_7 = arith.sitofp %convert_element_type3A_6 : vector<512x512xi32> to vector<512x512xf32>
    %iota3A_8 = tpu.iota {dimensions = array<i32: 1>} : vector<1x512xi32>
    %convert_element_type3A_9 = arith.sitofp %iota3A_8 : vector<1x512xi32> to vector<1x512xf32>
    %mul3A = arith.constant 2.560000e+02 : f32
    %mul3A_10 = vector.broadcast %mul3A : f32 to vector<1x512xf32>
    %mul3A_11 = arith.mulf %convert_element_type3A_9, %mul3A_10 : vector<1x512xf32>
    %broadcast_in_dim3A = arith.constant 0.000000e+00 : f32
    %broadcast_in_dim3A_12 = vector.broadcast %broadcast_in_dim3A : f32 to vector<512x128xf32>
    %broadcast_in_dim3A_13 = arith.constant 0.000000e+00 : f32
    %broadcast_in_dim3A_14 = vector.broadcast %broadcast_in_dim3A_13 : f32 to vector<1x512xf32>
    %eq3A = arith.constant 0 : i32
    %eq3A_15 = vector.broadcast %eq3A : i32 to vector<512x128xi32>
    %eq3A_16 = arith.cmpi eq, %get3A_1, %eq3A_15 : vector<512x128xi32>
    %convert_element_type3A_17 = arith.extui %eq3A_16 : vector<512x128xi1> to vector<512x128xi32>
    %convert_element_type3A_18 = arith.sitofp %convert_element_type3A_17 : vector<512x128xi32> to vector<512x128xf32>
    %dot_general3A = arith.constant dense<0.000000e+00> : vector<512x128xf32>
    %dot_general3A_19 = tpu.matmul %convert_element_type3A_18, %convert_element_type3A_3, %dot_general3A {dimension_numbers = #tpu.dot_dimension_numbers<[1], [0], [0], [1], [0, 0, 1, 1], [], []>, precision = #tpu.contract_precision<fp32>, transpose_lhs_hint = false} : vector<512x128xf32>, vector<128x128xf32>, vector<512x128xf32> -> vector<512x128xf32>
    %reduce_sum3A = arith.constant dense<0.000000e+00> : vector<512xf32>
    %reduce_sum3A_20 = vector.multi_reduction <add>, %convert_element_type3A_18, %reduce_sum3A [1] : vector<512x128xf32> to vector<512xf32>
    %broadcast_in_dim3A_21 = vector.shape_cast %reduce_sum3A_20 : vector<512xf32> to vector<512x1xf32>
    %broadcast_in_dim3A_22 = vector.shape_cast %broadcast_in_dim3A_21 : vector<512x1xf32> to vector<512x1xf32>
    %broadcast_in_dim3A_23 = vector.broadcast %broadcast_in_dim3A_22 : vector<512x1xf32> to vector<512x128xf32>
    %dot_general3A_24 = arith.constant dense<0.000000e+00> : vector<512x128xf32>
    %dot_general3A_25 = tpu.matmul %convert_element_type3A_7, %broadcast_in_dim3A_23, %dot_general3A_24 {dimension_numbers = #tpu.dot_dimension_numbers<[1], [0], [0], [1], [0, 0, 1, 1], [], []>, precision = #tpu.contract_precision<fp32>, transpose_lhs_hint = false} : vector<512x512xf32>, vector<512x128xf32>, vector<512x128xf32> -> vector<512x128xf32>
    %add3A = arith.addf %dot_general3A_19, %dot_general3A_25 : vector<512x128xf32>
    %reduce_sum3A_26 = vector.shape_cast %broadcast_in_dim3A_21 : vector<512x1xf32> to vector<1x512x1xf32>
    %reduce_sum3A_27 = arith.constant dense<0.000000e+00> : vector<1xf32>
    %reduce_sum3A_28 = vector.multi_reduction <add>, %reduce_sum3A_26, %reduce_sum3A_27 [1, 2] : vector<1x512x1xf32> to vector<1xf32>
    %reduce_sum3A_29 = vector.shape_cast %reduce_sum3A_28 : vector<1xf32> to vector<1x1x1xf32>
    %reduce_sum3A_30 = vector.extract %reduce_sum3A_29[0, 0, 0] : f32 from vector<1x1x1xf32>
    %gt3A_31 = arith.constant 0.000000e+00 : f32
    %gt3A_32 = vector.broadcast %gt3A_31 : f32 to vector<512x128xf32>
    %gt3A_33 = arith.cmpf ogt, %convert_element_type3A_18, %gt3A_32 : vector<512x128xf32>
    %add3A_34 = arith.constant 0.000000e+00 : f32
    %add3A_35 = vector.broadcast %add3A_34 : f32 to vector<512x128xf32>
    %add3A_36 = arith.addf %add3A_35, %add3A : vector<512x128xf32>
    %select_n3A = arith.select %gt3A_33, %add3A_36, %broadcast_in_dim3A_12 : vector<512x128xi1>, vector<512x128xf32>
    %ge3A = arith.constant 0.000000e+00 : f32
    %ge3A_37 = vector.broadcast %ge3A : f32 to vector<1x512xf32>
    %ge3A_38 = arith.cmpf oge, %mul3A_11, %ge3A_37 : vector<1x512xf32>
    %convert_element_type3A_39 = arith.extui %ge3A_38 : vector<1x512xi1> to vector<1x512xi32>
    %convert_element_type3A_40 = arith.sitofp %convert_element_type3A_39 : vector<1x512xi32> to vector<1x512xf32>
    %add3A_41 = arith.addf %broadcast_in_dim3A_14, %convert_element_type3A_40 : vector<1x512xf32>
    %div3A = arith.constant 2.560000e+02 : f32
    %div3A_42 = arith.divf %reduce_sum3A_30, %div3A : f32
    %ceil3A = math.ceil %div3A_42 : f32
    %mul3A_43 = arith.constant 2.560000e+02 : f32
    %mul3A_44 = arith.mulf %ceil3A, %mul3A_43 : f32
    %add3A_45 = arith.constant 0.000000e+00 : f32
    %add3A_46 = arith.addf %add3A_45, %mul3A_44 : f32
    %eq3A_47 = arith.constant 1 : i32
    %eq3A_48 = vector.broadcast %eq3A_47 : i32 to vector<512x128xi32>
    %eq3A_49 = arith.cmpi eq, %get3A_1, %eq3A_48 : vector<512x128xi32>
    %convert_element_type3A_50 = arith.extui %eq3A_49 : vector<512x128xi1> to vector<512x128xi32>
    %convert_element_type3A_51 = arith.sitofp %convert_element_type3A_50 : vector<512x128xi32> to vector<512x128xf32>
    %dot_general3A_52 = arith.constant dense<0.000000e+00> : vector<512x128xf32>
    %dot_general3A_53 = tpu.matmul %convert_element_type3A_51, %convert_element_type3A_3, %dot_general3A_52 {dimension_numbers = #tpu.dot_dimension_numbers<[1], [0], [0], [1], [0, 0, 1, 1], [], []>, precision = #tpu.contract_precision<fp32>, transpose_lhs_hint = false} : vector<512x128xf32>, vector<128x128xf32>, vector<512x128xf32> -> vector<512x128xf32>
    %reduce_sum3A_54 = arith.constant dense<0.000000e+00> : vector<512xf32>
    %reduce_sum3A_55 = vector.multi_reduction <add>, %convert_element_type3A_51, %reduce_sum3A_54 [1] : vector<512x128xf32> to vector<512xf32>
    %broadcast_in_dim3A_56 = vector.shape_cast %reduce_sum3A_55 : vector<512xf32> to vector<512x1xf32>
    %broadcast_in_dim3A_57 = vector.shape_cast %broadcast_in_dim3A_56 : vector<512x1xf32> to vector<512x1xf32>
    %broadcast_in_dim3A_58 = vector.broadcast %broadcast_in_dim3A_57 : vector<512x1xf32> to vector<512x128xf32>
    %dot_general3A_59 = arith.constant dense<0.000000e+00> : vector<512x128xf32>
    %dot_general3A_60 = tpu.matmul %convert_element_type3A_7, %broadcast_in_dim3A_58, %dot_general3A_59 {dimension_numbers = #tpu.dot_dimension_numbers<[1], [0], [0], [1], [0, 0, 1, 1], [], []>, precision = #tpu.contract_precision<fp32>, transpose_lhs_hint = false} : vector<512x512xf32>, vector<512x128xf32>, vector<512x128xf32> -> vector<512x128xf32>
    %add3A_61 = arith.addf %dot_general3A_53, %dot_general3A_60 : vector<512x128xf32>
    %reduce_sum3A_62 = vector.shape_cast %broadcast_in_dim3A_56 : vector<512x1xf32> to vector<1x512x1xf32>
    %reduce_sum3A_63 = arith.constant dense<0.000000e+00> : vector<1xf32>
    %reduce_sum3A_64 = vector.multi_reduction <add>, %reduce_sum3A_62, %reduce_sum3A_63 [1, 2] : vector<1x512x1xf32> to vector<1xf32>
    %reduce_sum3A_65 = vector.shape_cast %reduce_sum3A_64 : vector<1xf32> to vector<1x1x1xf32>
    %reduce_sum3A_66 = vector.extract %reduce_sum3A_65[0, 0, 0] : f32 from vector<1x1x1xf32>
    %gt3A_67 = arith.constant 0.000000e+00 : f32
    %gt3A_68 = vector.broadcast %gt3A_67 : f32 to vector<512x128xf32>
    %gt3A_69 = arith.cmpf ogt, %convert_element_type3A_51, %gt3A_68 : vector<512x128xf32>
    %add3A_70 = vector.broadcast %add3A_46 : f32 to vector<512x128xf32>
    %add3A_71 = arith.addf %add3A_70, %add3A_61 : vector<512x128xf32>
    %select_n3A_72 = arith.select %gt3A_69, %add3A_71, %select_n3A : vector<512x128xi1>, vector<512x128xf32>
    %ge3A_73 = vector.broadcast %add3A_46 : f32 to vector<1x512xf32>
    %ge3A_74 = arith.cmpf oge, %mul3A_11, %ge3A_73 : vector<1x512xf32>
    %convert_element_type3A_75 = arith.extui %ge3A_74 : vector<1x512xi1> to vector<1x512xi32>
    %convert_element_type3A_76 = arith.sitofp %convert_element_type3A_75 : vector<1x512xi32> to vector<1x512xf32>
    %add3A_77 = arith.addf %add3A_41, %convert_element_type3A_76 : vector<1x512xf32>
    %div3A_78 = arith.constant 2.560000e+02 : f32
    %div3A_79 = arith.divf %reduce_sum3A_66, %div3A_78 : f32
    %ceil3A_80 = math.ceil %div3A_79 : f32
    %mul3A_81 = arith.constant 2.560000e+02 : f32
    %mul3A_82 = arith.mulf %ceil3A_80, %mul3A_81 : f32
    %add3A_83 = arith.addf %add3A_46, %mul3A_82 : f32
    %eq3A_84 = arith.constant 2 : i32
    %eq3A_85 = vector.broadcast %eq3A_84 : i32 to vector<512x128xi32>
    %eq3A_86 = arith.cmpi eq, %get3A_1, %eq3A_85 : vector<512x128xi32>
    %convert_element_type3A_87 = arith.extui %eq3A_86 : vector<512x128xi1> to vector<512x128xi32>
    %convert_element_type3A_88 = arith.sitofp %convert_element_type3A_87 : vector<512x128xi32> to vector<512x128xf32>
    %dot_general3A_89 = arith.constant dense<0.000000e+00> : vector<512x128xf32>
    %dot_general3A_90 = tpu.matmul %convert_element_type3A_88, %convert_element_type3A_3, %dot_general3A_89 {dimension_numbers = #tpu.dot_dimension_numbers<[1], [0], [0], [1], [0, 0, 1, 1], [], []>, precision = #tpu.contract_precision<fp32>, transpose_lhs_hint = false} : vector<512x128xf32>, vector<128x128xf32>, vector<512x128xf32> -> vector<512x128xf32>
    %reduce_sum3A_91 = arith.constant dense<0.000000e+00> : vector<512xf32>
    %reduce_sum3A_92 = vector.multi_reduction <add>, %convert_element_type3A_88, %reduce_sum3A_91 [1] : vector<512x128xf32> to vector<512xf32>
    %broadcast_in_dim3A_93 = vector.shape_cast %reduce_sum3A_92 : vector<512xf32> to vector<512x1xf32>
    %broadcast_in_dim3A_94 = vector.shape_cast %broadcast_in_dim3A_93 : vector<512x1xf32> to vector<512x1xf32>
    %broadcast_in_dim3A_95 = vector.broadcast %broadcast_in_dim3A_94 : vector<512x1xf32> to vector<512x128xf32>
    %dot_general3A_96 = arith.constant dense<0.000000e+00> : vector<512x128xf32>
    %dot_general3A_97 = tpu.matmul %convert_element_type3A_7, %broadcast_in_dim3A_95, %dot_general3A_96 {dimension_numbers = #tpu.dot_dimension_numbers<[1], [0], [0], [1], [0, 0, 1, 1], [], []>, precision = #tpu.contract_precision<fp32>, transpose_lhs_hint = false} : vector<512x512xf32>, vector<512x128xf32>, vector<512x128xf32> -> vector<512x128xf32>
    %add3A_98 = arith.addf %dot_general3A_90, %dot_general3A_97 : vector<512x128xf32>
    %reduce_sum3A_99 = vector.shape_cast %broadcast_in_dim3A_93 : vector<512x1xf32> to vector<1x512x1xf32>
    %reduce_sum3A_100 = arith.constant dense<0.000000e+00> : vector<1xf32>
    %reduce_sum3A_101 = vector.multi_reduction <add>, %reduce_sum3A_99, %reduce_sum3A_100 [1, 2] : vector<1x512x1xf32> to vector<1xf32>
    %reduce_sum3A_102 = vector.shape_cast %reduce_sum3A_101 : vector<1xf32> to vector<1x1x1xf32>
    %reduce_sum3A_103 = vector.extract %reduce_sum3A_102[0, 0, 0] : f32 from vector<1x1x1xf32>
    %gt3A_104 = arith.constant 0.000000e+00 : f32
    %gt3A_105 = vector.broadcast %gt3A_104 : f32 to vector<512x128xf32>
    %gt3A_106 = arith.cmpf ogt, %convert_element_type3A_88, %gt3A_105 : vector<512x128xf32>
    %add3A_107 = vector.broadcast %add3A_83 : f32 to vector<512x128xf32>
    %add3A_108 = arith.addf %add3A_107, %add3A_98 : vector<512x128xf32>
    %select_n3A_109 = arith.select %gt3A_106, %add3A_108, %select_n3A_72 : vector<512x128xi1>, vector<512x128xf32>
    %ge3A_110 = vector.broadcast %add3A_83 : f32 to vector<1x512xf32>
    %ge3A_111 = arith.cmpf oge, %mul3A_11, %ge3A_110 : vector<1x512xf32>
    %convert_element_type3A_112 = arith.extui %ge3A_111 : vector<1x512xi1> to vector<1x512xi32>
    %convert_element_type3A_113 = arith.sitofp %convert_element_type3A_112 : vector<1x512xi32> to vector<1x512xf32>
    %add3A_114 = arith.addf %add3A_77, %convert_element_type3A_113 : vector<1x512xf32>
    %div3A_115 = arith.constant 2.560000e+02 : f32
    %div3A_116 = arith.divf %reduce_sum3A_103, %div3A_115 : f32
    %ceil3A_117 = math.ceil %div3A_116 : f32
    %mul3A_118 = arith.constant 2.560000e+02 : f32
    %mul3A_119 = arith.mulf %ceil3A_117, %mul3A_118 : f32
    %add3A_120 = arith.addf %add3A_83, %mul3A_119 : f32
    %eq3A_121 = arith.constant 3 : i32
    %eq3A_122 = vector.broadcast %eq3A_121 : i32 to vector<512x128xi32>
    %eq3A_123 = arith.cmpi eq, %get3A_1, %eq3A_122 : vector<512x128xi32>
    %convert_element_type3A_124 = arith.extui %eq3A_123 : vector<512x128xi1> to vector<512x128xi32>
    %convert_element_type3A_125 = arith.sitofp %convert_element_type3A_124 : vector<512x128xi32> to vector<512x128xf32>
    %dot_general3A_126 = arith.constant dense<0.000000e+00> : vector<512x128xf32>
    %dot_general3A_127 = tpu.matmul %convert_element_type3A_125, %convert_element_type3A_3, %dot_general3A_126 {dimension_numbers = #tpu.dot_dimension_numbers<[1], [0], [0], [1], [0, 0, 1, 1], [], []>, precision = #tpu.contract_precision<fp32>, transpose_lhs_hint = false} : vector<512x128xf32>, vector<128x128xf32>, vector<512x128xf32> -> vector<512x128xf32>
    %reduce_sum3A_128 = arith.constant dense<0.000000e+00> : vector<512xf32>
    %reduce_sum3A_129 = vector.multi_reduction <add>, %convert_element_type3A_125, %reduce_sum3A_128 [1] : vector<512x128xf32> to vector<512xf32>
    %broadcast_in_dim3A_130 = vector.shape_cast %reduce_sum3A_129 : vector<512xf32> to vector<512x1xf32>
    %broadcast_in_dim3A_131 = vector.shape_cast %broadcast_in_dim3A_130 : vector<512x1xf32> to vector<512x1xf32>
    %broadcast_in_dim3A_132 = vector.broadcast %broadcast_in_dim3A_131 : vector<512x1xf32> to vector<512x128xf32>
    %dot_general3A_133 = arith.constant dense<0.000000e+00> : vector<512x128xf32>
    %dot_general3A_134 = tpu.matmul %convert_element_type3A_7, %broadcast_in_dim3A_132, %dot_general3A_133 {dimension_numbers = #tpu.dot_dimension_numbers<[1], [0], [0], [1], [0, 0, 1, 1], [], []>, precision = #tpu.contract_precision<fp32>, transpose_lhs_hint = false} : vector<512x512xf32>, vector<512x128xf32>, vector<512x128xf32> -> vector<512x128xf32>
    %add3A_135 = arith.addf %dot_general3A_127, %dot_general3A_134 : vector<512x128xf32>
    %reduce_sum3A_136 = vector.shape_cast %broadcast_in_dim3A_130 : vector<512x1xf32> to vector<1x512x1xf32>
    %reduce_sum3A_137 = arith.constant dense<0.000000e+00> : vector<1xf32>
    %reduce_sum3A_138 = vector.multi_reduction <add>, %reduce_sum3A_136, %reduce_sum3A_137 [1, 2] : vector<1x512x1xf32> to vector<1xf32>
    %reduce_sum3A_139 = vector.shape_cast %reduce_sum3A_138 : vector<1xf32> to vector<1x1x1xf32>
    %reduce_sum3A_140 = vector.extract %reduce_sum3A_139[0, 0, 0] : f32 from vector<1x1x1xf32>
    %gt3A_141 = arith.constant 0.000000e+00 : f32
    %gt3A_142 = vector.broadcast %gt3A_141 : f32 to vector<512x128xf32>
    %gt3A_143 = arith.cmpf ogt, %convert_element_type3A_125, %gt3A_142 : vector<512x128xf32>
    %add3A_144 = vector.broadcast %add3A_120 : f32 to vector<512x128xf32>
    %add3A_145 = arith.addf %add3A_144, %add3A_135 : vector<512x128xf32>
    %select_n3A_146 = arith.select %gt3A_143, %add3A_145, %select_n3A_109 : vector<512x128xi1>, vector<512x128xf32>
    %ge3A_147 = vector.broadcast %add3A_120 : f32 to vector<1x512xf32>
    %ge3A_148 = arith.cmpf oge, %mul3A_11, %ge3A_147 : vector<1x512xf32>
    %convert_element_type3A_149 = arith.extui %ge3A_148 : vector<1x512xi1> to vector<1x512xi32>
    %convert_element_type3A_150 = arith.sitofp %convert_element_type3A_149 : vector<1x512xi32> to vector<1x512xf32>
    %add3A_151 = arith.addf %add3A_114, %convert_element_type3A_150 : vector<1x512xf32>
    %div3A_152 = arith.constant 2.560000e+02 : f32
    %div3A_153 = arith.divf %reduce_sum3A_140, %div3A_152 : f32
    %ceil3A_154 = math.ceil %div3A_153 : f32
    %mul3A_155 = arith.constant 2.560000e+02 : f32
    %mul3A_156 = arith.mulf %ceil3A_154, %mul3A_155 : f32
    %add3A_157 = arith.addf %add3A_120, %mul3A_156 : f32
    %eq3A_158 = arith.constant 4 : i32
    %eq3A_159 = vector.broadcast %eq3A_158 : i32 to vector<512x128xi32>
    %eq3A_160 = arith.cmpi eq, %get3A_1, %eq3A_159 : vector<512x128xi32>
    %convert_element_type3A_161 = arith.extui %eq3A_160 : vector<512x128xi1> to vector<512x128xi32>
    %convert_element_type3A_162 = arith.sitofp %convert_element_type3A_161 : vector<512x128xi32> to vector<512x128xf32>
    %dot_general3A_163 = arith.constant dense<0.000000e+00> : vector<512x128xf32>
    %dot_general3A_164 = tpu.matmul %convert_element_type3A_162, %convert_element_type3A_3, %dot_general3A_163 {dimension_numbers = #tpu.dot_dimension_numbers<[1], [0], [0], [1], [0, 0, 1, 1], [], []>, precision = #tpu.contract_precision<fp32>, transpose_lhs_hint = false} : vector<512x128xf32>, vector<128x128xf32>, vector<512x128xf32> -> vector<512x128xf32>
    %reduce_sum3A_165 = arith.constant dense<0.000000e+00> : vector<512xf32>
    %reduce_sum3A_166 = vector.multi_reduction <add>, %convert_element_type3A_162, %reduce_sum3A_165 [1] : vector<512x128xf32> to vector<512xf32>
    %broadcast_in_dim3A_167 = vector.shape_cast %reduce_sum3A_166 : vector<512xf32> to vector<512x1xf32>
    %broadcast_in_dim3A_168 = vector.shape_cast %broadcast_in_dim3A_167 : vector<512x1xf32> to vector<512x1xf32>
    %broadcast_in_dim3A_169 = vector.broadcast %broadcast_in_dim3A_168 : vector<512x1xf32> to vector<512x128xf32>
    %dot_general3A_170 = arith.constant dense<0.000000e+00> : vector<512x128xf32>
    %dot_general3A_171 = tpu.matmul %convert_element_type3A_7, %broadcast_in_dim3A_169, %dot_general3A_170 {dimension_numbers = #tpu.dot_dimension_numbers<[1], [0], [0], [1], [0, 0, 1, 1], [], []>, precision = #tpu.contract_precision<fp32>, transpose_lhs_hint = false} : vector<512x512xf32>, vector<512x128xf32>, vector<512x128xf32> -> vector<512x128xf32>
    %add3A_172 = arith.addf %dot_general3A_164, %dot_general3A_171 : vector<512x128xf32>
    %reduce_sum3A_173 = vector.shape_cast %broadcast_in_dim3A_167 : vector<512x1xf32> to vector<1x512x1xf32>
    %reduce_sum3A_174 = arith.constant dense<0.000000e+00> : vector<1xf32>
    %reduce_sum3A_175 = vector.multi_reduction <add>, %reduce_sum3A_173, %reduce_sum3A_174 [1, 2] : vector<1x512x1xf32> to vector<1xf32>
    %reduce_sum3A_176 = vector.shape_cast %reduce_sum3A_175 : vector<1xf32> to vector<1x1x1xf32>
    %reduce_sum3A_177 = vector.extract %reduce_sum3A_176[0, 0, 0] : f32 from vector<1x1x1xf32>
    %gt3A_178 = arith.constant 0.000000e+00 : f32
    %gt3A_179 = vector.broadcast %gt3A_178 : f32 to vector<512x128xf32>
    %gt3A_180 = arith.cmpf ogt, %convert_element_type3A_162, %gt3A_179 : vector<512x128xf32>
    %add3A_181 = vector.broadcast %add3A_157 : f32 to vector<512x128xf32>
    %add3A_182 = arith.addf %add3A_181, %add3A_172 : vector<512x128xf32>
    %select_n3A_183 = arith.select %gt3A_180, %add3A_182, %select_n3A_146 : vector<512x128xi1>, vector<512x128xf32>
    %ge3A_184 = vector.broadcast %add3A_157 : f32 to vector<1x512xf32>
    %ge3A_185 = arith.cmpf oge, %mul3A_11, %ge3A_184 : vector<1x512xf32>
    %convert_element_type3A_186 = arith.extui %ge3A_185 : vector<1x512xi1> to vector<1x512xi32>
    %convert_element_type3A_187 = arith.sitofp %convert_element_type3A_186 : vector<1x512xi32> to vector<1x512xf32>
    %add3A_188 = arith.addf %add3A_151, %convert_element_type3A_187 : vector<1x512xf32>
    %div3A_189 = arith.constant 2.560000e+02 : f32
    %div3A_190 = arith.divf %reduce_sum3A_177, %div3A_189 : f32
    %ceil3A_191 = math.ceil %div3A_190 : f32
    %mul3A_192 = arith.constant 2.560000e+02 : f32
    %mul3A_193 = arith.mulf %ceil3A_191, %mul3A_192 : f32
    %add3A_194 = arith.addf %add3A_157, %mul3A_193 : f32
    %eq3A_195 = arith.constant 5 : i32
    %eq3A_196 = vector.broadcast %eq3A_195 : i32 to vector<512x128xi32>
    %eq3A_197 = arith.cmpi eq, %get3A_1, %eq3A_196 : vector<512x128xi32>
    %convert_element_type3A_198 = arith.extui %eq3A_197 : vector<512x128xi1> to vector<512x128xi32>
    %convert_element_type3A_199 = arith.sitofp %convert_element_type3A_198 : vector<512x128xi32> to vector<512x128xf32>
    %dot_general3A_200 = arith.constant dense<0.000000e+00> : vector<512x128xf32>
    %dot_general3A_201 = tpu.matmul %convert_element_type3A_199, %convert_element_type3A_3, %dot_general3A_200 {dimension_numbers = #tpu.dot_dimension_numbers<[1], [0], [0], [1], [0, 0, 1, 1], [], []>, precision = #tpu.contract_precision<fp32>, transpose_lhs_hint = false} : vector<512x128xf32>, vector<128x128xf32>, vector<512x128xf32> -> vector<512x128xf32>
    %reduce_sum3A_202 = arith.constant dense<0.000000e+00> : vector<512xf32>
    %reduce_sum3A_203 = vector.multi_reduction <add>, %convert_element_type3A_199, %reduce_sum3A_202 [1] : vector<512x128xf32> to vector<512xf32>
    %broadcast_in_dim3A_204 = vector.shape_cast %reduce_sum3A_203 : vector<512xf32> to vector<512x1xf32>
    %broadcast_in_dim3A_205 = vector.shape_cast %broadcast_in_dim3A_204 : vector<512x1xf32> to vector<512x1xf32>
    %broadcast_in_dim3A_206 = vector.broadcast %broadcast_in_dim3A_205 : vector<512x1xf32> to vector<512x128xf32>
    %dot_general3A_207 = arith.constant dense<0.000000e+00> : vector<512x128xf32>
    %dot_general3A_208 = tpu.matmul %convert_element_type3A_7, %broadcast_in_dim3A_206, %dot_general3A_207 {dimension_numbers = #tpu.dot_dimension_numbers<[1], [0], [0], [1], [0, 0, 1, 1], [], []>, precision = #tpu.contract_precision<fp32>, transpose_lhs_hint = false} : vector<512x512xf32>, vector<512x128xf32>, vector<512x128xf32> -> vector<512x128xf32>
    %add3A_209 = arith.addf %dot_general3A_201, %dot_general3A_208 : vector<512x128xf32>
    %reduce_sum3A_210 = vector.shape_cast %broadcast_in_dim3A_204 : vector<512x1xf32> to vector<1x512x1xf32>
    %reduce_sum3A_211 = arith.constant dense<0.000000e+00> : vector<1xf32>
    %reduce_sum3A_212 = vector.multi_reduction <add>, %reduce_sum3A_210, %reduce_sum3A_211 [1, 2] : vector<1x512x1xf32> to vector<1xf32>
    %reduce_sum3A_213 = vector.shape_cast %reduce_sum3A_212 : vector<1xf32> to vector<1x1x1xf32>
    %reduce_sum3A_214 = vector.extract %reduce_sum3A_213[0, 0, 0] : f32 from vector<1x1x1xf32>
    %gt3A_215 = arith.constant 0.000000e+00 : f32
    %gt3A_216 = vector.broadcast %gt3A_215 : f32 to vector<512x128xf32>
    %gt3A_217 = arith.cmpf ogt, %convert_element_type3A_199, %gt3A_216 : vector<512x128xf32>
    %add3A_218 = vector.broadcast %add3A_194 : f32 to vector<512x128xf32>
    %add3A_219 = arith.addf %add3A_218, %add3A_209 : vector<512x128xf32>
    %select_n3A_220 = arith.select %gt3A_217, %add3A_219, %select_n3A_183 : vector<512x128xi1>, vector<512x128xf32>
    %ge3A_221 = vector.broadcast %add3A_194 : f32 to vector<1x512xf32>
    %ge3A_222 = arith.cmpf oge, %mul3A_11, %ge3A_221 : vector<1x512xf32>
    %convert_element_type3A_223 = arith.extui %ge3A_222 : vector<1x512xi1> to vector<1x512xi32>
    %convert_element_type3A_224 = arith.sitofp %convert_element_type3A_223 : vector<1x512xi32> to vector<1x512xf32>
    %add3A_225 = arith.addf %add3A_188, %convert_element_type3A_224 : vector<1x512xf32>
    %div3A_226 = arith.constant 2.560000e+02 : f32
    %div3A_227 = arith.divf %reduce_sum3A_214, %div3A_226 : f32
    %ceil3A_228 = math.ceil %div3A_227 : f32
    %mul3A_229 = arith.constant 2.560000e+02 : f32
    %mul3A_230 = arith.mulf %ceil3A_228, %mul3A_229 : f32
    %add3A_231 = arith.addf %add3A_194, %mul3A_230 : f32
    %eq3A_232 = arith.constant 6 : i32
    %eq3A_233 = vector.broadcast %eq3A_232 : i32 to vector<512x128xi32>
    %eq3A_234 = arith.cmpi eq, %get3A_1, %eq3A_233 : vector<512x128xi32>
    %convert_element_type3A_235 = arith.extui %eq3A_234 : vector<512x128xi1> to vector<512x128xi32>
    %convert_element_type3A_236 = arith.sitofp %convert_element_type3A_235 : vector<512x128xi32> to vector<512x128xf32>
    %dot_general3A_237 = arith.constant dense<0.000000e+00> : vector<512x128xf32>
    %dot_general3A_238 = tpu.matmul %convert_element_type3A_236, %convert_element_type3A_3, %dot_general3A_237 {dimension_numbers = #tpu.dot_dimension_numbers<[1], [0], [0], [1], [0, 0, 1, 1], [], []>, precision = #tpu.contract_precision<fp32>, transpose_lhs_hint = false} : vector<512x128xf32>, vector<128x128xf32>, vector<512x128xf32> -> vector<512x128xf32>
    %reduce_sum3A_239 = arith.constant dense<0.000000e+00> : vector<512xf32>
    %reduce_sum3A_240 = vector.multi_reduction <add>, %convert_element_type3A_236, %reduce_sum3A_239 [1] : vector<512x128xf32> to vector<512xf32>
    %broadcast_in_dim3A_241 = vector.shape_cast %reduce_sum3A_240 : vector<512xf32> to vector<512x1xf32>
    %broadcast_in_dim3A_242 = vector.shape_cast %broadcast_in_dim3A_241 : vector<512x1xf32> to vector<512x1xf32>
    %broadcast_in_dim3A_243 = vector.broadcast %broadcast_in_dim3A_242 : vector<512x1xf32> to vector<512x128xf32>
    %dot_general3A_244 = arith.constant dense<0.000000e+00> : vector<512x128xf32>
    %dot_general3A_245 = tpu.matmul %convert_element_type3A_7, %broadcast_in_dim3A_243, %dot_general3A_244 {dimension_numbers = #tpu.dot_dimension_numbers<[1], [0], [0], [1], [0, 0, 1, 1], [], []>, precision = #tpu.contract_precision<fp32>, transpose_lhs_hint = false} : vector<512x512xf32>, vector<512x128xf32>, vector<512x128xf32> -> vector<512x128xf32>
    %add3A_246 = arith.addf %dot_general3A_238, %dot_general3A_245 : vector<512x128xf32>
    %reduce_sum3A_247 = vector.shape_cast %broadcast_in_dim3A_241 : vector<512x1xf32> to vector<1x512x1xf32>
    %reduce_sum3A_248 = arith.constant dense<0.000000e+00> : vector<1xf32>
    %reduce_sum3A_249 = vector.multi_reduction <add>, %reduce_sum3A_247, %reduce_sum3A_248 [1, 2] : vector<1x512x1xf32> to vector<1xf32>
    %reduce_sum3A_250 = vector.shape_cast %reduce_sum3A_249 : vector<1xf32> to vector<1x1x1xf32>
    %reduce_sum3A_251 = vector.extract %reduce_sum3A_250[0, 0, 0] : f32 from vector<1x1x1xf32>
    %gt3A_252 = arith.constant 0.000000e+00 : f32
    %gt3A_253 = vector.broadcast %gt3A_252 : f32 to vector<512x128xf32>
    %gt3A_254 = arith.cmpf ogt, %convert_element_type3A_236, %gt3A_253 : vector<512x128xf32>
    %add3A_255 = vector.broadcast %add3A_231 : f32 to vector<512x128xf32>
    %add3A_256 = arith.addf %add3A_255, %add3A_246 : vector<512x128xf32>
    %select_n3A_257 = arith.select %gt3A_254, %add3A_256, %select_n3A_220 : vector<512x128xi1>, vector<512x128xf32>
    %ge3A_258 = vector.broadcast %add3A_231 : f32 to vector<1x512xf32>
    %ge3A_259 = arith.cmpf oge, %mul3A_11, %ge3A_258 : vector<1x512xf32>
    %convert_element_type3A_260 = arith.extui %ge3A_259 : vector<1x512xi1> to vector<1x512xi32>
    %convert_element_type3A_261 = arith.sitofp %convert_element_type3A_260 : vector<1x512xi32> to vector<1x512xf32>
    %add3A_262 = arith.addf %add3A_225, %convert_element_type3A_261 : vector<1x512xf32>
    %div3A_263 = arith.constant 2.560000e+02 : f32
    %div3A_264 = arith.divf %reduce_sum3A_251, %div3A_263 : f32
    %ceil3A_265 = math.ceil %div3A_264 : f32
    %mul3A_266 = arith.constant 2.560000e+02 : f32
    %mul3A_267 = arith.mulf %ceil3A_265, %mul3A_266 : f32
    %add3A_268 = arith.addf %add3A_231, %mul3A_267 : f32
    %eq3A_269 = arith.constant 7 : i32
    %eq3A_270 = vector.broadcast %eq3A_269 : i32 to vector<512x128xi32>
    %eq3A_271 = arith.cmpi eq, %get3A_1, %eq3A_270 : vector<512x128xi32>
    %convert_element_type3A_272 = arith.extui %eq3A_271 : vector<512x128xi1> to vector<512x128xi32>
    %convert_element_type3A_273 = arith.sitofp %convert_element_type3A_272 : vector<512x128xi32> to vector<512x128xf32>
    %dot_general3A_274 = arith.constant dense<0.000000e+00> : vector<512x128xf32>
    %dot_general3A_275 = tpu.matmul %convert_element_type3A_273, %convert_element_type3A_3, %dot_general3A_274 {dimension_numbers = #tpu.dot_dimension_numbers<[1], [0], [0], [1], [0, 0, 1, 1], [], []>, precision = #tpu.contract_precision<fp32>, transpose_lhs_hint = false} : vector<512x128xf32>, vector<128x128xf32>, vector<512x128xf32> -> vector<512x128xf32>
    %reduce_sum3A_276 = arith.constant dense<0.000000e+00> : vector<512xf32>
    %reduce_sum3A_277 = vector.multi_reduction <add>, %convert_element_type3A_273, %reduce_sum3A_276 [1] : vector<512x128xf32> to vector<512xf32>
    %broadcast_in_dim3A_278 = vector.shape_cast %reduce_sum3A_277 : vector<512xf32> to vector<512x1xf32>
    %broadcast_in_dim3A_279 = vector.shape_cast %broadcast_in_dim3A_278 : vector<512x1xf32> to vector<512x1xf32>
    %broadcast_in_dim3A_280 = vector.broadcast %broadcast_in_dim3A_279 : vector<512x1xf32> to vector<512x128xf32>
    %dot_general3A_281 = arith.constant dense<0.000000e+00> : vector<512x128xf32>
    %dot_general3A_282 = tpu.matmul %convert_element_type3A_7, %broadcast_in_dim3A_280, %dot_general3A_281 {dimension_numbers = #tpu.dot_dimension_numbers<[1], [0], [0], [1], [0, 0, 1, 1], [], []>, precision = #tpu.contract_precision<fp32>, transpose_lhs_hint = false} : vector<512x512xf32>, vector<512x128xf32>, vector<512x128xf32> -> vector<512x128xf32>
    %add3A_283 = arith.addf %dot_general3A_275, %dot_general3A_282 : vector<512x128xf32>
    %reduce_sum3A_284 = vector.shape_cast %broadcast_in_dim3A_278 : vector<512x1xf32> to vector<1x512x1xf32>
    %reduce_sum3A_285 = arith.constant dense<0.000000e+00> : vector<1xf32>
    %reduce_sum3A_286 = vector.multi_reduction <add>, %reduce_sum3A_284, %reduce_sum3A_285 [1, 2] : vector<1x512x1xf32> to vector<1xf32>
    %reduce_sum3A_287 = vector.shape_cast %reduce_sum3A_286 : vector<1xf32> to vector<1x1x1xf32>
    %reduce_sum3A_288 = vector.extract %reduce_sum3A_287[0, 0, 0] : f32 from vector<1x1x1xf32>
    %gt3A_289 = arith.constant 0.000000e+00 : f32
    %gt3A_290 = vector.broadcast %gt3A_289 : f32 to vector<512x128xf32>
    %gt3A_291 = arith.cmpf ogt, %convert_element_type3A_273, %gt3A_290 : vector<512x128xf32>
    %add3A_292 = vector.broadcast %add3A_268 : f32 to vector<512x128xf32>
    %add3A_293 = arith.addf %add3A_292, %add3A_283 : vector<512x128xf32>
    %select_n3A_294 = arith.select %gt3A_291, %add3A_293, %select_n3A_257 : vector<512x128xi1>, vector<512x128xf32>
    %ge3A_295 = vector.broadcast %add3A_268 : f32 to vector<1x512xf32>
    %ge3A_296 = arith.cmpf oge, %mul3A_11, %ge3A_295 : vector<1x512xf32>
    %convert_element_type3A_297 = arith.extui %ge3A_296 : vector<1x512xi1> to vector<1x512xi32>
    %convert_element_type3A_298 = arith.sitofp %convert_element_type3A_297 : vector<1x512xi32> to vector<1x512xf32>
    %add3A_299 = arith.addf %add3A_262, %convert_element_type3A_298 : vector<1x512xf32>
    %div3A_300 = arith.constant 2.560000e+02 : f32
    %div3A_301 = arith.divf %reduce_sum3A_288, %div3A_300 : f32
    %ceil3A_302 = math.ceil %div3A_301 : f32
    %mul3A_303 = arith.constant 2.560000e+02 : f32
    %mul3A_304 = arith.mulf %ceil3A_302, %mul3A_303 : f32
    %add3A_305 = arith.addf %add3A_268, %mul3A_304 : f32
    %eq3A_306 = arith.constant 8 : i32
    %eq3A_307 = vector.broadcast %eq3A_306 : i32 to vector<512x128xi32>
    %eq3A_308 = arith.cmpi eq, %get3A_1, %eq3A_307 : vector<512x128xi32>
    %convert_element_type3A_309 = arith.extui %eq3A_308 : vector<512x128xi1> to vector<512x128xi32>
    %convert_element_type3A_310 = arith.sitofp %convert_element_type3A_309 : vector<512x128xi32> to vector<512x128xf32>
    %dot_general3A_311 = arith.constant dense<0.000000e+00> : vector<512x128xf32>
    %dot_general3A_312 = tpu.matmul %convert_element_type3A_310, %convert_element_type3A_3, %dot_general3A_311 {dimension_numbers = #tpu.dot_dimension_numbers<[1], [0], [0], [1], [0, 0, 1, 1], [], []>, precision = #tpu.contract_precision<fp32>, transpose_lhs_hint = false} : vector<512x128xf32>, vector<128x128xf32>, vector<512x128xf32> -> vector<512x128xf32>
    %reduce_sum3A_313 = arith.constant dense<0.000000e+00> : vector<512xf32>
    %reduce_sum3A_314 = vector.multi_reduction <add>, %convert_element_type3A_310, %reduce_sum3A_313 [1] : vector<512x128xf32> to vector<512xf32>
    %broadcast_in_dim3A_315 = vector.shape_cast %reduce_sum3A_314 : vector<512xf32> to vector<512x1xf32>
    %broadcast_in_dim3A_316 = vector.shape_cast %broadcast_in_dim3A_315 : vector<512x1xf32> to vector<512x1xf32>
    %broadcast_in_dim3A_317 = vector.broadcast %broadcast_in_dim3A_316 : vector<512x1xf32> to vector<512x128xf32>
    %dot_general3A_318 = arith.constant dense<0.000000e+00> : vector<512x128xf32>
    %dot_general3A_319 = tpu.matmul %convert_element_type3A_7, %broadcast_in_dim3A_317, %dot_general3A_318 {dimension_numbers = #tpu.dot_dimension_numbers<[1], [0], [0], [1], [0, 0, 1, 1], [], []>, precision = #tpu.contract_precision<fp32>, transpose_lhs_hint = false} : vector<512x512xf32>, vector<512x128xf32>, vector<512x128xf32> -> vector<512x128xf32>
    %add3A_320 = arith.addf %dot_general3A_312, %dot_general3A_319 : vector<512x128xf32>
    %reduce_sum3A_321 = vector.shape_cast %broadcast_in_dim3A_315 : vector<512x1xf32> to vector<1x512x1xf32>
    %reduce_sum3A_322 = arith.constant dense<0.000000e+00> : vector<1xf32>
    %reduce_sum3A_323 = vector.multi_reduction <add>, %reduce_sum3A_321, %reduce_sum3A_322 [1, 2] : vector<1x512x1xf32> to vector<1xf32>
    %reduce_sum3A_324 = vector.shape_cast %reduce_sum3A_323 : vector<1xf32> to vector<1x1x1xf32>
    %reduce_sum3A_325 = vector.extract %reduce_sum3A_324[0, 0, 0] : f32 from vector<1x1x1xf32>
    %gt3A_326 = arith.constant 0.000000e+00 : f32
    %gt3A_327 = vector.broadcast %gt3A_326 : f32 to vector<512x128xf32>
    %gt3A_328 = arith.cmpf ogt, %convert_element_type3A_310, %gt3A_327 : vector<512x128xf32>
    %add3A_329 = vector.broadcast %add3A_305 : f32 to vector<512x128xf32>
    %add3A_330 = arith.addf %add3A_329, %add3A_320 : vector<512x128xf32>
    %select_n3A_331 = arith.select %gt3A_328, %add3A_330, %select_n3A_294 : vector<512x128xi1>, vector<512x128xf32>
    %ge3A_332 = vector.broadcast %add3A_305 : f32 to vector<1x512xf32>
    %ge3A_333 = arith.cmpf oge, %mul3A_11, %ge3A_332 : vector<1x512xf32>
    %convert_element_type3A_334 = arith.extui %ge3A_333 : vector<1x512xi1> to vector<1x512xi32>
    %convert_element_type3A_335 = arith.sitofp %convert_element_type3A_334 : vector<1x512xi32> to vector<1x512xf32>
    %add3A_336 = arith.addf %add3A_299, %convert_element_type3A_335 : vector<1x512xf32>
    %div3A_337 = arith.constant 2.560000e+02 : f32
    %div3A_338 = arith.divf %reduce_sum3A_325, %div3A_337 : f32
    %ceil3A_339 = math.ceil %div3A_338 : f32
    %mul3A_340 = arith.constant 2.560000e+02 : f32
    %mul3A_341 = arith.mulf %ceil3A_339, %mul3A_340 : f32
    %add3A_342 = arith.addf %add3A_305, %mul3A_341 : f32
    %eq3A_343 = arith.constant 9 : i32
    %eq3A_344 = vector.broadcast %eq3A_343 : i32 to vector<512x128xi32>
    %eq3A_345 = arith.cmpi eq, %get3A_1, %eq3A_344 : vector<512x128xi32>
    %convert_element_type3A_346 = arith.extui %eq3A_345 : vector<512x128xi1> to vector<512x128xi32>
    %convert_element_type3A_347 = arith.sitofp %convert_element_type3A_346 : vector<512x128xi32> to vector<512x128xf32>
    %dot_general3A_348 = arith.constant dense<0.000000e+00> : vector<512x128xf32>
    %dot_general3A_349 = tpu.matmul %convert_element_type3A_347, %convert_element_type3A_3, %dot_general3A_348 {dimension_numbers = #tpu.dot_dimension_numbers<[1], [0], [0], [1], [0, 0, 1, 1], [], []>, precision = #tpu.contract_precision<fp32>, transpose_lhs_hint = false} : vector<512x128xf32>, vector<128x128xf32>, vector<512x128xf32> -> vector<512x128xf32>
    %reduce_sum3A_350 = arith.constant dense<0.000000e+00> : vector<512xf32>
    %reduce_sum3A_351 = vector.multi_reduction <add>, %convert_element_type3A_347, %reduce_sum3A_350 [1] : vector<512x128xf32> to vector<512xf32>
    %broadcast_in_dim3A_352 = vector.shape_cast %reduce_sum3A_351 : vector<512xf32> to vector<512x1xf32>
    %broadcast_in_dim3A_353 = vector.shape_cast %broadcast_in_dim3A_352 : vector<512x1xf32> to vector<512x1xf32>
    %broadcast_in_dim3A_354 = vector.broadcast %broadcast_in_dim3A_353 : vector<512x1xf32> to vector<512x128xf32>
    %dot_general3A_355 = arith.constant dense<0.000000e+00> : vector<512x128xf32>
    %dot_general3A_356 = tpu.matmul %convert_element_type3A_7, %broadcast_in_dim3A_354, %dot_general3A_355 {dimension_numbers = #tpu.dot_dimension_numbers<[1], [0], [0], [1], [0, 0, 1, 1], [], []>, precision = #tpu.contract_precision<fp32>, transpose_lhs_hint = false} : vector<512x512xf32>, vector<512x128xf32>, vector<512x128xf32> -> vector<512x128xf32>
    %add3A_357 = arith.addf %dot_general3A_349, %dot_general3A_356 : vector<512x128xf32>
    %reduce_sum3A_358 = vector.shape_cast %broadcast_in_dim3A_352 : vector<512x1xf32> to vector<1x512x1xf32>
    %reduce_sum3A_359 = arith.constant dense<0.000000e+00> : vector<1xf32>
    %reduce_sum3A_360 = vector.multi_reduction <add>, %reduce_sum3A_358, %reduce_sum3A_359 [1, 2] : vector<1x512x1xf32> to vector<1xf32>
    %reduce_sum3A_361 = vector.shape_cast %reduce_sum3A_360 : vector<1xf32> to vector<1x1x1xf32>
    %reduce_sum3A_362 = vector.extract %reduce_sum3A_361[0, 0, 0] : f32 from vector<1x1x1xf32>
    %gt3A_363 = arith.constant 0.000000e+00 : f32
    %gt3A_364 = vector.broadcast %gt3A_363 : f32 to vector<512x128xf32>
    %gt3A_365 = arith.cmpf ogt, %convert_element_type3A_347, %gt3A_364 : vector<512x128xf32>
    %add3A_366 = vector.broadcast %add3A_342 : f32 to vector<512x128xf32>
    %add3A_367 = arith.addf %add3A_366, %add3A_357 : vector<512x128xf32>
    %select_n3A_368 = arith.select %gt3A_365, %add3A_367, %select_n3A_331 : vector<512x128xi1>, vector<512x128xf32>
    %ge3A_369 = vector.broadcast %add3A_342 : f32 to vector<1x512xf32>
    %ge3A_370 = arith.cmpf oge, %mul3A_11, %ge3A_369 : vector<1x512xf32>
    %convert_element_type3A_371 = arith.extui %ge3A_370 : vector<1x512xi1> to vector<1x512xi32>
    %convert_element_type3A_372 = arith.sitofp %convert_element_type3A_371 : vector<1x512xi32> to vector<1x512xf32>
    %add3A_373 = arith.addf %add3A_336, %convert_element_type3A_372 : vector<1x512xf32>
    %div3A_374 = arith.constant 2.560000e+02 : f32
    %div3A_375 = arith.divf %reduce_sum3A_362, %div3A_374 : f32
    %ceil3A_376 = math.ceil %div3A_375 : f32
    %mul3A_377 = arith.constant 2.560000e+02 : f32
    %mul3A_378 = arith.mulf %ceil3A_376, %mul3A_377 : f32
    %add3A_379 = arith.addf %add3A_342, %mul3A_378 : f32
    %eq3A_380 = arith.constant 10 : i32
    %eq3A_381 = vector.broadcast %eq3A_380 : i32 to vector<512x128xi32>
    %eq3A_382 = arith.cmpi eq, %get3A_1, %eq3A_381 : vector<512x128xi32>
    %convert_element_type3A_383 = arith.extui %eq3A_382 : vector<512x128xi1> to vector<512x128xi32>
    %convert_element_type3A_384 = arith.sitofp %convert_element_type3A_383 : vector<512x128xi32> to vector<512x128xf32>
    %dot_general3A_385 = arith.constant dense<0.000000e+00> : vector<512x128xf32>
    %dot_general3A_386 = tpu.matmul %convert_element_type3A_384, %convert_element_type3A_3, %dot_general3A_385 {dimension_numbers = #tpu.dot_dimension_numbers<[1], [0], [0], [1], [0, 0, 1, 1], [], []>, precision = #tpu.contract_precision<fp32>, transpose_lhs_hint = false} : vector<512x128xf32>, vector<128x128xf32>, vector<512x128xf32> -> vector<512x128xf32>
    %reduce_sum3A_387 = arith.constant dense<0.000000e+00> : vector<512xf32>
    %reduce_sum3A_388 = vector.multi_reduction <add>, %convert_element_type3A_384, %reduce_sum3A_387 [1] : vector<512x128xf32> to vector<512xf32>
    %broadcast_in_dim3A_389 = vector.shape_cast %reduce_sum3A_388 : vector<512xf32> to vector<512x1xf32>
    %broadcast_in_dim3A_390 = vector.shape_cast %broadcast_in_dim3A_389 : vector<512x1xf32> to vector<512x1xf32>
    %broadcast_in_dim3A_391 = vector.broadcast %broadcast_in_dim3A_390 : vector<512x1xf32> to vector<512x128xf32>
    %dot_general3A_392 = arith.constant dense<0.000000e+00> : vector<512x128xf32>
    %dot_general3A_393 = tpu.matmul %convert_element_type3A_7, %broadcast_in_dim3A_391, %dot_general3A_392 {dimension_numbers = #tpu.dot_dimension_numbers<[1], [0], [0], [1], [0, 0, 1, 1], [], []>, precision = #tpu.contract_precision<fp32>, transpose_lhs_hint = false} : vector<512x512xf32>, vector<512x128xf32>, vector<512x128xf32> -> vector<512x128xf32>
    %add3A_394 = arith.addf %dot_general3A_386, %dot_general3A_393 : vector<512x128xf32>
    %reduce_sum3A_395 = vector.shape_cast %broadcast_in_dim3A_389 : vector<512x1xf32> to vector<1x512x1xf32>
    %reduce_sum3A_396 = arith.constant dense<0.000000e+00> : vector<1xf32>
    %reduce_sum3A_397 = vector.multi_reduction <add>, %reduce_sum3A_395, %reduce_sum3A_396 [1, 2] : vector<1x512x1xf32> to vector<1xf32>
    %reduce_sum3A_398 = vector.shape_cast %reduce_sum3A_397 : vector<1xf32> to vector<1x1x1xf32>
    %reduce_sum3A_399 = vector.extract %reduce_sum3A_398[0, 0, 0] : f32 from vector<1x1x1xf32>
    %gt3A_400 = arith.constant 0.000000e+00 : f32
    %gt3A_401 = vector.broadcast %gt3A_400 : f32 to vector<512x128xf32>
    %gt3A_402 = arith.cmpf ogt, %convert_element_type3A_384, %gt3A_401 : vector<512x128xf32>
    %add3A_403 = vector.broadcast %add3A_379 : f32 to vector<512x128xf32>
    %add3A_404 = arith.addf %add3A_403, %add3A_394 : vector<512x128xf32>
    %select_n3A_405 = arith.select %gt3A_402, %add3A_404, %select_n3A_368 : vector<512x128xi1>, vector<512x128xf32>
    %ge3A_406 = vector.broadcast %add3A_379 : f32 to vector<1x512xf32>
    %ge3A_407 = arith.cmpf oge, %mul3A_11, %ge3A_406 : vector<1x512xf32>
    %convert_element_type3A_408 = arith.extui %ge3A_407 : vector<1x512xi1> to vector<1x512xi32>
    %convert_element_type3A_409 = arith.sitofp %convert_element_type3A_408 : vector<1x512xi32> to vector<1x512xf32>
    %add3A_410 = arith.addf %add3A_373, %convert_element_type3A_409 : vector<1x512xf32>
    %div3A_411 = arith.constant 2.560000e+02 : f32
    %div3A_412 = arith.divf %reduce_sum3A_399, %div3A_411 : f32
    %ceil3A_413 = math.ceil %div3A_412 : f32
    %mul3A_414 = arith.constant 2.560000e+02 : f32
    %mul3A_415 = arith.mulf %ceil3A_413, %mul3A_414 : f32
    %add3A_416 = arith.addf %add3A_379, %mul3A_415 : f32
    %eq3A_417 = arith.constant 11 : i32
    %eq3A_418 = vector.broadcast %eq3A_417 : i32 to vector<512x128xi32>
    %eq3A_419 = arith.cmpi eq, %get3A_1, %eq3A_418 : vector<512x128xi32>
    %convert_element_type3A_420 = arith.extui %eq3A_419 : vector<512x128xi1> to vector<512x128xi32>
    %convert_element_type3A_421 = arith.sitofp %convert_element_type3A_420 : vector<512x128xi32> to vector<512x128xf32>
    %dot_general3A_422 = arith.constant dense<0.000000e+00> : vector<512x128xf32>
    %dot_general3A_423 = tpu.matmul %convert_element_type3A_421, %convert_element_type3A_3, %dot_general3A_422 {dimension_numbers = #tpu.dot_dimension_numbers<[1], [0], [0], [1], [0, 0, 1, 1], [], []>, precision = #tpu.contract_precision<fp32>, transpose_lhs_hint = false} : vector<512x128xf32>, vector<128x128xf32>, vector<512x128xf32> -> vector<512x128xf32>
    %reduce_sum3A_424 = arith.constant dense<0.000000e+00> : vector<512xf32>
    %reduce_sum3A_425 = vector.multi_reduction <add>, %convert_element_type3A_421, %reduce_sum3A_424 [1] : vector<512x128xf32> to vector<512xf32>
    %broadcast_in_dim3A_426 = vector.shape_cast %reduce_sum3A_425 : vector<512xf32> to vector<512x1xf32>
    %broadcast_in_dim3A_427 = vector.shape_cast %broadcast_in_dim3A_426 : vector<512x1xf32> to vector<512x1xf32>
    %broadcast_in_dim3A_428 = vector.broadcast %broadcast_in_dim3A_427 : vector<512x1xf32> to vector<512x128xf32>
    %dot_general3A_429 = arith.constant dense<0.000000e+00> : vector<512x128xf32>
    %dot_general3A_430 = tpu.matmul %convert_element_type3A_7, %broadcast_in_dim3A_428, %dot_general3A_429 {dimension_numbers = #tpu.dot_dimension_numbers<[1], [0], [0], [1], [0, 0, 1, 1], [], []>, precision = #tpu.contract_precision<fp32>, transpose_lhs_hint = false} : vector<512x512xf32>, vector<512x128xf32>, vector<512x128xf32> -> vector<512x128xf32>
    %add3A_431 = arith.addf %dot_general3A_423, %dot_general3A_430 : vector<512x128xf32>
    %reduce_sum3A_432 = vector.shape_cast %broadcast_in_dim3A_426 : vector<512x1xf32> to vector<1x512x1xf32>
    %reduce_sum3A_433 = arith.constant dense<0.000000e+00> : vector<1xf32>
    %reduce_sum3A_434 = vector.multi_reduction <add>, %reduce_sum3A_432, %reduce_sum3A_433 [1, 2] : vector<1x512x1xf32> to vector<1xf32>
    %reduce_sum3A_435 = vector.shape_cast %reduce_sum3A_434 : vector<1xf32> to vector<1x1x1xf32>
    %reduce_sum3A_436 = vector.extract %reduce_sum3A_435[0, 0, 0] : f32 from vector<1x1x1xf32>
    %gt3A_437 = arith.constant 0.000000e+00 : f32
    %gt3A_438 = vector.broadcast %gt3A_437 : f32 to vector<512x128xf32>
    %gt3A_439 = arith.cmpf ogt, %convert_element_type3A_421, %gt3A_438 : vector<512x128xf32>
    %add3A_440 = vector.broadcast %add3A_416 : f32 to vector<512x128xf32>
    %add3A_441 = arith.addf %add3A_440, %add3A_431 : vector<512x128xf32>
    %select_n3A_442 = arith.select %gt3A_439, %add3A_441, %select_n3A_405 : vector<512x128xi1>, vector<512x128xf32>
    %ge3A_443 = vector.broadcast %add3A_416 : f32 to vector<1x512xf32>
    %ge3A_444 = arith.cmpf oge, %mul3A_11, %ge3A_443 : vector<1x512xf32>
    %convert_element_type3A_445 = arith.extui %ge3A_444 : vector<1x512xi1> to vector<1x512xi32>
    %convert_element_type3A_446 = arith.sitofp %convert_element_type3A_445 : vector<1x512xi32> to vector<1x512xf32>
    %add3A_447 = arith.addf %add3A_410, %convert_element_type3A_446 : vector<1x512xf32>
    %div3A_448 = arith.constant 2.560000e+02 : f32
    %div3A_449 = arith.divf %reduce_sum3A_436, %div3A_448 : f32
    %ceil3A_450 = math.ceil %div3A_449 : f32
    %mul3A_451 = arith.constant 2.560000e+02 : f32
    %mul3A_452 = arith.mulf %ceil3A_450, %mul3A_451 : f32
    %add3A_453 = arith.addf %add3A_416, %mul3A_452 : f32
    %eq3A_454 = arith.constant 12 : i32
    %eq3A_455 = vector.broadcast %eq3A_454 : i32 to vector<512x128xi32>
    %eq3A_456 = arith.cmpi eq, %get3A_1, %eq3A_455 : vector<512x128xi32>
    %convert_element_type3A_457 = arith.extui %eq3A_456 : vector<512x128xi1> to vector<512x128xi32>
    %convert_element_type3A_458 = arith.sitofp %convert_element_type3A_457 : vector<512x128xi32> to vector<512x128xf32>
    %dot_general3A_459 = arith.constant dense<0.000000e+00> : vector<512x128xf32>
    %dot_general3A_460 = tpu.matmul %convert_element_type3A_458, %convert_element_type3A_3, %dot_general3A_459 {dimension_numbers = #tpu.dot_dimension_numbers<[1], [0], [0], [1], [0, 0, 1, 1], [], []>, precision = #tpu.contract_precision<fp32>, transpose_lhs_hint = false} : vector<512x128xf32>, vector<128x128xf32>, vector<512x128xf32> -> vector<512x128xf32>
    %reduce_sum3A_461 = arith.constant dense<0.000000e+00> : vector<512xf32>
    %reduce_sum3A_462 = vector.multi_reduction <add>, %convert_element_type3A_458, %reduce_sum3A_461 [1] : vector<512x128xf32> to vector<512xf32>
    %broadcast_in_dim3A_463 = vector.shape_cast %reduce_sum3A_462 : vector<512xf32> to vector<512x1xf32>
    %broadcast_in_dim3A_464 = vector.shape_cast %broadcast_in_dim3A_463 : vector<512x1xf32> to vector<512x1xf32>
    %broadcast_in_dim3A_465 = vector.broadcast %broadcast_in_dim3A_464 : vector<512x1xf32> to vector<512x128xf32>
    %dot_general3A_466 = arith.constant dense<0.000000e+00> : vector<512x128xf32>
    %dot_general3A_467 = tpu.matmul %convert_element_type3A_7, %broadcast_in_dim3A_465, %dot_general3A_466 {dimension_numbers = #tpu.dot_dimension_numbers<[1], [0], [0], [1], [0, 0, 1, 1], [], []>, precision = #tpu.contract_precision<fp32>, transpose_lhs_hint = false} : vector<512x512xf32>, vector<512x128xf32>, vector<512x128xf32> -> vector<512x128xf32>
    %add3A_468 = arith.addf %dot_general3A_460, %dot_general3A_467 : vector<512x128xf32>
    %reduce_sum3A_469 = vector.shape_cast %broadcast_in_dim3A_463 : vector<512x1xf32> to vector<1x512x1xf32>
    %reduce_sum3A_470 = arith.constant dense<0.000000e+00> : vector<1xf32>
    %reduce_sum3A_471 = vector.multi_reduction <add>, %reduce_sum3A_469, %reduce_sum3A_470 [1, 2] : vector<1x512x1xf32> to vector<1xf32>
    %reduce_sum3A_472 = vector.shape_cast %reduce_sum3A_471 : vector<1xf32> to vector<1x1x1xf32>
    %reduce_sum3A_473 = vector.extract %reduce_sum3A_472[0, 0, 0] : f32 from vector<1x1x1xf32>
    %gt3A_474 = arith.constant 0.000000e+00 : f32
    %gt3A_475 = vector.broadcast %gt3A_474 : f32 to vector<512x128xf32>
    %gt3A_476 = arith.cmpf ogt, %convert_element_type3A_458, %gt3A_475 : vector<512x128xf32>
    %add3A_477 = vector.broadcast %add3A_453 : f32 to vector<512x128xf32>
    %add3A_478 = arith.addf %add3A_477, %add3A_468 : vector<512x128xf32>
    %select_n3A_479 = arith.select %gt3A_476, %add3A_478, %select_n3A_442 : vector<512x128xi1>, vector<512x128xf32>
    %ge3A_480 = vector.broadcast %add3A_453 : f32 to vector<1x512xf32>
    %ge3A_481 = arith.cmpf oge, %mul3A_11, %ge3A_480 : vector<1x512xf32>
    %convert_element_type3A_482 = arith.extui %ge3A_481 : vector<1x512xi1> to vector<1x512xi32>
    %convert_element_type3A_483 = arith.sitofp %convert_element_type3A_482 : vector<1x512xi32> to vector<1x512xf32>
    %add3A_484 = arith.addf %add3A_447, %convert_element_type3A_483 : vector<1x512xf32>
    %div3A_485 = arith.constant 2.560000e+02 : f32
    %div3A_486 = arith.divf %reduce_sum3A_473, %div3A_485 : f32
    %ceil3A_487 = math.ceil %div3A_486 : f32
    %mul3A_488 = arith.constant 2.560000e+02 : f32
    %mul3A_489 = arith.mulf %ceil3A_487, %mul3A_488 : f32
    %add3A_490 = arith.addf %add3A_453, %mul3A_489 : f32
    %eq3A_491 = arith.constant 13 : i32
    %eq3A_492 = vector.broadcast %eq3A_491 : i32 to vector<512x128xi32>
    %eq3A_493 = arith.cmpi eq, %get3A_1, %eq3A_492 : vector<512x128xi32>
    %convert_element_type3A_494 = arith.extui %eq3A_493 : vector<512x128xi1> to vector<512x128xi32>
    %convert_element_type3A_495 = arith.sitofp %convert_element_type3A_494 : vector<512x128xi32> to vector<512x128xf32>
    %dot_general3A_496 = arith.constant dense<0.000000e+00> : vector<512x128xf32>
    %dot_general3A_497 = tpu.matmul %convert_element_type3A_495, %convert_element_type3A_3, %dot_general3A_496 {dimension_numbers = #tpu.dot_dimension_numbers<[1], [0], [0], [1], [0, 0, 1, 1], [], []>, precision = #tpu.contract_precision<fp32>, transpose_lhs_hint = false} : vector<512x128xf32>, vector<128x128xf32>, vector<512x128xf32> -> vector<512x128xf32>
    %reduce_sum3A_498 = arith.constant dense<0.000000e+00> : vector<512xf32>
    %reduce_sum3A_499 = vector.multi_reduction <add>, %convert_element_type3A_495, %reduce_sum3A_498 [1] : vector<512x128xf32> to vector<512xf32>
    %broadcast_in_dim3A_500 = vector.shape_cast %reduce_sum3A_499 : vector<512xf32> to vector<512x1xf32>
    %broadcast_in_dim3A_501 = vector.shape_cast %broadcast_in_dim3A_500 : vector<512x1xf32> to vector<512x1xf32>
    %broadcast_in_dim3A_502 = vector.broadcast %broadcast_in_dim3A_501 : vector<512x1xf32> to vector<512x128xf32>
    %dot_general3A_503 = arith.constant dense<0.000000e+00> : vector<512x128xf32>
    %dot_general3A_504 = tpu.matmul %convert_element_type3A_7, %broadcast_in_dim3A_502, %dot_general3A_503 {dimension_numbers = #tpu.dot_dimension_numbers<[1], [0], [0], [1], [0, 0, 1, 1], [], []>, precision = #tpu.contract_precision<fp32>, transpose_lhs_hint = false} : vector<512x512xf32>, vector<512x128xf32>, vector<512x128xf32> -> vector<512x128xf32>
    %add3A_505 = arith.addf %dot_general3A_497, %dot_general3A_504 : vector<512x128xf32>
    %reduce_sum3A_506 = vector.shape_cast %broadcast_in_dim3A_500 : vector<512x1xf32> to vector<1x512x1xf32>
    %reduce_sum3A_507 = arith.constant dense<0.000000e+00> : vector<1xf32>
    %reduce_sum3A_508 = vector.multi_reduction <add>, %reduce_sum3A_506, %reduce_sum3A_507 [1, 2] : vector<1x512x1xf32> to vector<1xf32>
    %reduce_sum3A_509 = vector.shape_cast %reduce_sum3A_508 : vector<1xf32> to vector<1x1x1xf32>
    %reduce_sum3A_510 = vector.extract %reduce_sum3A_509[0, 0, 0] : f32 from vector<1x1x1xf32>
    %gt3A_511 = arith.constant 0.000000e+00 : f32
    %gt3A_512 = vector.broadcast %gt3A_511 : f32 to vector<512x128xf32>
    %gt3A_513 = arith.cmpf ogt, %convert_element_type3A_495, %gt3A_512 : vector<512x128xf32>
    %add3A_514 = vector.broadcast %add3A_490 : f32 to vector<512x128xf32>
    %add3A_515 = arith.addf %add3A_514, %add3A_505 : vector<512x128xf32>
    %select_n3A_516 = arith.select %gt3A_513, %add3A_515, %select_n3A_479 : vector<512x128xi1>, vector<512x128xf32>
    %ge3A_517 = vector.broadcast %add3A_490 : f32 to vector<1x512xf32>
    %ge3A_518 = arith.cmpf oge, %mul3A_11, %ge3A_517 : vector<1x512xf32>
    %convert_element_type3A_519 = arith.extui %ge3A_518 : vector<1x512xi1> to vector<1x512xi32>
    %convert_element_type3A_520 = arith.sitofp %convert_element_type3A_519 : vector<1x512xi32> to vector<1x512xf32>
    %add3A_521 = arith.addf %add3A_484, %convert_element_type3A_520 : vector<1x512xf32>
    %div3A_522 = arith.constant 2.560000e+02 : f32
    %div3A_523 = arith.divf %reduce_sum3A_510, %div3A_522 : f32
    %ceil3A_524 = math.ceil %div3A_523 : f32
    %mul3A_525 = arith.constant 2.560000e+02 : f32
    %mul3A_526 = arith.mulf %ceil3A_524, %mul3A_525 : f32
    %add3A_527 = arith.addf %add3A_490, %mul3A_526 : f32
    %eq3A_528 = arith.constant 14 : i32
    %eq3A_529 = vector.broadcast %eq3A_528 : i32 to vector<512x128xi32>
    %eq3A_530 = arith.cmpi eq, %get3A_1, %eq3A_529 : vector<512x128xi32>
    %convert_element_type3A_531 = arith.extui %eq3A_530 : vector<512x128xi1> to vector<512x128xi32>
    %convert_element_type3A_532 = arith.sitofp %convert_element_type3A_531 : vector<512x128xi32> to vector<512x128xf32>
    %dot_general3A_533 = arith.constant dense<0.000000e+00> : vector<512x128xf32>
    %dot_general3A_534 = tpu.matmul %convert_element_type3A_532, %convert_element_type3A_3, %dot_general3A_533 {dimension_numbers = #tpu.dot_dimension_numbers<[1], [0], [0], [1], [0, 0, 1, 1], [], []>, precision = #tpu.contract_precision<fp32>, transpose_lhs_hint = false} : vector<512x128xf32>, vector<128x128xf32>, vector<512x128xf32> -> vector<512x128xf32>
    %reduce_sum3A_535 = arith.constant dense<0.000000e+00> : vector<512xf32>
    %reduce_sum3A_536 = vector.multi_reduction <add>, %convert_element_type3A_532, %reduce_sum3A_535 [1] : vector<512x128xf32> to vector<512xf32>
    %broadcast_in_dim3A_537 = vector.shape_cast %reduce_sum3A_536 : vector<512xf32> to vector<512x1xf32>
    %broadcast_in_dim3A_538 = vector.shape_cast %broadcast_in_dim3A_537 : vector<512x1xf32> to vector<512x1xf32>
    %broadcast_in_dim3A_539 = vector.broadcast %broadcast_in_dim3A_538 : vector<512x1xf32> to vector<512x128xf32>
    %dot_general3A_540 = arith.constant dense<0.000000e+00> : vector<512x128xf32>
    %dot_general3A_541 = tpu.matmul %convert_element_type3A_7, %broadcast_in_dim3A_539, %dot_general3A_540 {dimension_numbers = #tpu.dot_dimension_numbers<[1], [0], [0], [1], [0, 0, 1, 1], [], []>, precision = #tpu.contract_precision<fp32>, transpose_lhs_hint = false} : vector<512x512xf32>, vector<512x128xf32>, vector<512x128xf32> -> vector<512x128xf32>
    %add3A_542 = arith.addf %dot_general3A_534, %dot_general3A_541 : vector<512x128xf32>
    %reduce_sum3A_543 = vector.shape_cast %broadcast_in_dim3A_537 : vector<512x1xf32> to vector<1x512x1xf32>
    %reduce_sum3A_544 = arith.constant dense<0.000000e+00> : vector<1xf32>
    %reduce_sum3A_545 = vector.multi_reduction <add>, %reduce_sum3A_543, %reduce_sum3A_544 [1, 2] : vector<1x512x1xf32> to vector<1xf32>
    %reduce_sum3A_546 = vector.shape_cast %reduce_sum3A_545 : vector<1xf32> to vector<1x1x1xf32>
    %reduce_sum3A_547 = vector.extract %reduce_sum3A_546[0, 0, 0] : f32 from vector<1x1x1xf32>
    %gt3A_548 = arith.constant 0.000000e+00 : f32
    %gt3A_549 = vector.broadcast %gt3A_548 : f32 to vector<512x128xf32>
    %gt3A_550 = arith.cmpf ogt, %convert_element_type3A_532, %gt3A_549 : vector<512x128xf32>
    %add3A_551 = vector.broadcast %add3A_527 : f32 to vector<512x128xf32>
    %add3A_552 = arith.addf %add3A_551, %add3A_542 : vector<512x128xf32>
    %select_n3A_553 = arith.select %gt3A_550, %add3A_552, %select_n3A_516 : vector<512x128xi1>, vector<512x128xf32>
    %ge3A_554 = vector.broadcast %add3A_527 : f32 to vector<1x512xf32>
    %ge3A_555 = arith.cmpf oge, %mul3A_11, %ge3A_554 : vector<1x512xf32>
    %convert_element_type3A_556 = arith.extui %ge3A_555 : vector<1x512xi1> to vector<1x512xi32>
    %convert_element_type3A_557 = arith.sitofp %convert_element_type3A_556 : vector<1x512xi32> to vector<1x512xf32>
    %add3A_558 = arith.addf %add3A_521, %convert_element_type3A_557 : vector<1x512xf32>
    %div3A_559 = arith.constant 2.560000e+02 : f32
    %div3A_560 = arith.divf %reduce_sum3A_547, %div3A_559 : f32
    %ceil3A_561 = math.ceil %div3A_560 : f32
    %mul3A_562 = arith.constant 2.560000e+02 : f32
    %mul3A_563 = arith.mulf %ceil3A_561, %mul3A_562 : f32
    %add3A_564 = arith.addf %add3A_527, %mul3A_563 : f32
    %eq3A_565 = arith.constant 15 : i32
    %eq3A_566 = vector.broadcast %eq3A_565 : i32 to vector<512x128xi32>
    %eq3A_567 = arith.cmpi eq, %get3A_1, %eq3A_566 : vector<512x128xi32>
    %convert_element_type3A_568 = arith.extui %eq3A_567 : vector<512x128xi1> to vector<512x128xi32>
    %convert_element_type3A_569 = arith.sitofp %convert_element_type3A_568 : vector<512x128xi32> to vector<512x128xf32>
    %dot_general3A_570 = arith.constant dense<0.000000e+00> : vector<512x128xf32>
    %dot_general3A_571 = tpu.matmul %convert_element_type3A_569, %convert_element_type3A_3, %dot_general3A_570 {dimension_numbers = #tpu.dot_dimension_numbers<[1], [0], [0], [1], [0, 0, 1, 1], [], []>, precision = #tpu.contract_precision<fp32>, transpose_lhs_hint = false} : vector<512x128xf32>, vector<128x128xf32>, vector<512x128xf32> -> vector<512x128xf32>
    %reduce_sum3A_572 = arith.constant dense<0.000000e+00> : vector<512xf32>
    %reduce_sum3A_573 = vector.multi_reduction <add>, %convert_element_type3A_569, %reduce_sum3A_572 [1] : vector<512x128xf32> to vector<512xf32>
    %broadcast_in_dim3A_574 = vector.shape_cast %reduce_sum3A_573 : vector<512xf32> to vector<512x1xf32>
    %broadcast_in_dim3A_575 = vector.shape_cast %broadcast_in_dim3A_574 : vector<512x1xf32> to vector<512x1xf32>
    %broadcast_in_dim3A_576 = vector.broadcast %broadcast_in_dim3A_575 : vector<512x1xf32> to vector<512x128xf32>
    %dot_general3A_577 = arith.constant dense<0.000000e+00> : vector<512x128xf32>
    %dot_general3A_578 = tpu.matmul %convert_element_type3A_7, %broadcast_in_dim3A_576, %dot_general3A_577 {dimension_numbers = #tpu.dot_dimension_numbers<[1], [0], [0], [1], [0, 0, 1, 1], [], []>, precision = #tpu.contract_precision<fp32>, transpose_lhs_hint = false} : vector<512x512xf32>, vector<512x128xf32>, vector<512x128xf32> -> vector<512x128xf32>
    %add3A_579 = arith.addf %dot_general3A_571, %dot_general3A_578 : vector<512x128xf32>
    %gt3A_580 = arith.constant 0.000000e+00 : f32
    %gt3A_581 = vector.broadcast %gt3A_580 : f32 to vector<512x128xf32>
    %gt3A_582 = arith.cmpf ogt, %convert_element_type3A_569, %gt3A_581 : vector<512x128xf32>
    %add3A_583 = vector.broadcast %add3A_564 : f32 to vector<512x128xf32>
    %add3A_584 = arith.addf %add3A_583, %add3A_579 : vector<512x128xf32>
    %select_n3A_585 = arith.select %gt3A_582, %add3A_584, %select_n3A_553 : vector<512x128xi1>, vector<512x128xf32>
    %ge3A_586 = vector.broadcast %add3A_564 : f32 to vector<1x512xf32>
    %ge3A_587 = arith.cmpf oge, %mul3A_11, %ge3A_586 : vector<1x512xf32>
    %convert_element_type3A_588 = arith.extui %ge3A_587 : vector<1x512xi1> to vector<1x512xi32>
    %convert_element_type3A_589 = arith.sitofp %convert_element_type3A_588 : vector<1x512xi32> to vector<1x512xf32>
    %add3A_590 = arith.addf %add3A_558, %convert_element_type3A_589 : vector<1x512xf32>
    %convert_element_type3A_591 = arith.fptosi %select_n3A_585 : vector<512x128xf32> to vector<512x128xi32>
    %swap3A = arith.constant 0 : index
    %swap3A_592 = arith.constant 0 : index
    %swap3A_593 = vector.load %arg1[%swap3A, %swap3A_592] : memref<512x128xi32, #tpu.memory_space<vmem>>, vector<512x128xi32>
    tpu.vector_store %arg1[%swap3A, %swap3A_592], %convert_element_type3A_591 {strides = array<i32>} : memref<512x128xi32, #tpu.memory_space<vmem>>, vector<512x128xi32>,
    %sub3A = arith.constant 1.000000e+00 : f32
    %sub3A_594 = vector.broadcast %sub3A : f32 to vector<1x512xf32>
    %sub3A_595 = arith.subf %add3A_590, %sub3A_594 : vector<1x512xf32>
    %jit3A = arith.constant 0.000000e+00 : f32
    %jit3A_596 = arith.constant 1.500000e+01 : f32
    %max3A = vector.broadcast %jit3A : f32 to vector<1x512xf32>
    %max3A_597 = arith.maximumf %max3A, %sub3A_595 : vector<1x512xf32>
    %min3A = vector.broadcast %jit3A_596 : f32 to vector<1x512xf32>
    %min3A_598 = arith.minimumf %min3A, %max3A_597 : vector<1x512xf32>
    %convert_element_type3A_599 = arith.fptosi %min3A_598 : vector<1x512xf32> to vector<1x512xi32>
    %swap3A_600 = arith.constant 0 : index
    %swap3A_601 = arith.constant 0 : index
    %swap3A_602 = vector.load %arg2[%swap3A_600, %swap3A_601] : memref<1x512xi32, #tpu.memory_space<vmem>>, vector<1x512xi32>
    tpu.vector_store %arg2[%swap3A_600, %swap3A_601], %convert_element_type3A_599 {strides = array<i32>} : memref<1x512xi32, #tpu.memory_space<vmem>>, vector<1x512xi32>,
    return
  }
}

module attributes {stable_mosaic.version = 14 : i64} {
  func.func @_ffn_body(%arg0: i32, %arg1: memref<272xi32, #tpu.memory_space<smem>>, %arg2: memref<256x1024xf32, #tpu.memory_space<vmem>>, %arg3: memref<1x512x1024xbf16, #tpu.memory_space<vmem>>, %arg4: memref<1x1x512xf32, #tpu.memory_space<vmem>>, %arg5: memref<1x1024x512xbf16, #tpu.memory_space<vmem>>, %arg6: memref<1x1x1024xf32, #tpu.memory_space<vmem>>, %arg7: memref<256x1024xf32, #tpu.memory_space<vmem>>) attributes {dimension_semantics = [#tpu.dimension_semantics<arbitrary>], iteration_bounds = array<i64: 272>, scalar_prefetch = 1 : i64, scratch_operands = 0 : i64, tpu.core_type = #tpu.core_type<tc>, window_params = [{transform_indices = @transform_0, window_bounds = array<i64: 256, 1024>}, {transform_indices = @transform_1, window_bounds = array<i64: 1, 512, 1024>}, {transform_indices = @transform_2, window_bounds = array<i64: 1, 1, 512>}, {transform_indices = @transform_3, window_bounds = array<i64: 1, 1024, 512>}, {transform_indices = @transform_4, window_bounds = array<i64: 1, 1, 1024>}, {transform_indices = @transform_5, window_bounds = array<i64: 256, 1024>}]} {
    %get3A = arith.constant 0 : index
    %get3A_0 = arith.constant 0 : index
    %get3A_1 = vector.load %arg2[%get3A, %get3A_0] : memref<256x1024xf32, #tpu.memory_space<vmem>>, vector<256x1024xf32>
    %convert_element_type3A = arith.truncf %get3A_1 : vector<256x1024xf32> to vector<256x1024xbf16>
    %get3A_2 = arith.constant 0 : index
    %get3A_3 = arith.constant 0 : index
    %get3A_4 = arith.constant 0 : index
    %get3A_5 = vector.load %arg3[%get3A_2, %get3A_3, %get3A_4] : memref<1x512x1024xbf16, #tpu.memory_space<vmem>>, vector<1x512x1024xbf16>
    %get3A_6 = vector.shape_cast %get3A_5 : vector<1x512x1024xbf16> to vector<512x1024xbf16>
    %dot_general3A = arith.constant dense<0.000000e+00> : vector<256x512xf32>
    %dot_general3A_7 = tpu.matmul %convert_element_type3A, %get3A_6, %dot_general3A {dimension_numbers = #tpu.dot_dimension_numbers<[1], [1], [0], [0], [0, 0, 1, 0], [], []>, transpose_lhs_hint = false} : vector<256x1024xbf16>, vector<512x1024xbf16>, vector<256x512xf32> -> vector<256x512xf32>
    %get3A_8 = arith.constant 0 : index
    %get3A_9 = arith.constant 0 : index
    %get3A_10 = arith.constant 0 : index
    %get3A_11 = vector.load %arg4[%get3A_8, %get3A_9, %get3A_10] : memref<1x1x512xf32, #tpu.memory_space<vmem>>, vector<1x1x512xf32>
    %get3A_12 = vector.shape_cast %get3A_11 : vector<1x1x512xf32> to vector<1x512xf32>
    %add3A = vector.broadcast %get3A_12 : vector<1x512xf32> to vector<256x512xf32>
    %add3A_13 = arith.addf %dot_general3A_7, %add3A : vector<256x512xf32>
    %mul3A = arith.constant 0.707106769 : f32
    %mul3A_14 = vector.broadcast %mul3A : f32 to vector<256x512xf32>
    %mul3A_15 = arith.mulf %add3A_13, %mul3A_14 : vector<256x512xf32>
    %abs3A = math.absf %mul3A_15 : vector<256x512xf32>
    %mul3A_16 = arith.constant 0.327591091 : f32
    %mul3A_17 = vector.broadcast %mul3A_16 : f32 to vector<256x512xf32>
    %mul3A_18 = arith.mulf %mul3A_17, %abs3A : vector<256x512xf32>
    %add3A_19 = arith.constant 1.000000e+00 : f32
    %add3A_20 = vector.broadcast %add3A_19 : f32 to vector<256x512xf32>
    %add3A_21 = arith.addf %add3A_20, %mul3A_18 : vector<256x512xf32>
    %div3A = arith.constant 1.000000e+00 : f32
    %div3A_22 = vector.broadcast %div3A : f32 to vector<256x512xf32>
    %div3A_23 = arith.divf %div3A_22, %add3A_21 : vector<256x512xf32>
    %mul3A_24 = arith.constant 1.06140542 : f32
    %mul3A_25 = vector.broadcast %mul3A_24 : f32 to vector<256x512xf32>
    %mul3A_26 = arith.mulf %div3A_23, %mul3A_25 : vector<256x512xf32>
    %add3A_27 = arith.constant -1.45315206 : f32
    %add3A_28 = vector.broadcast %add3A_27 : f32 to vector<256x512xf32>
    %add3A_29 = arith.addf %add3A_28, %mul3A_26 : vector<256x512xf32>
    %mul3A_30 = arith.mulf %div3A_23, %add3A_29 : vector<256x512xf32>
    %add3A_31 = arith.constant 1.42141378 : f32
    %add3A_32 = vector.broadcast %add3A_31 : f32 to vector<256x512xf32>
    %add3A_33 = arith.addf %add3A_32, %mul3A_30 : vector<256x512xf32>
    %mul3A_34 = arith.mulf %div3A_23, %add3A_33 : vector<256x512xf32>
    %add3A_35 = arith.constant -0.284496725 : f32
    %add3A_36 = vector.broadcast %add3A_35 : f32 to vector<256x512xf32>
    %add3A_37 = arith.addf %add3A_36, %mul3A_34 : vector<256x512xf32>
    %mul3A_38 = arith.mulf %div3A_23, %add3A_37 : vector<256x512xf32>
    %add3A_39 = arith.constant 0.254829586 : f32
    %add3A_40 = vector.broadcast %add3A_39 : f32 to vector<256x512xf32>
    %add3A_41 = arith.addf %add3A_40, %mul3A_38 : vector<256x512xf32>
    %mul3A_42 = arith.mulf %div3A_23, %add3A_41 : vector<256x512xf32>
    %neg3A = arith.constant 0.000000e+00 : f32
    %neg3A_43 = vector.broadcast %neg3A : f32 to vector<256x512xf32>
    %neg3A_44 = arith.subf %neg3A_43, %abs3A : vector<256x512xf32>
    %mul3A_45 = arith.mulf %neg3A_44, %abs3A : vector<256x512xf32>
    %exp3A = math.exp %mul3A_45 : vector<256x512xf32>
    %mul3A_46 = arith.mulf %mul3A_42, %exp3A : vector<256x512xf32>
    %sub3A = arith.constant 1.000000e+00 : f32
    %sub3A_47 = vector.broadcast %sub3A : f32 to vector<256x512xf32>
    %sub3A_48 = arith.subf %sub3A_47, %mul3A_46 : vector<256x512xf32>
    %lt3A = arith.constant 0.000000e+00 : f32
    %lt3A_49 = vector.broadcast %lt3A : f32 to vector<256x512xf32>
    %lt3A_50 = arith.cmpf olt, %mul3A_15, %lt3A_49 : vector<256x512xf32>
    %neg3A_51 = arith.constant 0.000000e+00 : f32
    %neg3A_52 = vector.broadcast %neg3A_51 : f32 to vector<256x512xf32>
    %neg3A_53 = arith.subf %neg3A_52, %sub3A_48 : vector<256x512xf32>
    %select_n3A = arith.select %lt3A_50, %neg3A_53, %sub3A_48 : vector<256x512xi1>, vector<256x512xf32>
    %mul3A_54 = arith.constant 5.000000e-01 : f32
    %mul3A_55 = vector.broadcast %mul3A_54 : f32 to vector<256x512xf32>
    %mul3A_56 = arith.mulf %mul3A_55, %add3A_13 : vector<256x512xf32>
    %add3A_57 = arith.constant 1.000000e+00 : f32
    %add3A_58 = vector.broadcast %add3A_57 : f32 to vector<256x512xf32>
    %add3A_59 = arith.addf %add3A_58, %select_n3A : vector<256x512xf32>
    %mul3A_60 = arith.mulf %mul3A_56, %add3A_59 : vector<256x512xf32>
    %convert_element_type3A_61 = arith.truncf %mul3A_60 : vector<256x512xf32> to vector<256x512xbf16>
    %get3A_62 = arith.constant 0 : index
    %get3A_63 = arith.constant 0 : index
    %get3A_64 = arith.constant 0 : index
    %get3A_65 = vector.load %arg5[%get3A_62, %get3A_63, %get3A_64] : memref<1x1024x512xbf16, #tpu.memory_space<vmem>>, vector<1x1024x512xbf16>
    %get3A_66 = vector.shape_cast %get3A_65 : vector<1x1024x512xbf16> to vector<1024x512xbf16>
    %dot_general3A_67 = arith.constant dense<0.000000e+00> : vector<256x1024xf32>
    %dot_general3A_68 = tpu.matmul %convert_element_type3A_61, %get3A_66, %dot_general3A_67 {dimension_numbers = #tpu.dot_dimension_numbers<[1], [1], [0], [0], [0, 0, 1, 0], [], []>, transpose_lhs_hint = false} : vector<256x512xbf16>, vector<1024x512xbf16>, vector<256x1024xf32> -> vector<256x1024xf32>
    %get3A_69 = arith.constant 0 : index
    %get3A_70 = arith.constant 0 : index
    %get3A_71 = arith.constant 0 : index
    %get3A_72 = vector.load %arg6[%get3A_69, %get3A_70, %get3A_71] : memref<1x1x1024xf32, #tpu.memory_space<vmem>>, vector<1x1x1024xf32>
    %get3A_73 = vector.shape_cast %get3A_72 : vector<1x1x1024xf32> to vector<1x1024xf32>
    %add3A_74 = vector.broadcast %get3A_73 : vector<1x1024xf32> to vector<256x1024xf32>
    %add3A_75 = arith.addf %dot_general3A_68, %add3A_74 : vector<256x1024xf32>
    %swap3A = arith.constant 0 : index
    %swap3A_76 = arith.constant 0 : index
    %swap3A_77 = vector.load %arg7[%swap3A, %swap3A_76] : memref<256x1024xf32, #tpu.memory_space<vmem>>, vector<256x1024xf32>
    tpu.vector_store %arg7[%swap3A, %swap3A_76], %add3A_75 {strides = array<i32>} : memref<256x1024xf32, #tpu.memory_space<vmem>>, vector<256x1024xf32>,
    return
  }
  func.func @transform_0(%arg0: i32, %arg1: memref<272xi32, #tpu.memory_space<smem>>) -> (i32, i32) {
    %c0_i32 = arith.constant 0 : i32
    %c0_i32_0 = arith.constant 0 : i32
    return %arg0, %c0_i32 : i32, i32
  }
  func.func @transform_1(%arg0: i32, %arg1: memref<272xi32, #tpu.memory_space<smem>>) -> (i32, i32, i32) {
    %get3A = arith.index_cast %arg0 : i32 to index
    %get3A_0 = memref.load %arg1[%get3A] : memref<272xi32, #tpu.memory_space<smem>>
    %c0_i32 = arith.constant 0 : i32
    %c0_i32_1 = arith.constant 0 : i32
    %c0_i32_2 = arith.constant 0 : i32
    return %get3A_0, %c0_i32, %c0_i32_1 : i32, i32, i32
  }
  func.func @transform_2(%arg0: i32, %arg1: memref<272xi32, #tpu.memory_space<smem>>) -> (i32, i32, i32) {
    %get3A = arith.index_cast %arg0 : i32 to index
    %get3A_0 = memref.load %arg1[%get3A] : memref<272xi32, #tpu.memory_space<smem>>
    %c0_i32 = arith.constant 0 : i32
    %c0_i32_1 = arith.constant 0 : i32
    %c0_i32_2 = arith.constant 0 : i32
    return %get3A_0, %c0_i32, %c0_i32_1 : i32, i32, i32
  }
  func.func @transform_3(%arg0: i32, %arg1: memref<272xi32, #tpu.memory_space<smem>>) -> (i32, i32, i32) {
    %get3A = arith.index_cast %arg0 : i32 to index
    %get3A_0 = memref.load %arg1[%get3A] : memref<272xi32, #tpu.memory_space<smem>>
    %c0_i32 = arith.constant 0 : i32
    %c0_i32_1 = arith.constant 0 : i32
    %c0_i32_2 = arith.constant 0 : i32
    return %get3A_0, %c0_i32, %c0_i32_1 : i32, i32, i32
  }
  func.func @transform_4(%arg0: i32, %arg1: memref<272xi32, #tpu.memory_space<smem>>) -> (i32, i32, i32) {
    %get3A = arith.index_cast %arg0 : i32 to index
    %get3A_0 = memref.load %arg1[%get3A] : memref<272xi32, #tpu.memory_space<smem>>
    %c0_i32 = arith.constant 0 : i32
    %c0_i32_1 = arith.constant 0 : i32
    %c0_i32_2 = arith.constant 0 : i32
    return %get3A_0, %c0_i32, %c0_i32_1 : i32, i32, i32
  }
  func.func @transform_5(%arg0: i32, %arg1: memref<272xi32, #tpu.memory_space<smem>>) -> (i32, i32) {
    %c0_i32 = arith.constant 0 : i32
    %c0_i32_0 = arith.constant 0 : i32
    return %arg0, %c0_i32 : i32, i32
  }
}

</mosaic_0001>

<sc_bundles>
// kernel: kernel.10.cloned.1.call-start
scs
__scs_entry_jumppad:
0x0: {  	(pc) =	sbr.rel $0x88, $3  }
0x1: {  	(tag) =	ssettag $0x0;
	lr =	simm.s32 $0x1  }
0x2: {  	[smem:$0x3F9A] =	sst lr;
	_ =	strace $0xD0000000  }
0x3: {  	_ = 	snop  }
0x4: {  	_ = 	snop  }
0x5: {  	_ = 	snop  }
0x6: {  	_ = 	snop  }
0x7: {  	_ = 	snop  }
__scs_overlays_trampoline_lowered:
0x8: {  	[smem:$0x3FA9] =	sst s0  }
0x9: {  	[smem:$0x3FAA] =	sst s1  }
0xa: {  	[smem:$0x3FAB] =	sst s2  }
0xb: {  	[smem:$0x3FAC] =	sst s3  }
0xc: {  	[smem:$0x3FAD] =	sst s4  }
0xd: {  	[smem:$0x3FAE] =	sst s5  }
0xe: {  	[smem:$0x3FAF] =	sst s6  }
0xf: {  	[smem:$0x3FB0] =	sst s7  }
0x10: {  	[smem:$0x3FB1] =	sst s8  }
0x11: {  	[smem:$0x3FB2] =	sst s9;
	s0 =	simm.s32 @!p0 $0x0  }
0x12: {  	s1 =	sld [smem:$0x3F98];
	s0 =	simm.s32 @p0 $0x1  }
0x13: {  	[smem:$0x3FB3] =	sst s0;
	s0 =	simm.s32 @!p1 $0x0  }
0x14: {  	s2 =	sld [smem:$0x3F97];
	s0 =	simm.s32 @p1 $0x1  }
0x15: {  	[smem:$0x3FB4] =	sst s0;
	s0 =	simm.s32 @!p2 $0x0  }
0x16: {  	s3 =	sld [smem:$0x3FDB];
	s0 =	simm.s32 @p2 $0x1  }
0x17: {  	s4 =	simm.s32 $0x1BF5;
	[smem:$0x3FB6] =	sst s0  }
0x18: {  	s0 =	sld [smem:$0x3F99];
	_ =	swait.ge [sflag:s4], $0x0  }
0x19: {  	s7 =	sld [smem:$0x3F9A]  }
0x1a: {  	s8 =	sadd.s32 $0xFFFFE003, lr  }
0x1b: {  	s9 =	sadd.s32 $0xFFFFFEF7, lr;
	s5 =	simm.s32 $0xFFFFFFFF;
	p2 =	slt.u32 s8, $0xFFFFF086  }
0x1c: {  	p1 =	slt.u32 s9, $0xF7A;
	s5 =	simm.s32 @!p2 $0x0  }
0x1d: {  	s5 =	simm.s32 @p1 $0x1;
	p0 =	seq.s32 s7, s2  }
0x1e: {  	s7 =	smul.u32 @!p0 $0xF7A, s2;
	p2 =	seq.s32 @!p0 s5, $0x0  }
0x1f: {  	s9 =	smul.u32 $0xF7A, s1;
	s8 =	simm.s32 @!p0 $0x1BF5;
	p2 =	por !p2, p0  }
0x20: {  	[sflag:s8] =	ssyncset.s32 @!p0 $0xFFFFF086;
	s6 =	sadd.s32 @!p0 s3, s7;
	s7 =	simm.s32 @!p0 $0x108  }
0x21: {  	s3 =	sadd.s32 s3, s9;
	s6 =	sadd.s32 @!p0 $0x88, s6;
	s7 =	simm.s32 @p2 $0x1082  }
0x22: {  	[simem:s7], [sflag:s8] =	dma.local @!p0 [hbm:s6], $0xF7A  }
0x23: {  	s9 =	sor.u32 $0xD0000000, s2;
	s6 =	simm.s32 $0x108;
	_ =	swait.ge @!p0 [sflag:s8], $0x0  }
0x24: {  	s3 =	sadd.s32 $0x88, s3;
	s6 =	simm.s32 @!p1 $0x1082;
	[sflag:s4] =	ssyncset.s32 $0xFFFFF086  }
0x25: {  	[simem:s6], [sflag:s4] =	dma.local [hbm:s3], $0xF7A  }
0x26: {  	[smem:$0x3F9A] =	sst s1;
	(tag) =	ssettag s2;
	_ =	strace s9  }
0x27: {  	s1 =	sld [smem:$0x3FAA]  }
0x28: {  	s2 =	sld [smem:$0x3FAB]  }
0x29: {  	s4 =	sld [smem:$0x3FAD]  }
0x2a: {  	p0 =	seq.s32 s5, $0x0;
	s5 =	sld [smem:$0x3FAE]  }
0x2b: {  	s6 =	sld [smem:$0x3FAF]  }
0x2c: {  	s7 =	sld [smem:$0x3FB0]  }
0x2d: {  	s3 =	simm.s32 $0x108;
	s8 =	sld [smem:$0x3FB1]  }
0x2e: {  	s3 =	simm.s32 @!p0 $0x1082;
	s9 =	sld [smem:$0x3FB2]  }
0x2f: {  	lr =	sadd.s32 s0, s3;
	s0 =	sld [smem:$0x3FA9]  }
0x30: {  	s3 =	sld [smem:$0x3FAC]  }
0x31: {  	[smem:$0x3FB5] =	sst s10  }
0x32: {  	s10 =	sld [smem:$0x3FB3];
	_ =	sdelay $0x3  }
0x33: {  	p0 =	seq.s32 s10, $0x1;
	s10 =	sld [smem:$0x3FB5];
	_ =	sdelay $0x3  }
0x34: {  	[smem:$0x3FB5] =	sst s10  }
0x35: {  	s10 =	sld [smem:$0x3FB4];
	_ =	sdelay $0x3  }
0x36: {  	p1 =	seq.s32 s10, $0x1;
	s10 =	sld [smem:$0x3FB5];
	_ =	sdelay $0x3  }
0x37: {  	[smem:$0x3FB5] =	sst s10  }
0x38: {  	s10 =	sld [smem:$0x3FB6]  }
0x39: {  	_ = 	snop;
	(pc) =	sbr.ind lr, $3  }
0x3a: {  	_ = 	snop  }
0x3b: {  	_ = 	snop  }
0x3c: {  	p2 =	seq.s32 s10, $0x1;
	s10 =	sld [smem:$0x3FB5]  }
0x3d: {  	_ =	shalt  }
0x3e: {  	_ =	shalt  }
0x3f: {  	_ =	shalt  }
0x40: {  	_ =	shalt  }
0x41: {  	_ =	shalt  }
0x42: {  	_ =	shalt  }
0x43: {  	_ =	shalt  }
0x44: {  	_ =	shalt  }
0x45: {  	_ =	shalt  }
0x46: {  	_ =	shalt  }
0x47: {  	_ =	shalt  }
0x48: {  	_ =	shalt  }
0x49: {  	_ =	shalt  }
0x4a: {  	_ =	shalt  }
0x4b: {  	_ =	shalt  }
0x4c: {  	_ =	shalt  }
0x4d: {  	_ =	shalt  }
0x4e: {  	_ =	shalt  }
0x4f: {  	_ =	shalt  }
0x50: {  	_ =	shalt  }
0x51: {  	_ =	shalt  }
0x52: {  	_ =	shalt  }
0x53: {  	_ =	shalt  }
0x54: {  	_ =	shalt  }
0x55: {  	_ =	shalt  }
0x56: {  	_ =	shalt  }
0x57: {  	_ =	shalt  }
0x58: {  	_ =	shalt  }
0x59: {  	_ =	shalt  }
0x5a: {  	_ =	shalt  }
0x5b: {  	_ =	shalt  }
0x5c: {  	_ =	shalt  }
0x5d: {  	_ =	shalt  }
0x5e: {  	_ =	shalt  }
0x5f: {  	_ =	shalt  }
0x60: {  	_ =	shalt  }
0x61: {  	_ =	shalt  }
0x62: {  	_ =	shalt  }
0x63: {  	_ =	shalt  }
0x64: {  	_ =	shalt  }
0x65: {  	_ =	shalt  }
0x66: {  	_ =	shalt  }
0x67: {  	_ =	shalt  }
0x68: {  	_ =	shalt  }
0x69: {  	_ =	shalt  }
0x6a: {  	_ =	shalt  }
0x6b: {  	_ =	shalt  }
0x6c: {  	_ =	shalt  }
0x6d: {  	_ =	shalt  }
0x6e: {  	_ =	shalt  }
0x6f: {  	_ =	shalt  }
0x70: {  	_ =	shalt  }
0x71: {  	_ =	shalt  }
0x72: {  	_ =	shalt  }
0x73: {  	_ =	shalt  }
0x74: {  	_ =	shalt  }
0x75: {  	_ =	shalt  }
0x76: {  	_ =	shalt  }
0x77: {  	_ =	shalt  }
0x78: {  	_ =	shalt  }
0x79: {  	_ =	shalt  }
0x7a: {  	_ =	shalt  }
0x7b: {  	_ =	shalt  }
0x7c: {  	_ =	shalt  }
0x7d: {  	_ =	shalt  }
0x7e: {  	_ =	shalt  }
0x7f: {  	_ =	shalt  }
0x80: {  	_ =	shalt  }
0x81: {  	_ =	shalt  }
0x82: {  	_ =	shalt  }
0x83: {  	_ =	shalt  }
0x84: {  	_ =	shalt  }
0x85: {  	_ =	shalt  }
0x86: {  	_ =	shalt  }
0x87: {  	_ =	shalt  }
.Lfunc_end0:
.L_simem_size_0:
called_computation.1_lowered:
.L_overlay_start_0:
0x88: {  	s2 =	sld [smem:$0x3FD9]  }
0x89: {  	s3 =	sld [smem:$0x3FFE];
	_ =	sdelay $0x1  }
0x8a: {  	s1 =	srdreg.scid  }
0x8b: {  	s0 =	sand.u32 $0x1, s1  }
0x8c: {  	s17 =	sshll.u32 s0, $0xA;
	s2 =	sadd.s32 s3, s2  }
0x8d: {  	s2 =	sadd.s32 s2, s17  }
0x8e: {  	[smem:$0x3FC1] =	sst s2  }
0x8f: {  	_ = 	snop  }
0x90: {  	s2 =	sld [smem:$0x3FD0];
	(tm) =	ssettm $0x1  }
0x91: {  	s18 =	sld [smem:$0x3FFB];
	_ =	sdelay $0x3  }
0x92: {  	_ =	strace s18  }
0x93: {  	s3 =	sld [smem:$0x3FFC];
	_ =	sdelay $0x3  }
0x94: {  	_ =	strace s3  }
0x95: {  	s3 =	sld [smem:$0x3FFD];
	_ =	sdelay $0x3  }
0x96: {  	_ =	strace s3  }
0x97: {  	_ =	strace $0x8FFFFFFF  }
0x98: {  	s19 =	sld [smem:$0x3FDB];
	_ =	sdelay $0x1  }
0x99: {  	s4 =	simm.s32 $_scs_section_size  }
0x9a: {  	s5 =	simm.s32 $_size__tile_overlayer_lowered;
	s6 =	simm.s32 $_tile_overlayer_lowered  }
0x9b: {  	s22 =	simm.s32 $0x1BFF;
	s21 =	sshll.u32 s6, $0x1;
	s3 =	sadd.s32 s4, s19  }
0x9c: {  	s7 =	simm.s32 $0x0;
	s20 =	sshll.u32 s5, $0x1;
	s5 =	sadd.s32 s21, s3  }
0x9d: {  	[timem:s7], [sflag:s22] =	dma.local [hbm:s5], s20  }
0x9e: {  	_ =	swait.ge [sflag:s22], s20  }
0x9f: {  	s4 =	ssub.s32 $0x0, s20;
	[sflag:s22] =	ssyncset.done $0x0  }
0xa0: {  	[sflag:s22] =	ssyncadd.s32 s4;
	_ =	sdelay $0x1  }
0xa1: {  	s23 =	simm.s32 $0x1B8B  }
0xa2: {  	_ =	swait.ge [sflag:s23], $0x1  }
0xa3: {  	[sflag:s23] =	ssyncset.done $0x0  }
0xa4: {  	s25 =	simm.s32 $0x1B8E;
	s24 =	sld [smem:$0x3FFE];
	[sflag:s23] =	ssyncadd.s32 $0xFFFFFFFF  }
0xa5: {  	s26 =	simm.s32 $execute0_lowered;
	[smem:$0x3FD2] =	sst s25  }
0xa6: {  	s5 =	sshll.u32 s26, $0x1;
	_ =	strace $0x80000049;
	[dreg:$0x1] =	wrdreg $0xFFFFFFFF  }
0xa7: {  	s28 =	simm.s32 $_size_execute0_lowered;
	s3 =	sadd.s32 s3, s5;
	[dreg:$0x0] =	wrdreg $0x0  }
0xa8: {  	s5 =	sshll.u32 s28, $0x1;
	[dreg:$0x2] =	wrdreg s3  }
0xa9: {  	[dreg:$0x3] =	wrdreg s5  }
0xaa: {  	[dreg:$0x4] =	wrdreg $0xC0  }
0xab: {  	_ =	task [dreg:s7], $0x5FFFF  }
0xac: {  	[dreg:$0x1] =	wrdreg $0xFFFFFFFF  }
0xad: {  	[dreg:$0x0] =	wrdreg $0x60  }
0xae: {  	[dreg:$0x2] =	wrdreg s24  }
0xaf: {  	[dreg:$0x3] =	wrdreg s2  }
0xb0: {  	[dreg:$0x4] =	wrdreg $0x9  }
0xb1: {  	_ =	task.clear_ibuf [dreg:s7], $0x5FFFF;
	_ =	strace $0x90000049  }
0xb2: {  	s29 =	simm.s32 $0x9;
	_ =	strace $0x8000004B  }
0xb3: {  	_ =	swait.ge [sflag:s29], $0x1  }
0xb4: {  	[sflag:s29] =	ssyncadd.s32 $0xFFFFFFFF  }
0xb5: {  	_ =	strace $0x9000004B  }
0xb6: {  	_ =	sfence  }
0xb7: {  	s30 =	sld [smem:$0x0];
	_ =	sdelay $0x2  }
0xb8: {  	s31 =	sshll.u32 s1, $0xD;
	s1 =	sshrl.u32 s1, $0x2  }
0xb9: {  	s3 =	sand.u32 $0x4000, s31;
	s1 =	sadd.s32 s1, s30  }
0xba: {  	s0 =	sor.u32 s3, s0;
	s1 =	sshll.u32 s1, $0x11  }
0xbb: {  	s0 =	sor.u32 s1, s0  }
0xbc: {  	s0 =	sadd.s32 $0x8F2B, s0  }
0xbd: {  	[sflag:s0] =	ssyncadd.remote.s32 $0x1  }
0xbe: {  	_ =	sfence.sel $0xFFFF  }
0xbf: {  	[dreg:$0x0] =	wrdreg $0xFFFFFFFF;
	(pc) =	sbr.abs _section_cstart, $3  }
0xc0: {  	[dreg:$0x1] =	wrdreg $0xFFFFFFFF  }
0xc1: {  	_ =	task.clear_ibuf [dreg:s7], $0x2FFFF;
	_ =	strace $0x9FFFFFFF  }
0xc2: {  	(tm) =	ssettm $0x7FFFFFFF  }
0xc3: {  	_ =	shalt  }
tec
execute0_lowered:
.L_overlay_start_1:
0x0: {  	(tag) =	ssettag $0x1  }
0x1: {  	s0 =	rddreg [dreg:$0x0];
	s1 =	srdreg.scid  }
0x2: {  	s3 =	stileid.u32;
	s2 =	rddreg [dreg:$0x1];
	s14 =	simm.s32 $0x5  }
0x3: {  	s15 =	simm.s32 $0x2;
	s13 =	simm.s32 $0x15000;
	s16 =	simm.s32 $0x3  }
0x4: {  	s17 =	simm.s32 $0x4;
	s19 =	simm.s32 $0x0;
	s1 =	sand.u32 $0x1, s1  }
0x5: {  	s4 =	sshll.u32 s3, $0x1;
	s3 =	simm.s32 $0x0;
	s6 =	sadd.s32 $0x80E00, s0  }
0x6: {  	s11 =	sadd.s32 $0x99A300, s0;
	s7 =	sor.u32 s1, s4;
	[smem:$0x7FF] =	sst s3  }
0x7: {  	s4 =	sadd.s32 $0x99A000, s0;
	s1 =	ssub.s32 $0x2, s1;
	s5 =	sshll.u32 s7, $0xA  }
0x8: {  	_ =	strace $0x8000004A;
	s9 =	sshrl.u32 s1, $0x1;
	s12 =	sshll.u32 s7, $0x11  }
0x9: {  	s7 =	simm.s32 $0x4000;
	s8 =	sadd.s32 s5, s0;
	s5 =	sadd.s32 $0xE00, s0  }
0xa: {  	s1 =	ssub.s32 s1, s9;
	s9 =	sadd.s32 $0x99A100, s0;
	s10 =	sadd.s32 $0x98A000, s8  }
0xb: {  	v2 =	vlaneseq.u32;
	s8 =	sadd.s32 $0x992000, s8;
	s31 =	smax.u32 s1, $0x1;
	[dreg:$0x3] =	wrdreg s10  }
0xc: {  	vm0 =	vmmov $0xffff;
	v1 =	vshrl.u32 v2, $0x3;
	s1 =	simm.s32 $0x14800;
	[dreg:$0x4] =	wrdreg s8;
	s10 =	sadd.s32 $0x99A200, s0  }
0xd: {  	v0 =	vand.u32 $0x7, v2;
	v2 =	vor.u32 $0x8, v2;
	v1 =	vmul.u32 $0x8, v1;
	[dreg:$0x5] =	wrdreg s31;
	s0 =	simm.s32 $0x1;
	s8 =	simm.s32 $0x4800  }
.LBB2_1:
0xe: {  	[dreg:$0x6] =	wrdreg s19  }
0xf: {  	s18 =	rddreg [dreg:$0x3]  }
0x10: {  	[tilespmem:s3], [sflag:$0x5] =	stream.linear.gather [hbm4b:s18+s3], $0x2000, $0x38;
	[tilespmem:$0x19000] =	vst v63  }
0x11: {  	_ =	swait.ge [sflag:s14], $0x2000  }
0x12: {  	[sflag:s14] =	ssyncset.done $0x0  }
0x13: {  	s26 =	simm.s32 $0x2000;
	s25 =	rddreg [dreg:$0x4];
	[sflag:s14] =	ssyncadd.s32 $0xFFFFE000  }
0x14: {  	[tilespmem:s26], [sflag:$0x5] =	stream.linear.gather [hbm4b:s25+s3], $0x2000, $0x38;
	[tilespmem:$0x19000] =	vst v63  }
0x15: {  	_ =	swait.ge [sflag:s14], $0x2000  }
0x16: {  	[sflag:s14] =	ssyncset.done $0x0  }
0x17: {  	[sflag:s14] =	ssyncadd.s32 $0xFFFFE000  }
0x18: {  	v3 =	vld [tilespmem:$0x0];
	_ =	sdelay $0x4  }
0x19: {  	v4 =	vshll.u32 v3, $0x3  }
0x1a: {  	v3 =	vand.u32 $0x7, v3;
	v4 =	vand.u32 $0xFFFFFFC0, v4  }
0x1b: {  	v3 =	vor.u32 v3, v4  }
0x1c: {  	v4 =	vperm.xlane v3, v0;
	_ =	sdelay $0x1  }
0x1d: {  	v4 =	vadd.s32 v1, v4;
	_ =	sdelay $0x3  }
0x1e: {  	s28 =	simm.s32 $0x5000  }
0x1f: {  	[tilespmem:s28], [sflag:$0x1] =	stream.indirect_vreg.gather [hbm4b:s4+s3], $0x80, v4, vm0, $0xb8;
	[tilespmem:$0x19000] =	vst v63  }
0x20: {  	s29 =	simm.s32 $0x5800;
	v3 =	vperm.xlane v3, v2  }
0x21: {  	[tilespmem:s29], [sflag:$0x1] =	stream.indirect_vreg.gather [hbm4b:s9+s3], $0x80, v4, vm0, $0xb8;
	[tilespmem:$0x19000] =	vst v63  }
0x22: {  	s30 =	simm.s32 $0x6000;
	v3 =	vadd.s32 v1, v3  }
0x23: {  	[tilespmem:s30], [sflag:$0x1] =	stream.indirect_vreg.gather [hbm4b:s10+s3], $0x80, v4, vm0, $0xb8;
	[tilespmem:$0x19000] =	vst v63  }
0x24: {  	s31 =	simm.s32 $0x6800  }
0x25: {  	[tilespmem:s31], [sflag:$0x1] =	stream.indirect_vreg.gather [hbm4b:s11+s3], $0x80, v4, vm0, $0xb8;
	[tilespmem:$0x19000] =	vst v63  }
0x26: {  	s19 =	simm.s32 $0x7000  }
0x27: {  	[tilespmem:s19], [sflag:$0x1] =	stream.indirect_vreg.gather [hbm4b:s4+s3], $0x80, v3, vm0, $0xb8;
	[tilespmem:$0x19000] =	vst v63  }
0x28: {  	s20 =	simm.s32 $0x7800  }
0x29: {  	[tilespmem:s20], [sflag:$0x1] =	stream.indirect_vreg.gather [hbm4b:s9+s3], $0x80, v3, vm0, $0xb8;
	[tilespmem:$0x19000] =	vst v63  }
0x2a: {  	s21 =	simm.s32 $0x8000  }
0x2b: {  	[tilespmem:s21], [sflag:$0x1] =	stream.indirect_vreg.gather [hbm4b:s10+s3], $0x80, v3, vm0, $0xb8;
	[tilespmem:$0x19000] =	vst v63  }
0x2c: {  	s22 =	simm.s32 $0x8800  }
0x2d: {  	[tilespmem:s22], [sflag:$0x1] =	stream.indirect_vreg.gather [hbm4b:s11+s3], $0x80, v3, vm0, $0xb8;
	[tilespmem:$0x19000] =	vst v63  }
0x2e: {  	v3 =	vld [tilespmem:$0x2000];
	_ =	sdelay $0x4  }
0x2f: {  	v63 =	vshll.u32 v3, $0x3  }
0x30: {  	v3 =	vand.u32 $0x7, v3;
	v4 =	vand.u32 $0xFFFFFFC0, v63  }
0x31: {  	v3 =	vor.u32 v3, v4  }
0x32: {  	v4 =	vperm.xlane v3, v0;
	_ =	sdelay $0x1  }
0x33: {  	v4 =	vadd.s32 v1, v4;
	_ =	sdelay $0x3  }
0x34: {  	s23 =	simm.s32 $0x9000  }
0x35: {  	[tilespmem:s23], [sflag:$0x2] =	stream.indirect_vreg.gather [hbm4b:s4+s3], $0x80, v4, vm0, $0xb8;
	[tilespmem:$0x19000] =	vst v63  }
0x36: {  	s24 =	simm.s32 $0x9800;
	v3 =	vperm.xlane v3, v2  }
0x37: {  	[tilespmem:s24], [sflag:$0x2] =	stream.indirect_vreg.gather [hbm4b:s9+s3], $0x80, v4, vm0, $0xb8;
	[tilespmem:$0x19000] =	vst v63  }
0x38: {  	s25 =	simm.s32 $0xA000;
	v3 =	vadd.s32 v1, v3  }
0x39: {  	[tilespmem:s25], [sflag:$0x2] =	stream.indirect_vreg.gather [hbm4b:s10+s3], $0x80, v4, vm0, $0xb8;
	[tilespmem:$0x19000] =	vst v63  }
0x3a: {  	s26 =	simm.s32 $0xA800  }
0x3b: {  	[tilespmem:s26], [sflag:$0x2] =	stream.indirect_vreg.gather [hbm4b:s11+s3], $0x80, v4, vm0, $0xb8;
	[tilespmem:$0x19000] =	vst v63  }
0x3c: {  	s28 =	simm.s32 $0xB000  }
0x3d: {  	[tilespmem:s28], [sflag:$0x2] =	stream.indirect_vreg.gather [hbm4b:s4+s3], $0x80, v3, vm0, $0xb8;
	[tilespmem:$0x19000] =	vst v63  }
0x3e: {  	s29 =	simm.s32 $0xB800  }
0x3f: {  	[tilespmem:s29], [sflag:$0x2] =	stream.indirect_vreg.gather [hbm4b:s9+s3], $0x80, v3, vm0, $0xb8;
	[tilespmem:$0x19000] =	vst v63  }
0x40: {  	s30 =	simm.s32 $0xC000  }
0x41: {  	[tilespmem:s30], [sflag:$0x2] =	stream.indirect_vreg.gather [hbm4b:s10+s3], $0x80, v3, vm0, $0xb8;
	[tilespmem:$0x19000] =	vst v63  }
0x42: {  	s18 =	simm.s32 $0x0;
	s31 =	simm.s32 $0xC800  }
0x43: {  	[tilespmem:s31], [sflag:$0x2] =	stream.indirect_vreg.gather [hbm4b:s11+s3], $0x80, v3, vm0, $0xb8;
	[tilespmem:$0x19000] =	vst v63  }
.LBB2_2:
0x44: {  	_ =	swait.ge [sflag:s0], $0x4000  }
0x45: {  	[sflag:s0] =	ssyncset.done $0x0  }
0x46: {  	[sflag:s0] =	ssyncadd.s32 $0xFFFFC000  }
0x47: {  	_ =	swait.ge [sflag:s15], $0x4000  }
0x48: {  	s19 =	sshllo.u32 s18, $0x1;
	[sflag:s15] =	ssyncset.done $0x0  }
0x49: {  	s21 =	sshll.u32 s19, $0x7;
	[sflag:s15] =	ssyncadd.s32 $0xFFFFC000  }
0x4a: {  	v3 =	vld [tilespmem:s21+$0x0];
	_ =	sdelay $0x4  }
0x4b: {  	v4 =	vshll.u32 v3, $0x3  }
0x4c: {  	v3 =	vand.u32 $0x7, v3;
	v4 =	vand.u32 $0xFFFFFFC0, v4  }
0x4d: {  	v3 =	vor.u32 v3, v4  }
0x4e: {  	v4 =	vperm.xlane v3, v0;
	_ =	sdelay $0x1  }
0x4f: {  	v4 =	vadd.s32 v1, v4;
	_ =	sdelay $0x3  }
0x50: {  	s20 =	simm.s32 $0x0;
	s22 =	simm.s32 $0xD000  }
0x51: {  	[tilespmem:s22], [sflag:$0x3] =	stream.indirect_vreg.gather [hbm4b:s4+s20], $0x80, v4, vm0, $0xb8;
	[tilespmem:$0x19000] =	vst v63  }
0x52: {  	s24 =	simm.s32 $0xD800;
	v3 =	vperm.xlane v3, v2  }
0x53: {  	[tilespmem:s24], [sflag:$0x3] =	stream.indirect_vreg.gather [hbm4b:s9+s20], $0x80, v4, vm0, $0xb8;
	[tilespmem:$0x19000] =	vst v63  }
0x54: {  	s25 =	simm.s32 $0xE000;
	v3 =	vadd.s32 v1, v3  }
0x55: {  	[tilespmem:s25], [sflag:$0x3] =	stream.indirect_vreg.gather [hbm4b:s10+s20], $0x80, v4, vm0, $0xb8;
	[tilespmem:$0x19000] =	vst v63  }
0x56: {  	s26 =	simm.s32 $0xE800  }
0x57: {  	[tilespmem:s26], [sflag:$0x3] =	stream.indirect_vreg.gather [hbm4b:s11+s20], $0x80, v4, vm0, $0xb8;
	[tilespmem:$0x19000] =	vst v63  }
0x58: {  	s28 =	simm.s32 $0xF000  }
0x59: {  	[tilespmem:s28], [sflag:$0x3] =	stream.indirect_vreg.gather [hbm4b:s4+s20], $0x80, v3, vm0, $0xb8;
	[tilespmem:$0x19000] =	vst v63  }
0x5a: {  	s29 =	simm.s32 $0xF800  }
0x5b: {  	[tilespmem:s29], [sflag:$0x3] =	stream.indirect_vreg.gather [hbm4b:s9+s20], $0x80, v3, vm0, $0xb8;
	[tilespmem:$0x19000] =	vst v63  }
0x5c: {  	s30 =	simm.s32 $0x10000  }
0x5d: {  	[tilespmem:s30], [sflag:$0x3] =	stream.indirect_vreg.gather [hbm4b:s10+s20], $0x80, v3, vm0, $0xb8;
	[tilespmem:$0x19000] =	vst v63  }
0x5e: {  	s31 =	simm.s32 $0x10800  }
0x5f: {  	[tilespmem:s31], [sflag:$0x3] =	stream.indirect_vreg.gather [hbm4b:s11+s20], $0x80, v3, vm0, $0xb8;
	[tilespmem:$0x19000] =	vst v63  }
0x60: {  	v3 =	vld [tilespmem:s21+$0x2000];
	_ =	sdelay $0x4  }
0x61: {  	v63 =	vshll.u32 v3, $0x3  }
0x62: {  	v3 =	vand.u32 $0x7, v3;
	v4 =	vand.u32 $0xFFFFFFC0, v63  }
0x63: {  	v3 =	vor.u32 v3, v4  }
0x64: {  	v4 =	vperm.xlane v3, v0;
	_ =	sdelay $0x1  }
0x65: {  	v4 =	vadd.s32 v1, v4;
	_ =	sdelay $0x3  }
0x66: {  	s22 =	simm.s32 $0x11000  }
0x67: {  	[tilespmem:s22], [sflag:$0x4] =	stream.indirect_vreg.gather [hbm4b:s4+s20], $0x80, v4, vm0, $0xb8;
	[tilespmem:$0x19000] =	vst v63  }
0x68: {  	s23 =	simm.s32 $0x11800;
	v3 =	vperm.xlane v3, v2  }
0x69: {  	[tilespmem:s23], [sflag:$0x4] =	stream.indirect_vreg.gather [hbm4b:s9+s20], $0x80, v4, vm0, $0xb8;
	[tilespmem:$0x19000] =	vst v63  }
0x6a: {  	s24 =	simm.s32 $0x12000;
	v3 =	vadd.s32 v1, v3  }
0x6b: {  	[tilespmem:s24], [sflag:$0x4] =	stream.indirect_vreg.gather [hbm4b:s10+s20], $0x80, v4, vm0, $0xb8;
	[tilespmem:$0x19000] =	vst v63  }
0x6c: {  	s25 =	simm.s32 $0x12800  }
0x6d: {  	[tilespmem:s25], [sflag:$0x4] =	stream.indirect_vreg.gather [hbm4b:s11+s20], $0x80, v4, vm0, $0xb8;
	[tilespmem:$0x19000] =	vst v63  }
0x6e: {  	s26 =	simm.s32 $0x13000  }
0x6f: {  	[tilespmem:s26], [sflag:$0x4] =	stream.indirect_vreg.gather [hbm4b:s4+s20], $0x80, v3, vm0, $0xb8;
	[tilespmem:$0x19000] =	vst v63  }
0x70: {  	s28 =	simm.s32 $0x13800;
	s30 =	sshll.u32 s18, $0xC  }
0x71: {  	[tilespmem:s28], [sflag:$0x4] =	stream.indirect_vreg.gather [hbm4b:s9+s20], $0x80, v3, vm0, $0xb8;
	[tilespmem:$0x19000] =	vst v63  }
0x72: {  	s29 =	simm.s32 $0x14000;
	s21 =	sadd.s32 s12, s30  }
0x73: {  	[tilespmem:s29], [sflag:$0x4] =	stream.indirect_vreg.gather [hbm4b:s10+s20], $0x80, v3, vm0, $0xb8;
	[tilespmem:$0x19000] =	vst v63  }
0x74: {  	s31 =	sshrl.u32 s21, $0x3  }
0x75: {  	[tilespmem:s1], [sflag:$0x4] =	stream.indirect_vreg.gather [hbm4b:s11+s20], $0x80, v3, vm0, $0xb8;
	[tilespmem:$0x19000] =	vst v63  }
0x76: {  	s23 =	sadd.s32 s5, s31  }
0x77: {  	[tilespmem:s7], [sflag:$0x5] =	stream.linear.gather [hbm4b:s23+s20], $0x800, $0x38;
	[tilespmem:$0x19000] =	vst v63  }
0x78: {  	_ =	swait.ge [sflag:s14], $0x800  }
0x79: {  	[sflag:s14] =	ssyncset.done $0x0  }
0x7a: {  	s22 =	sadd.s32 s6, s31;
	[sflag:s14] =	ssyncadd.s32 $0xFFFFF800  }
0x7b: {  	[tilespmem:s8], [sflag:$0x5] =	stream.linear.gather [hbm4b:s22+s20], $0x800, $0x38;
	[tilespmem:$0x19000] =	vst v63  }
0x7c: {  	_ =	swait.ge [sflag:s14], $0x800  }
0x7d: {  	[sflag:s14] =	ssyncset.done $0x0  }
0x7e: {  	s22 =	simm.s32 $0x0;
	[sflag:s14] =	ssyncadd.s32 $0xFFFFF800  }
.LBB2_3:
0x7f: {  	s23 =	sshll.u32 s22, $0x7;
	s24 =	sshll.u32 s22, $0xA  }
0x80: {  	s24 =	sand.u32 $0x2000, s24;
	s25 =	sand.u32 $0x380, s23  }
0x81: {  	s30 =	sand.u32 $0x40, s20;
	s25 =	sor.u32 s24, s25  }
0x82: {  	s26 =	sand.u32 $0x1C00, s20;
	v3 =	vld [tilespmem:s23+$0x4000];
	s24 =	sor.u32 s30, s25  }
0x83: {  	v4 =	vld [tilespmem:s23+$0x4800];
	s23 =	sor.u32 s26, s24  }
0x84: {  	v5 =	vld [tilespmem:s23+$0x5030]  }
0x85: {  	v6 =	vld [tilespmem:s23+$0x9030]  }
0x86: {  	v7 =	vld [tilespmem:s23+$0x5000]  }
0x87: {  	v9 =	vld [tilespmem:s23+$0x9000]  }
0x88: {  	s31 =	simm.s32 $0x40;
	v10 =	vld [tilespmem:s23+$0x5010]  }
0x89: {  	s24 =	sand.u32 $0x40, s31;
	s26 =	simm.s32 $0x200;
	v11 =	vld [tilespmem:s23+$0x9010]  }
0x8a: {  	s28 =	sand.u32 $0x1C00, s26;
	s24 =	sor.u32 s24, s25;
	v12 =	vld [tilespmem:s23+$0x5020];
	v8 =	vmul.f32 v5, v3;
	v6 =	vmul.f32 v6, v4  }
0x8b: {  	v13 =	vld [tilespmem:s23+$0x9020];
	s24 =	sor.u32 s28, s24  }
0x8c: {  	v5 =	vld [tilespmem:s24+$0x5030];
	v7 =	vmul.f32 v7, v3;
	v9 =	vmul.f32 v9, v4;
	v14 =	vadd.f32 v6, v8  }
0x8d: {  	v8 =	vld [tilespmem:s24+$0x9030]  }
0x8e: {  	v11 =	vmul.f32 v11, v4;
	v6 =	vld [tilespmem:s24+$0x5000];
	v15 =	vadd.f32 v9, v7;
	[tilespmem:s23+$0x15030] =	vst v14;
	v14 =	vmul.f32 v10, v3  }
0x8f: {  	v9 =	vld [tilespmem:s24+$0x9000]  }
0x90: {  	s29 =	simm.s32 $0x80;
	s28 =	simm.s32 $0x4;
	v10 =	vmul.f32 v12, v3;
	v7 =	vld [tilespmem:s24+$0x5010];
	[tilespmem:s23+$0x15000] =	vst v15;
	v12 =	vadd.f32 v11, v14;
	v11 =	vmul.f32 v13, v4  }
.LBB2_4:
0x91: {  	s30 =	sand.u32 $0x40, s29;
	v13 =	vld [tilespmem:s24+$0x9010];
	s26 =	sadd.s32 $0x200, s26  }
0x92: {  	s28 =	sadd.s32 $0x4, s28;
	v15 =	vmul.f32 v5, v3;
	s31 =	sand.u32 $0x1C00, s26;
	s30 =	sor.u32 s30, s25;
	v14 =	vld [tilespmem:s24+$0x5020];
	v8 =	vmul.f32 v8, v4;
	[tilespmem:s23+$0x15010] =	vst v12;
	v10 =	vadd.f32 v11, v10  }
0x93: {  	p0 =	slt.u32 s28, $0x3C;
	s30 =	sor.u32 s31, s30;
	v11 =	vmul.f32 v6, v3;
	v16 =	vld [tilespmem:s24+$0x9020]  }
.Ltmp0:
0x94: {  	v5 =	vld [tilespmem:s30+$0x5030];
	v9 =	vmul.f32 v9, v4;
	v12 =	vadd.f32 v8, v15;
	[tilespmem:s23+$0x15020] =	vst v10;
	s23 =	smov.u32 s24;
	s24 =	smov.u32 s30;
	(pc) =	sbr.rel @p0 .LBB2_4-.Ltmp0, $4  }
0x95: {  	v8 =	vld [tilespmem:s24+$0x9030];
	v15 =	vmul.f32 v7, v3  }
0x96: {  	v6 =	vld [tilespmem:s24+$0x5000];
	v11 =	vadd.f32 v9, v11;
	v13 =	vmul.f32 v13, v4;
	[tilespmem:s23+$0x15030] =	vst v12  }
0x97: {  	v9 =	vld [tilespmem:s24+$0x9000];
	v10 =	vmul.f32 v14, v3  }
0x98: {  	s29 =	sadd.s32 $0x40, s29;
	v7 =	vld [tilespmem:s24+$0x5010];
	[tilespmem:s23+$0x15000] =	vst v11;
	v12 =	vadd.f32 v13, v15;
	v11 =	vmul.f32 v16, v4  }
0x99: {  	v13 =	vld [tilespmem:s24+$0x9010]  }
0x9a: {  	v14 =	vld [tilespmem:s24+$0x5020];
	[tilespmem:s23+$0x15010] =	vst v12  }
0x9b: {  	v12 =	vld [tilespmem:s24+$0x9020];
	_ =	sdelay $0x1  }
0x9c: {  	v5 =	vmul.f32 v5, v3;
	v8 =	vmul.f32 v8, v4  }
0x9d: {  	s22 =	sadd.s32 $0x1, s22;
	v10 =	vadd.f32 v11, v10;
	v6 =	vmul.f32 v6, v3;
	v9 =	vmul.f32 v9, v4  }
0x9e: {  	p0 =	sne.s32 s22, $0x10;
	v5 =	vadd.f32 v8, v5;
	v7 =	vmul.f32 v7, v3;
	v61 =	vmul.f32 v13, v4  }
.Ltmp1:
0x9f: {  	[tilespmem:s23+$0x15020] =	vst v10;
	v6 =	vadd.f32 v9, v6;
	v3 =	vmul.f32 v14, v3;
	v62 =	vmul.f32 v12, v4;
	(pc) =	sbr.rel @p0 .LBB2_3-.Ltmp1, $4  }
0xa0: {  	[tilespmem:s24+$0x15030] =	vst v5;
	v63 =	vadd.f32 v61, v7  }
0xa1: {  	[tilespmem:s24+$0x15000] =	vst v6;
	v3 =	vadd.f32 v62, v3  }
0xa2: {  	[tilespmem:s24+$0x15010] =	vst v63  }
0xa3: {  	[tilespmem:s24+$0x15020] =	vst v3  }
0xa4: {  	s20 =	sadd.s32 s2, s21  }
0xa5: {  	[hbm4b:s20+s3] =	stream.linear.scatter [tilespmem:s13], [sflag:$0x5], $0x4000, $0x38;
	[tilespmem:$0x19000] =	vst v63  }
0xa6: {  	_ =	swait.ge [sflag:s14], $0x4000  }
0xa7: {  	[sflag:s14] =	ssyncset.done $0x0  }
0xa8: {  	[sflag:s14] =	ssyncadd.s32 $0xFFFFC000  }
0xa9: {  	_ =	swait.ge [sflag:s16], $0x4000  }
0xaa: {  	[sflag:s16] =	ssyncset.done $0x0  }
0xab: {  	[sflag:s16] =	ssyncadd.s32 $0xFFFFC000  }
0xac: {  	_ =	swait.ge [sflag:s17], $0x4000  }
0xad: {  	p0 =	seq.s32 s18, $0x1F;
	[sflag:s17] =	ssyncset.done $0x0  }
0xae: {  	s20 =	sshll.u32 @!p0 s18, $0x8;
	[sflag:s17] =	ssyncadd.s32 $0xFFFFC000  }
0xaf: {  	v3 =	vld @!p0 [tilespmem:s20+$0x100];
	_ =	sdelay $0x4  }
0xb0: {  	v4 =	vshll.u32 @!p0 v3, $0x3  }
0xb1: {  	v5 =	vlaneseq.u32 @!p0;
	v3 =	vand.u32 @!p0 $0x7, v3;
	v4 =	vand.u32 @!p0 $0xFFFFFFC0, v4  }
0xb2: {  	v6 =	vshrl.u32 @!p0 v5, $0x3;
	v3 =	vor.u32 @!p0 v3, v4;
	v4 =	vand.u32 @!p0 $0x7, v5  }
0xb3: {  	v6 =	vmul.u32 @!p0 $0x8, v6;
	v7 =	vperm.xlane @!p0 v3, v4;
	_ =	sdelay $0x1  }
0xb4: {  	v7 =	vadd.s32 @!p0 v6, v7;
	_ =	sdelay $0x3  }
0xb5: {  	vm1 =	vmmov @!p0 $0xffff;
	s21 =	simm.s32 @!p0 $0x0;
	s22 =	simm.s32 @!p0 $0x5000  }
0xb6: {  	v5 =	vor.u32 @!p0 $0x8, v5;
	[tilespmem:s22], [sflag:$0x1] =	stream.indirect_vreg.gather @!p0 [hbm4b:s4+s21], $0x80, v7, vm1, $0xb8;
	[tilespmem:$0x19000] =	vst v63  }
0xb7: {  	v3 =	vperm.xlane @!p0 v3, v5;
	s22 =	simm.s32 @!p0 $0x5800  }
0xb8: {  	[tilespmem:s22], [sflag:$0x1] =	stream.indirect_vreg.gather @!p0 [hbm4b:s9+s21], $0x80, v7, vm1, $0xb8;
	[tilespmem:$0x19000] =	vst v63  }
0xb9: {  	v3 =	vadd.s32 @!p0 v6, v3;
	s22 =	simm.s32 @!p0 $0x6000  }
0xba: {  	[tilespmem:s22], [sflag:$0x1] =	stream.indirect_vreg.gather @!p0 [hbm4b:s10+s21], $0x80, v7, vm1, $0xb8;
	[tilespmem:$0x19000] =	vst v63  }
0xbb: {  	s22 =	simm.s32 @!p0 $0x6800  }
0xbc: {  	[tilespmem:s22], [sflag:$0x1] =	stream.indirect_vreg.gather @!p0 [hbm4b:s11+s21], $0x80, v7, vm1, $0xb8;
	[tilespmem:$0x19000] =	vst v63  }
0xbd: {  	s22 =	simm.s32 @!p0 $0x7000  }
0xbe: {  	[tilespmem:s22], [sflag:$0x1] =	stream.indirect_vreg.gather @!p0 [hbm4b:s4+s21], $0x80, v3, vm1, $0xb8;
	[tilespmem:$0x19000] =	vst v63  }
0xbf: {  	s22 =	simm.s32 @!p0 $0x7800  }
0xc0: {  	[tilespmem:s22], [sflag:$0x1] =	stream.indirect_vreg.gather @!p0 [hbm4b:s9+s21], $0x80, v3, vm1, $0xb8;
	[tilespmem:$0x19000] =	vst v63  }
0xc1: {  	s22 =	simm.s32 @!p0 $0x8000  }
0xc2: {  	[tilespmem:s22], [sflag:$0x1] =	stream.indirect_vreg.gather @!p0 [hbm4b:s10+s21], $0x80, v3, vm1, $0xb8;
	[tilespmem:$0x19000] =	vst v63  }
0xc3: {  	s22 =	simm.s32 @!p0 $0x8800  }
0xc4: {  	[tilespmem:s22], [sflag:$0x1] =	stream.indirect_vreg.gather @!p0 [hbm4b:s11+s21], $0x80, v3, vm1, $0xb8;
	[tilespmem:$0x19000] =	vst v63  }
0xc5: {  	v3 =	vld @!p0 [tilespmem:s20+$0x2100];
	_ =	sdelay $0x4  }
0xc6: {  	v7 =	vshll.u32 @!p0 v3, $0x3  }
0xc7: {  	v3 =	vand.u32 @!p0 $0x7, v3;
	v7 =	vand.u32 @!p0 $0xFFFFFFC0, v7  }
0xc8: {  	v3 =	vor.u32 @!p0 v3, v7  }
0xc9: {  	v4 =	vperm.xlane @!p0 v3, v4;
	_ =	sdelay $0x1  }
0xca: {  	v4 =	vadd.s32 @!p0 v6, v4;
	_ =	sdelay $0x3  }
0xcb: {  	s20 =	simm.s32 @!p0 $0x9000  }
0xcc: {  	[tilespmem:s20], [sflag:$0x2] =	stream.indirect_vreg.gather @!p0 [hbm4b:s4+s21], $0x80, v4, vm1, $0xb8;
	[tilespmem:$0x19000] =	vst v63  }
0xcd: {  	v3 =	vperm.xlane @!p0 v3, v5;
	s20 =	simm.s32 @!p0 $0x9800  }
0xce: {  	[tilespmem:s20], [sflag:$0x2] =	stream.indirect_vreg.gather @!p0 [hbm4b:s9+s21], $0x80, v4, vm1, $0xb8;
	[tilespmem:$0x19000] =	vst v63  }
0xcf: {  	v3 =	vadd.s32 @!p0 v6, v3;
	s20 =	simm.s32 @!p0 $0xA000  }
0xd0: {  	[tilespmem:s20], [sflag:$0x2] =	stream.indirect_vreg.gather @!p0 [hbm4b:s10+s21], $0x80, v4, vm1, $0xb8;
	[tilespmem:$0x19000] =	vst v63  }
0xd1: {  	s20 =	simm.s32 @!p0 $0xA800  }
0xd2: {  	[tilespmem:s20], [sflag:$0x2] =	stream.indirect_vreg.gather @!p0 [hbm4b:s11+s21], $0x80, v4, vm1, $0xb8;
	[tilespmem:$0x19000] =	vst v63  }
0xd3: {  	s20 =	simm.s32 @!p0 $0xB000  }
0xd4: {  	[tilespmem:s20], [sflag:$0x2] =	stream.indirect_vreg.gather @!p0 [hbm4b:s4+s21], $0x80, v3, vm1, $0xb8;
	[tilespmem:$0x19000] =	vst v63  }
0xd5: {  	s19 =	sshll.u32 s19, $0xB;
	s20 =	simm.s32 @!p0 $0xB800  }
0xd6: {  	[tilespmem:s20], [sflag:$0x2] =	stream.indirect_vreg.gather @!p0 [hbm4b:s9+s21], $0x80, v3, vm1, $0xb8;
	[tilespmem:$0x19000] =	vst v63  }
0xd7: {  	s19 =	sadd.s32 s12, s19;
	s20 =	simm.s32 @!p0 $0xC000  }
0xd8: {  	[tilespmem:s20], [sflag:$0x2] =	stream.indirect_vreg.gather @!p0 [hbm4b:s10+s21], $0x80, v3, vm1, $0xb8;
	[tilespmem:$0x19000] =	vst v63  }
0xd9: {  	s30 =	sshrl.u32 s19, $0x3;
	s20 =	simm.s32 @!p0 $0xC800  }
0xda: {  	[tilespmem:s20], [sflag:$0x2] =	stream.indirect_vreg.gather @!p0 [hbm4b:s11+s21], $0x80, v3, vm1, $0xb8;
	[tilespmem:$0x19000] =	vst v63  }
0xdb: {  	s31 =	sadd.s32 s5, s30;
	s20 =	simm.s32 $0x0  }
0xdc: {  	[tilespmem:s7], [sflag:$0x5] =	stream.linear.gather [hbm4b:s31+s20], $0x800, $0x38;
	[tilespmem:$0x19000] =	vst v63  }
0xdd: {  	_ =	swait.ge [sflag:s14], $0x800  }
0xde: {  	[sflag:s14] =	ssyncset.done $0x0  }
0xdf: {  	s21 =	sadd.s32 s6, s30;
	[sflag:s14] =	ssyncadd.s32 $0xFFFFF800  }
0xe0: {  	[tilespmem:s8], [sflag:$0x5] =	stream.linear.gather [hbm4b:s21+s20], $0x800, $0x38;
	[tilespmem:$0x19000] =	vst v63  }
0xe1: {  	_ =	swait.ge [sflag:s14], $0x800  }
0xe2: {  	[sflag:s14] =	ssyncset.done $0x0  }
0xe3: {  	s21 =	simm.s32 $0x0;
	[sflag:s14] =	ssyncadd.s32 $0xFFFFF800  }
.LBB2_7:
0xe4: {  	s22 =	sshll.u32 s21, $0x7;
	s23 =	sshll.u32 s21, $0xA  }
0xe5: {  	s23 =	sand.u32 $0x2000, s23;
	s24 =	sand.u32 $0x380, s22  }
0xe6: {  	s30 =	sand.u32 $0x40, s20;
	s24 =	sor.u32 s23, s24  }
0xe7: {  	s25 =	sand.u32 $0x1C00, s20;
	v3 =	vld [tilespmem:s22+$0x4000];
	s23 =	sor.u32 s30, s24  }
0xe8: {  	v4 =	vld [tilespmem:s22+$0x4800];
	s22 =	sor.u32 s25, s23  }
0xe9: {  	v5 =	vld [tilespmem:s22+$0xD030]  }
0xea: {  	v6 =	vld [tilespmem:s22+$0x11030]  }
0xeb: {  	v7 =	vld [tilespmem:s22+$0xD000]  }
0xec: {  	v9 =	vld [tilespmem:s22+$0x11000]  }
0xed: {  	s31 =	simm.s32 $0x40;
	v10 =	vld [tilespmem:s22+$0xD010]  }
0xee: {  	s23 =	sand.u32 $0x40, s31;
	s25 =	simm.s32 $0x200;
	v11 =	vld [tilespmem:s22+$0x11010]  }
0xef: {  	s26 =	sand.u32 $0x1C00, s25;
	s23 =	sor.u32 s23, s24;
	v12 =	vld [tilespmem:s22+$0xD020];
	v8 =	vmul.f32 v5, v3;
	v6 =	vmul.f32 v6, v4  }
0xf0: {  	v13 =	vld [tilespmem:s22+$0x11020];
	s23 =	sor.u32 s26, s23  }
0xf1: {  	v5 =	vld [tilespmem:s23+$0xD030];
	v7 =	vmul.f32 v7, v3;
	v9 =	vmul.f32 v9, v4;
	v14 =	vadd.f32 v6, v8  }
0xf2: {  	v8 =	vld [tilespmem:s23+$0x11030]  }
0xf3: {  	v11 =	vmul.f32 v11, v4;
	v6 =	vld [tilespmem:s23+$0xD000];
	v15 =	vadd.f32 v9, v7;
	[tilespmem:s22+$0x15030] =	vst v14;
	v14 =	vmul.f32 v10, v3  }
0xf4: {  	v9 =	vld [tilespmem:s23+$0x11000]  }
0xf5: {  	s28 =	simm.s32 $0x80;
	s26 =	simm.s32 $0x4;
	v10 =	vmul.f32 v12, v3;
	v7 =	vld [tilespmem:s23+$0xD010];
	[tilespmem:s22+$0x15000] =	vst v15;
	v12 =	vadd.f32 v11, v14;
	v11 =	vmul.f32 v13, v4  }
.LBB2_8:
0xf6: {  	s29 =	sand.u32 $0x40, s28;
	v13 =	vld [tilespmem:s23+$0x11010];
	s25 =	sadd.s32 $0x200, s25  }
0xf7: {  	s26 =	sadd.s32 $0x4, s26;
	v15 =	vmul.f32 v5, v3;
	s30 =	sand.u32 $0x1C00, s25;
	s29 =	sor.u32 s29, s24;
	v14 =	vld [tilespmem:s23+$0xD020];
	v8 =	vmul.f32 v8, v4;
	[tilespmem:s22+$0x15010] =	vst v12;
	v10 =	vadd.f32 v11, v10  }
0xf8: {  	p0 =	slt.u32 s26, $0x3C;
	s29 =	sor.u32 s30, s29;
	v11 =	vmul.f32 v6, v3;
	v16 =	vld [tilespmem:s23+$0x11020]  }
.Ltmp2:
0xf9: {  	v5 =	vld [tilespmem:s29+$0xD030];
	v9 =	vmul.f32 v9, v4;
	v12 =	vadd.f32 v8, v15;
	[tilespmem:s22+$0x15020] =	vst v10;
	s22 =	smov.u32 s23;
	s23 =	smov.u32 s29;
	(pc) =	sbr.rel @p0 .LBB2_8-.Ltmp2, $4  }
0xfa: {  	v8 =	vld [tilespmem:s23+$0x11030];
	v15 =	vmul.f32 v7, v3  }
0xfb: {  	v6 =	vld [tilespmem:s23+$0xD000];
	v11 =	vadd.f32 v9, v11;
	v13 =	vmul.f32 v13, v4;
	[tilespmem:s22+$0x15030] =	vst v12  }
0xfc: {  	v9 =	vld [tilespmem:s23+$0x11000];
	v10 =	vmul.f32 v14, v3  }
0xfd: {  	s28 =	sadd.s32 $0x40, s28;
	v7 =	vld [tilespmem:s23+$0xD010];
	[tilespmem:s22+$0x15000] =	vst v11;
	v12 =	vadd.f32 v13, v15;
	v11 =	vmul.f32 v16, v4  }
0xfe: {  	v13 =	vld [tilespmem:s23+$0x11010]  }
0xff: {  	v14 =	vld [tilespmem:s23+$0xD020];
	[tilespmem:s22+$0x15010] =	vst v12  }
0x100: {  	v12 =	vld [tilespmem:s23+$0x11020];
	_ =	sdelay $0x1  }
0x101: {  	v5 =	vmul.f32 v5, v3;
	v8 =	vmul.f32 v8, v4  }
0x102: {  	s21 =	sadd.s32 $0x1, s21;
	v10 =	vadd.f32 v11, v10;
	v6 =	vmul.f32 v6, v3;
	v9 =	vmul.f32 v9, v4  }
0x103: {  	p0 =	sne.s32 s21, $0x10;
	v5 =	vadd.f32 v8, v5;
	v7 =	vmul.f32 v7, v3;
	v61 =	vmul.f32 v13, v4  }
.Ltmp3:
0x104: {  	[tilespmem:s22+$0x15020] =	vst v10;
	v6 =	vadd.f32 v9, v6;
	v3 =	vmul.f32 v14, v3;
	v62 =	vmul.f32 v12, v4;
	(pc) =	sbr.rel @p0 .LBB2_7-.Ltmp3, $4  }
0x105: {  	[tilespmem:s23+$0x15030] =	vst v5;
	v63 =	vadd.f32 v61, v7  }
0x106: {  	[tilespmem:s23+$0x15000] =	vst v6;
	v3 =	vadd.f32 v62, v3  }
0x107: {  	[tilespmem:s23+$0x15010] =	vst v63  }
0x108: {  	[tilespmem:s23+$0x15020] =	vst v3  }
0x109: {  	s18 =	sadd.s32 $0x1, s18  }
0x10a: {  	p0 =	sne.s32 s18, $0x20  }
.Ltmp4:
0x10b: {  	s19 =	sadd.s32 s2, s19;
	(pc) =	sbr.rel @p0 .LBB2_2-.Ltmp4, $4  }
0x10c: {  	[hbm4b:s19+s3] =	stream.linear.scatter [tilespmem:s13], [sflag:$0x5], $0x4000, $0x38;
	[tilespmem:$0x19000] =	vst v63  }
0x10d: {  	_ =	swait.ge [sflag:s14], $0x4000  }
0x10e: {  	[sflag:s14] =	ssyncset.done $0x0  }
0x10f: {  	[sflag:s14] =	ssyncadd.s32 $0xFFFFC000  }
0x110: {  	s19 =	rddreg [dreg:$0x6]  }
0x111: {  	s18 =	rddreg [dreg:$0x5];
	s19 =	sadd.s32 $0x1, s19  }
0x112: {  	p0 =	sne.s32 s19, s18  }
.Ltmp5:
0x113: {  	_ = 	snop;
	(pc) =	sbr.rel @p0 .LBB2_1-.Ltmp5, $1  }
0x114: {  	_ =	sdelay $0x3  }
0x115: {  	_ =	sfence.sel $0x180000  }
0x116: {  	[bflag:$0x0] =	sbarrier.arrive $0xFFFF  }
0x117: {  	_ =	strace $0x9000004A  }
0x118: {  	s0 =	stileid.u32;
	[bflag:$0x2] =	sbarrier.arrive $0xFFFF  }
0x119: {  	p0 =	sne.s32 s0, $0x0;
	s0 =	rddreg [dreg:$0x2]  }
0x11a: {  	s0 =	sadd.s32 @!p0 $0x100000, s0  }
0x11b: {  	[sflag:s0] =	ssyncadd.tile.s32 @!p0 $0x1;
	_ =	shalt  }
.Lfunc_end2:
_tile_overlayer_lowered:
.L_overlay_start_2:
0x11c: {  	(tag) =	ssettag $0x2  }
0x11d: {  	s0 =	rddreg [dreg:$0x0];
	s2 =	stileid.u32  }
0x11e: {  	s1 =	rddreg [dreg:$0x1];
	p0 =	sne.s32 s2, $0x0  }
0x11f: {  	s3 =	rddreg [dreg:$0x2];
	[bflag:$0x3] =	sbarrier.arrive $0xFFFF;
	s2 =	simm.s32 @!p0 $0x1C05  }
0x120: {  	[timem:s3], [sflag:s2] =	dma.local @!p0 [hbm:s0], s1  }
0x121: {  	s0 =	simm.s32 @!p0 $0x5  }
0x122: {  	_ =	swait.ge @!p0 [sflag:s0], s1  }
0x123: {  	s1 =	ssub.s32 @!p0 $0x0, s1;
	[sflag:s0] =	ssyncset.done @!p0 $0x0  }
0x124: {  	[sflag:s0] =	ssyncadd.s32 @!p0 s1  }
0x125: {  	[bflag:$0x3] =	sbarrier.arrive $0xFFFF  }
0x126: {  	_ =	shalt  }

// kernel: kernel.7.cloned.1.call-start
scs
__scs_entry_jumppad:
0x0: {  	(pc) =	sbr.rel $0x88, $3  }
0x1: {  	(tag) =	ssettag $0x0;
	lr =	simm.s32 $0x1  }
0x2: {  	[smem:$0x3F9A] =	sst lr;
	_ =	strace $0xD0000000  }
0x3: {  	_ = 	snop  }
0x4: {  	_ = 	snop  }
0x5: {  	_ = 	snop  }
0x6: {  	_ = 	snop  }
0x7: {  	_ = 	snop  }
__scs_overlays_trampoline_lowered:
0x8: {  	[smem:$0x3FA9] =	sst s0  }
0x9: {  	[smem:$0x3FAA] =	sst s1  }
0xa: {  	[smem:$0x3FAB] =	sst s2  }
0xb: {  	[smem:$0x3FAC] =	sst s3  }
0xc: {  	[smem:$0x3FAD] =	sst s4  }
0xd: {  	[smem:$0x3FAE] =	sst s5  }
0xe: {  	[smem:$0x3FAF] =	sst s6  }
0xf: {  	[smem:$0x3FB0] =	sst s7  }
0x10: {  	[smem:$0x3FB1] =	sst s8  }
0x11: {  	[smem:$0x3FB2] =	sst s9;
	s0 =	simm.s32 @!p0 $0x0  }
0x12: {  	s1 =	sld [smem:$0x3F98];
	s0 =	simm.s32 @p0 $0x1  }
0x13: {  	[smem:$0x3FB3] =	sst s0;
	s0 =	simm.s32 @!p1 $0x0  }
0x14: {  	s2 =	sld [smem:$0x3F97];
	s0 =	simm.s32 @p1 $0x1  }
0x15: {  	[smem:$0x3FB4] =	sst s0;
	s0 =	simm.s32 @!p2 $0x0  }
0x16: {  	s3 =	sld [smem:$0x3FDB];
	s0 =	simm.s32 @p2 $0x1  }
0x17: {  	s4 =	simm.s32 $0x1BF5;
	[smem:$0x3FB6] =	sst s0  }
0x18: {  	s0 =	sld [smem:$0x3F99];
	_ =	swait.ge [sflag:s4], $0x0  }
0x19: {  	s7 =	sld [smem:$0x3F9A]  }
0x1a: {  	s8 =	sadd.s32 $0xFFFFE003, lr  }
0x1b: {  	s9 =	sadd.s32 $0xFFFFFEF7, lr;
	s5 =	simm.s32 $0xFFFFFFFF;
	p2 =	slt.u32 s8, $0xFFFFF086  }
0x1c: {  	p1 =	slt.u32 s9, $0xF7A;
	s5 =	simm.s32 @!p2 $0x0  }
0x1d: {  	s5 =	simm.s32 @p1 $0x1;
	p0 =	seq.s32 s7, s2  }
0x1e: {  	s7 =	smul.u32 @!p0 $0xF7A, s2;
	p2 =	seq.s32 @!p0 s5, $0x0  }
0x1f: {  	s9 =	smul.u32 $0xF7A, s1;
	s8 =	simm.s32 @!p0 $0x1BF5;
	p2 =	por !p2, p0  }
0x20: {  	[sflag:s8] =	ssyncset.s32 @!p0 $0xFFFFF086;
	s6 =	sadd.s32 @!p0 s3, s7;
	s7 =	simm.s32 @!p0 $0x108  }
0x21: {  	s3 =	sadd.s32 s3, s9;
	s6 =	sadd.s32 @!p0 $0x88, s6;
	s7 =	simm.s32 @p2 $0x1082  }
0x22: {  	[simem:s7], [sflag:s8] =	dma.local @!p0 [hbm:s6], $0xF7A  }
0x23: {  	s9 =	sor.u32 $0xD0000000, s2;
	s6 =	simm.s32 $0x108;
	_ =	swait.ge @!p0 [sflag:s8], $0x0  }
0x24: {  	s3 =	sadd.s32 $0x88, s3;
	s6 =	simm.s32 @!p1 $0x1082;
	[sflag:s4] =	ssyncset.s32 $0xFFFFF086  }
0x25: {  	[simem:s6], [sflag:s4] =	dma.local [hbm:s3], $0xF7A  }
0x26: {  	[smem:$0x3F9A] =	sst s1;
	(tag) =	ssettag s2;
	_ =	strace s9  }
0x27: {  	s1 =	sld [smem:$0x3FAA]  }
0x28: {  	s2 =	sld [smem:$0x3FAB]  }
0x29: {  	s4 =	sld [smem:$0x3FAD]  }
0x2a: {  	p0 =	seq.s32 s5, $0x0;
	s5 =	sld [smem:$0x3FAE]  }
0x2b: {  	s6 =	sld [smem:$0x3FAF]  }
0x2c: {  	s7 =	sld [smem:$0x3FB0]  }
0x2d: {  	s3 =	simm.s32 $0x108;
	s8 =	sld [smem:$0x3FB1]  }
0x2e: {  	s3 =	simm.s32 @!p0 $0x1082;
	s9 =	sld [smem:$0x3FB2]  }
0x2f: {  	lr =	sadd.s32 s0, s3;
	s0 =	sld [smem:$0x3FA9]  }
0x30: {  	s3 =	sld [smem:$0x3FAC]  }
0x31: {  	[smem:$0x3FB5] =	sst s10  }
0x32: {  	s10 =	sld [smem:$0x3FB3];
	_ =	sdelay $0x3  }
0x33: {  	p0 =	seq.s32 s10, $0x1;
	s10 =	sld [smem:$0x3FB5];
	_ =	sdelay $0x3  }
0x34: {  	[smem:$0x3FB5] =	sst s10  }
0x35: {  	s10 =	sld [smem:$0x3FB4];
	_ =	sdelay $0x3  }
0x36: {  	p1 =	seq.s32 s10, $0x1;
	s10 =	sld [smem:$0x3FB5];
	_ =	sdelay $0x3  }
0x37: {  	[smem:$0x3FB5] =	sst s10  }
0x38: {  	s10 =	sld [smem:$0x3FB6]  }
0x39: {  	_ = 	snop;
	(pc) =	sbr.ind lr, $3  }
0x3a: {  	_ = 	snop  }
0x3b: {  	_ = 	snop  }
0x3c: {  	p2 =	seq.s32 s10, $0x1;
	s10 =	sld [smem:$0x3FB5]  }
0x3d: {  	_ =	shalt  }
0x3e: {  	_ =	shalt  }
0x3f: {  	_ =	shalt  }
0x40: {  	_ =	shalt  }
0x41: {  	_ =	shalt  }
0x42: {  	_ =	shalt  }
0x43: {  	_ =	shalt  }
0x44: {  	_ =	shalt  }
0x45: {  	_ =	shalt  }
0x46: {  	_ =	shalt  }
0x47: {  	_ =	shalt  }
0x48: {  	_ =	shalt  }
0x49: {  	_ =	shalt  }
0x4a: {  	_ =	shalt  }
0x4b: {  	_ =	shalt  }
0x4c: {  	_ =	shalt  }
0x4d: {  	_ =	shalt  }
0x4e: {  	_ =	shalt  }
0x4f: {  	_ =	shalt  }
0x50: {  	_ =	shalt  }
0x51: {  	_ =	shalt  }
0x52: {  	_ =	shalt  }
0x53: {  	_ =	shalt  }
0x54: {  	_ =	shalt  }
0x55: {  	_ =	shalt  }
0x56: {  	_ =	shalt  }
0x57: {  	_ =	shalt  }
0x58: {  	_ =	shalt  }
0x59: {  	_ =	shalt  }
0x5a: {  	_ =	shalt  }
0x5b: {  	_ =	shalt  }
0x5c: {  	_ =	shalt  }
0x5d: {  	_ =	shalt  }
0x5e: {  	_ =	shalt  }
0x5f: {  	_ =	shalt  }
0x60: {  	_ =	shalt  }
0x61: {  	_ =	shalt  }
0x62: {  	_ =	shalt  }
0x63: {  	_ =	shalt  }
0x64: {  	_ =	shalt  }
0x65: {  	_ =	shalt  }
0x66: {  	_ =	shalt  }
0x67: {  	_ =	shalt  }
0x68: {  	_ =	shalt  }
0x69: {  	_ =	shalt  }
0x6a: {  	_ =	shalt  }
0x6b: {  	_ =	shalt  }
0x6c: {  	_ =	shalt  }
0x6d: {  	_ =	shalt  }
0x6e: {  	_ =	shalt  }
0x6f: {  	_ =	shalt  }
0x70: {  	_ =	shalt  }
0x71: {  	_ =	shalt  }
0x72: {  	_ =	shalt  }
0x73: {  	_ =	shalt  }
0x74: {  	_ =	shalt  }
0x75: {  	_ =	shalt  }
0x76: {  	_ =	shalt  }
0x77: {  	_ =	shalt  }
0x78: {  	_ =	shalt  }
0x79: {  	_ =	shalt  }
0x7a: {  	_ =	shalt  }
0x7b: {  	_ =	shalt  }
0x7c: {  	_ =	shalt  }
0x7d: {  	_ =	shalt  }
0x7e: {  	_ =	shalt  }
0x7f: {  	_ =	shalt  }
0x80: {  	_ =	shalt  }
0x81: {  	_ =	shalt  }
0x82: {  	_ =	shalt  }
0x83: {  	_ =	shalt  }
0x84: {  	_ =	shalt  }
0x85: {  	_ =	shalt  }
0x86: {  	_ =	shalt  }
0x87: {  	_ =	shalt  }
.Lfunc_end0:
.L_simem_size_0:
called_computation_lowered:
.L_overlay_start_0:
0x88: {  	s2 =	sld [smem:$0x3FD9]  }
0x89: {  	s3 =	sld [smem:$0x3FFE];
	_ =	sdelay $0x1  }
0x8a: {  	s1 =	srdreg.scid  }
0x8b: {  	s0 =	sand.u32 $0x1, s1  }
0x8c: {  	s17 =	sshll.u32 s0, $0xA;
	s2 =	sadd.s32 s3, s2  }
0x8d: {  	s2 =	sadd.s32 s2, s17  }
0x8e: {  	[smem:$0x3FC1] =	sst s2  }
0x8f: {  	_ = 	snop  }
0x90: {  	s2 =	sld [smem:$0x3FC9];
	(tm) =	ssettm $0x1  }
0x91: {  	s18 =	sld [smem:$0x3FFB];
	_ =	sdelay $0x3  }
0x92: {  	_ =	strace s18  }
0x93: {  	s3 =	sld [smem:$0x3FFC];
	_ =	sdelay $0x3  }
0x94: {  	_ =	strace s3  }
0x95: {  	s3 =	sld [smem:$0x3FFD];
	_ =	sdelay $0x3  }
0x96: {  	_ =	strace s3  }
0x97: {  	_ =	strace $0x8FFFFFFF  }
0x98: {  	s19 =	sld [smem:$0x3FDB];
	_ =	sdelay $0x1  }
0x99: {  	s4 =	simm.s32 $_scs_section_size  }
0x9a: {  	s5 =	simm.s32 $_size__tile_overlayer_lowered;
	s6 =	simm.s32 $_tile_overlayer_lowered  }
0x9b: {  	s22 =	simm.s32 $0x1BFF;
	s21 =	sshll.u32 s6, $0x1;
	s3 =	sadd.s32 s4, s19  }
0x9c: {  	s7 =	simm.s32 $0x0;
	s20 =	sshll.u32 s5, $0x1;
	s5 =	sadd.s32 s21, s3  }
0x9d: {  	[timem:s7], [sflag:s22] =	dma.local [hbm:s5], s20  }
0x9e: {  	_ =	swait.ge [sflag:s22], s20  }
0x9f: {  	s4 =	ssub.s32 $0x0, s20;
	[sflag:s22] =	ssyncset.done $0x0  }
0xa0: {  	[sflag:s22] =	ssyncadd.s32 s4;
	_ =	sdelay $0x1  }
0xa1: {  	s23 =	simm.s32 $0x1B8B  }
0xa2: {  	_ =	swait.ge [sflag:s23], $0x1  }
0xa3: {  	[sflag:s23] =	ssyncset.done $0x0  }
0xa4: {  	s25 =	simm.s32 $0x1B8E;
	s24 =	sld [smem:$0x3FFE];
	[sflag:s23] =	ssyncadd.s32 $0xFFFFFFFF  }
0xa5: {  	s26 =	simm.s32 $execute0_lowered;
	[smem:$0x3FD2] =	sst s25  }
0xa6: {  	s5 =	sshll.u32 s26, $0x1;
	_ =	strace $0x80000046;
	[dreg:$0x1] =	wrdreg $0xFFFFFFFF  }
0xa7: {  	s28 =	simm.s32 $_size_execute0_lowered;
	s3 =	sadd.s32 s3, s5;
	[dreg:$0x0] =	wrdreg $0x0  }
0xa8: {  	s5 =	sshll.u32 s28, $0x1;
	[dreg:$0x2] =	wrdreg s3  }
0xa9: {  	[dreg:$0x3] =	wrdreg s5  }
0xaa: {  	[dreg:$0x4] =	wrdreg $0xC0  }
0xab: {  	_ =	task [dreg:s7], $0x5FFFF  }
0xac: {  	[dreg:$0x1] =	wrdreg $0xFFFFFFFF  }
0xad: {  	[dreg:$0x0] =	wrdreg $0x60  }
0xae: {  	[dreg:$0x2] =	wrdreg s2  }
0xaf: {  	[dreg:$0x3] =	wrdreg s24  }
0xb0: {  	[dreg:$0x4] =	wrdreg $0x9  }
0xb1: {  	_ =	task.clear_ibuf [dreg:s7], $0x5FFFF;
	_ =	strace $0x90000046  }
0xb2: {  	s29 =	simm.s32 $0x9;
	_ =	strace $0x80000048  }
0xb3: {  	_ =	swait.ge [sflag:s29], $0x1  }
0xb4: {  	[sflag:s29] =	ssyncadd.s32 $0xFFFFFFFF  }
0xb5: {  	_ =	strace $0x90000048  }
0xb6: {  	_ =	sfence  }
0xb7: {  	s30 =	sld [smem:$0x0];
	_ =	sdelay $0x2  }
0xb8: {  	s31 =	sshll.u32 s1, $0xD;
	s1 =	sshrl.u32 s1, $0x2  }
0xb9: {  	s3 =	sand.u32 $0x4000, s31;
	s1 =	sadd.s32 s1, s30  }
0xba: {  	s0 =	sor.u32 s3, s0;
	s1 =	sshll.u32 s1, $0x11  }
0xbb: {  	s0 =	sor.u32 s1, s0  }
0xbc: {  	s0 =	sadd.s32 $0x8F2B, s0  }
0xbd: {  	[sflag:s0] =	ssyncadd.remote.s32 $0x1  }
0xbe: {  	_ =	sfence.sel $0xFFFF  }
0xbf: {  	[dreg:$0x0] =	wrdreg $0xFFFFFFFF;
	(pc) =	sbr.abs _section_cstart, $3  }
0xc0: {  	[dreg:$0x1] =	wrdreg $0xFFFFFFFF  }
0xc1: {  	_ =	task.clear_ibuf [dreg:s7], $0x2FFFF;
	_ =	strace $0x9FFFFFFF  }
0xc2: {  	(tm) =	ssettm $0x7FFFFFFF  }
0xc3: {  	_ =	shalt  }
tec
execute0_lowered:
.L_overlay_start_1:
0x0: {  	(tag) =	ssettag $0x1  }
0x1: {  	s0 =	rddreg [dreg:$0x0]  }
0x2: {  	s1 =	rddreg [dreg:$0x1];
	s3 =	srdreg.scid;
	s2 =	simm.s32 $0x0  }
0x3: {  	s8 =	stileid.u32;
	s11 =	simm.s32 $0x5;
	s12 =	simm.s32 $0x2000  }
0x4: {  	s14 =	simm.s32 $0x11800;
	s21 =	simm.s32 $0x6000;
	s28 =	simm.s32 $0x7000  }
0x5: {  	s29 =	simm.s32 $0x7800;
	s30 =	simm.s32 $0x2000;
	s31 =	simm.s32 $0x9800  }
0x6: {  	s4 =	sand.u32 $0x1, s3;
	[smem:$0x7FF] =	sst s2;
	s22 =	sshll.u32 s8, $0xA  }
0x7: {  	s25 =	sshll.u32 s8, $0x12;
	s8 =	sadd.s32 $0x10A300, s1;
	s5 =	sshll.u32 s4, $0x9  }
0x8: {  	_ =	strace $0x80000047;
	s23 =	ssub.s32 $0x2, s4;
	s0 =	sadd.s32 s25, s0  }
0x9: {  	s4 =	sshll.u32 s4, $0x11;
	s3 =	sor.u32 s5, s22;
	s7 =	sshrl.u32 s23, $0x1  }
0xa: {  	s0 =	sadd.s32 s4, s0;
	s4 =	simm.s32 $0x0;
	s22 =	simm.s32 $0x6800  }
0xb: {  	s6 =	sadd.s32 s3, s1;
	s3 =	sadd.s32 $0x10A000, s1;
	s0 =	sadd.s32 $0x1000, s0  }
0xc: {  	s5 =	ssub.s32 s23, s7;
	s24 =	sadd.s32 $0x102000, s6;
	[dreg:$0x6] =	wrdreg s0  }
0xd: {  	v2 =	vlaneseq.u32;
	s7 =	sadd.s32 $0x10A200, s1;
	s6 =	sadd.s32 $0x106000, s6;
	[dreg:$0x3] =	wrdreg s24  }
0xe: {  	vm0 =	vmmov $0xffff;
	v1 =	vshrl.u32 v2, $0x3;
	s26 =	smax.u32 s5, $0x1;
	s0 =	simm.s32 $0x2;
	[dreg:$0x4] =	wrdreg s6  }
0xf: {  	v0 =	vand.u32 $0x7, v2;
	v2 =	vor.u32 $0x8, v2;
	v1 =	vmul.u32 $0x8, v1;
	s6 =	sadd.s32 $0x10A100, s1;
	[dreg:$0x5] =	wrdreg s26;
	s26 =	simm.s32 $0x2800  }
.LBB2_1:
0x10: {  	[dreg:$0x7] =	wrdreg s4  }
0x11: {  	s23 =	rddreg [dreg:$0x3]  }
0x12: {  	[tilespmem:s2], [sflag:$0x5] =	stream.linear.gather [hbm4b:s23+s2], $0x1000, $0x38;
	[tilespmem:$0x12000] =	vst v63  }
0x13: {  	_ =	swait.ge [sflag:s11], $0x1000  }
0x14: {  	[sflag:s11] =	ssyncset.done $0x0  }
0x15: {  	s24 =	simm.s32 $0x1000;
	s25 =	rddreg [dreg:$0x4];
	[sflag:s11] =	ssyncadd.s32 $0xFFFFF000  }
0x16: {  	[tilespmem:s24], [sflag:$0x5] =	stream.linear.gather [hbm4b:s25+s2], $0x1000, $0x38;
	[tilespmem:$0x12000] =	vst v63  }
0x17: {  	_ =	swait.ge [sflag:s11], $0x1000  }
0x18: {  	[sflag:s11] =	ssyncset.done $0x0  }
0x19: {  	s24 =	simm.s32 $0x0;
	s23 =	rddreg [dreg:$0x6];
	[sflag:s11] =	ssyncadd.s32 $0xFFFFF000  }
.LBB2_2:
0x1a: {  	s25 =	sadd.s32 $0xFFFFF000, s23  }
0x1b: {  	[tilespmem:s12], [sflag:$0x5] =	stream.linear.gather [hbm4b:s25+s2], $0x8000, $0x38;
	[tilespmem:$0x12000] =	vst v63  }
0x1c: {  	_ =	swait.ge [sflag:s11], $0x8000  }
0x1d: {  	[sflag:s11] =	ssyncset.done $0x0  }
0x1e: {  	s25 =	sshra.s32 s24, $0x2;
	[sflag:s11] =	ssyncadd.s32 $0xFFFF8000  }
0x1f: {  	v3 =	vld [tilespmem:s25+$0x0];
	_ =	sdelay $0x4  }
0x20: {  	v4 =	vshll.u32 v3, $0x3  }
0x21: {  	v3 =	vand.u32 $0x7, v3;
	v4 =	vand.u32 $0xFFFFFFC0, v4  }
0x22: {  	v3 =	vor.u32 v3, v4  }
0x23: {  	v4 =	vperm.xlane v3, v0;
	_ =	sdelay $0x1  }
0x24: {  	v4 =	vadd.s32 v1, v4;
	_ =	sdelay $0x4  }
0x25: {  	[hbm4b:s3+s2] =	stream.indirect_vreg.scatter [tilespmem:s12], [sflag:$0x1], $0x80, v4, vm0, $0xb8;
	[tilespmem:$0x12000] =	vst v63  }
0x26: {  	v3 =	vperm.xlane v3, v2  }
0x27: {  	[hbm4b:s6+s2] =	stream.indirect_vreg.scatter [tilespmem:s26], [sflag:$0x1], $0x80, v4, vm0, $0xb8;
	[tilespmem:$0x12000] =	vst v63  }
0x28: {  	s15 =	simm.s32 $0x3000;
	v3 =	vadd.s32 v1, v3  }
0x29: {  	[hbm4b:s7+s2] =	stream.indirect_vreg.scatter [tilespmem:s15], [sflag:$0x1], $0x80, v4, vm0, $0xb8;
	[tilespmem:$0x12000] =	vst v63  }
0x2a: {  	s16 =	simm.s32 $0x3800  }
0x2b: {  	[hbm4b:s8+s2] =	stream.indirect_vreg.scatter [tilespmem:s16], [sflag:$0x1], $0x80, v4, vm0, $0xb8;
	[tilespmem:$0x12000] =	vst v63  }
0x2c: {  	s17 =	simm.s32 $0x4000  }
0x2d: {  	[hbm4b:s3+s2] =	stream.indirect_vreg.scatter [tilespmem:s17], [sflag:$0x1], $0x80, v3, vm0, $0xb8;
	[tilespmem:$0x12000] =	vst v63  }
0x2e: {  	s18 =	simm.s32 $0x4800  }
0x2f: {  	[hbm4b:s6+s2] =	stream.indirect_vreg.scatter [tilespmem:s18], [sflag:$0x1], $0x80, v3, vm0, $0xb8;
	[tilespmem:$0x12000] =	vst v63  }
0x30: {  	s19 =	simm.s32 $0x5000  }
0x31: {  	[hbm4b:s7+s2] =	stream.indirect_vreg.scatter [tilespmem:s19], [sflag:$0x1], $0x80, v3, vm0, $0xb8;
	[tilespmem:$0x12000] =	vst v63  }
0x32: {  	s20 =	simm.s32 $0x5800  }
0x33: {  	[hbm4b:s8+s2] =	stream.indirect_vreg.scatter [tilespmem:s20], [sflag:$0x1], $0x80, v3, vm0, $0xb8;
	[tilespmem:$0x12000] =	vst v63  }
0x34: {  	v3 =	vld [tilespmem:s25+$0x10];
	_ =	sdelay $0x4  }
0x35: {  	v57 =	vshll.u32 v3, $0x3  }
0x36: {  	v3 =	vand.u32 $0x7, v3;
	v4 =	vand.u32 $0xFFFFFFC0, v57  }
0x37: {  	v3 =	vor.u32 v3, v4  }
0x38: {  	v4 =	vperm.xlane v3, v0;
	_ =	sdelay $0x1  }
0x39: {  	v4 =	vadd.s32 v1, v4;
	_ =	sdelay $0x4  }
0x3a: {  	[hbm4b:s3+s2] =	stream.indirect_vreg.scatter [tilespmem:s21], [sflag:$0x1], $0x80, v4, vm0, $0xb8;
	[tilespmem:$0x12000] =	vst v63  }
0x3b: {  	v3 =	vperm.xlane v3, v2  }
0x3c: {  	[hbm4b:s6+s2] =	stream.indirect_vreg.scatter [tilespmem:s22], [sflag:$0x1], $0x80, v4, vm0, $0xb8;
	[tilespmem:$0x12000] =	vst v63  }
0x3d: {  	v3 =	vadd.s32 v1, v3  }
0x3e: {  	[hbm4b:s7+s2] =	stream.indirect_vreg.scatter [tilespmem:s28], [sflag:$0x1], $0x80, v4, vm0, $0xb8;
	[tilespmem:$0x12000] =	vst v63  }
0x3f: {  	_ = 	snop  }
0x40: {  	[hbm4b:s8+s2] =	stream.indirect_vreg.scatter [tilespmem:s29], [sflag:$0x1], $0x80, v4, vm0, $0xb8;
	[tilespmem:$0x12000] =	vst v63  }
0x41: {  	s1 =	simm.s32 $0x8000  }
0x42: {  	[hbm4b:s3+s2] =	stream.indirect_vreg.scatter [tilespmem:s1], [sflag:$0x1], $0x80, v3, vm0, $0xb8;
	[tilespmem:$0x12000] =	vst v63  }
0x43: {  	s12 =	simm.s32 $0x8800  }
0x44: {  	[hbm4b:s6+s2] =	stream.indirect_vreg.scatter [tilespmem:s12], [sflag:$0x1], $0x80, v3, vm0, $0xb8;
	[tilespmem:$0x12000] =	vst v63  }
0x45: {  	s13 =	simm.s32 $0x9000  }
0x46: {  	[hbm4b:s7+s2] =	stream.indirect_vreg.scatter [tilespmem:s13], [sflag:$0x1], $0x80, v3, vm0, $0xb8;
	[tilespmem:$0x12000] =	vst v63  }
0x47: {  	_ = 	snop  }
0x48: {  	[hbm4b:s8+s2] =	stream.indirect_vreg.scatter [tilespmem:s31], [sflag:$0x1], $0x80, v3, vm0, $0xb8;
	[tilespmem:$0x12000] =	vst v63  }
0x49: {  	v3 =	vld [tilespmem:s25+$0x1000];
	_ =	sdelay $0x4  }
0x4a: {  	v58 =	vshll.u32 v3, $0x3  }
0x4b: {  	v3 =	vand.u32 $0x7, v3;
	v4 =	vand.u32 $0xFFFFFFC0, v58  }
0x4c: {  	v3 =	vor.u32 v3, v4  }
0x4d: {  	v4 =	vperm.xlane v3, v0;
	_ =	sdelay $0x1  }
0x4e: {  	v4 =	vadd.s32 v1, v4;
	_ =	sdelay $0x4  }
0x4f: {  	[hbm4b:s3+s2] =	stream.indirect_vreg.scatter [tilespmem:s30], [sflag:$0x2], $0x80, v4, vm0, $0xb8;
	[tilespmem:$0x12000] =	vst v63  }
0x50: {  	v3 =	vperm.xlane v3, v2  }
0x51: {  	[hbm4b:s6+s2] =	stream.indirect_vreg.scatter [tilespmem:s26], [sflag:$0x2], $0x80, v4, vm0, $0xb8;
	[tilespmem:$0x12000] =	vst v63  }
0x52: {  	v3 =	vadd.s32 v1, v3  }
0x53: {  	[hbm4b:s7+s2] =	stream.indirect_vreg.scatter [tilespmem:s15], [sflag:$0x2], $0x80, v4, vm0, $0xb8;
	[tilespmem:$0x12000] =	vst v63  }
0x54: {  	_ = 	snop  }
0x55: {  	[hbm4b:s8+s2] =	stream.indirect_vreg.scatter [tilespmem:s16], [sflag:$0x2], $0x80, v4, vm0, $0xb8;
	[tilespmem:$0x12000] =	vst v63  }
0x56: {  	_ = 	snop  }
0x57: {  	[hbm4b:s3+s2] =	stream.indirect_vreg.scatter [tilespmem:s17], [sflag:$0x2], $0x80, v3, vm0, $0xb8;
	[tilespmem:$0x12000] =	vst v63  }
0x58: {  	_ = 	snop  }
0x59: {  	[hbm4b:s6+s2] =	stream.indirect_vreg.scatter [tilespmem:s18], [sflag:$0x2], $0x80, v3, vm0, $0xb8;
	[tilespmem:$0x12000] =	vst v63  }
0x5a: {  	_ = 	snop  }
0x5b: {  	[hbm4b:s7+s2] =	stream.indirect_vreg.scatter [tilespmem:s19], [sflag:$0x2], $0x80, v3, vm0, $0xb8;
	[tilespmem:$0x12000] =	vst v63  }
0x5c: {  	_ = 	snop  }
0x5d: {  	[hbm4b:s8+s2] =	stream.indirect_vreg.scatter [tilespmem:s20], [sflag:$0x2], $0x80, v3, vm0, $0xb8;
	[tilespmem:$0x12000] =	vst v63  }
0x5e: {  	v3 =	vld [tilespmem:s25+$0x1010];
	_ =	sdelay $0x4  }
0x5f: {  	v59 =	vshll.u32 v3, $0x3  }
0x60: {  	v3 =	vand.u32 $0x7, v3;
	v4 =	vand.u32 $0xFFFFFFC0, v59  }
0x61: {  	v3 =	vor.u32 v3, v4  }
0x62: {  	v4 =	vperm.xlane v3, v0;
	_ =	sdelay $0x1  }
0x63: {  	v4 =	vadd.s32 v1, v4;
	_ =	sdelay $0x4  }
0x64: {  	[hbm4b:s3+s2] =	stream.indirect_vreg.scatter [tilespmem:s21], [sflag:$0x2], $0x80, v4, vm0, $0xb8;
	[tilespmem:$0x12000] =	vst v63  }
0x65: {  	v3 =	vperm.xlane v3, v2  }
0x66: {  	[hbm4b:s6+s2] =	stream.indirect_vreg.scatter [tilespmem:s22], [sflag:$0x2], $0x80, v4, vm0, $0xb8;
	[tilespmem:$0x12000] =	vst v63  }
0x67: {  	v3 =	vadd.s32 v1, v3  }
0x68: {  	[hbm4b:s7+s2] =	stream.indirect_vreg.scatter [tilespmem:s28], [sflag:$0x2], $0x80, v4, vm0, $0xb8;
	[tilespmem:$0x12000] =	vst v63  }
0x69: {  	_ = 	snop  }
0x6a: {  	[hbm4b:s8+s2] =	stream.indirect_vreg.scatter [tilespmem:s29], [sflag:$0x2], $0x80, v4, vm0, $0xb8;
	[tilespmem:$0x12000] =	vst v63  }
0x6b: {  	_ = 	snop  }
0x6c: {  	[hbm4b:s3+s2] =	stream.indirect_vreg.scatter [tilespmem:s1], [sflag:$0x2], $0x80, v3, vm0, $0xb8;
	[tilespmem:$0x12000] =	vst v63  }
0x6d: {  	_ = 	snop  }
0x6e: {  	[hbm4b:s6+s2] =	stream.indirect_vreg.scatter [tilespmem:s12], [sflag:$0x2], $0x80, v3, vm0, $0xb8;
	[tilespmem:$0x12000] =	vst v63  }
0x6f: {  	p0 =	seq.s32 s24, $0x0  }
0x70: {  	[hbm4b:s7+s2] =	stream.indirect_vreg.scatter [tilespmem:s13], [sflag:$0x2], $0x80, v3, vm0, $0xb8;
	[tilespmem:$0x12000] =	vst v63  }
0x71: {  	s26 =	simm.s32 @!p0 $0x3  }
0x72: {  	[hbm4b:s8+s2] =	stream.indirect_vreg.scatter [tilespmem:s31], [sflag:$0x2], $0x80, v3, vm0, $0xb8;
	[tilespmem:$0x12000] =	vst v63  }
0x73: {  	_ =	swait.ge @!p0 [sflag:s26], $0x8000  }
0x74: {  	[sflag:s26] =	ssyncset.done @!p0 $0x0  }
0x75: {  	[sflag:s26] =	ssyncadd.s32 @!p0 $0xFFFF8000;
	s26 =	simm.s32 @!p0 $0x4  }
0x76: {  	_ =	swait.ge @!p0 [sflag:s26], $0x8000  }
0x77: {  	[sflag:s26] =	ssyncset.done @!p0 $0x0  }
0x78: {  	s1 =	simm.s32 $0xA000;
	[sflag:s26] =	ssyncadd.s32 @!p0 $0xFFFF8000  }
0x79: {  	[tilespmem:s1], [sflag:$0x5] =	stream.linear.gather [hbm4b:s23+s2], $0x8000, $0x38;
	[tilespmem:$0x12000] =	vst v63  }
0x7a: {  	_ =	swait.ge [sflag:s11], $0x8000  }
0x7b: {  	[sflag:s11] =	ssyncset.done $0x0  }
0x7c: {  	s16 =	simm.s32 $0x1;
	[sflag:s11] =	ssyncadd.s32 $0xFFFF8000  }
0x7d: {  	_ =	swait.ge [sflag:s16], $0x8000  }
0x7e: {  	[sflag:s16] =	ssyncset.done $0x0  }
0x7f: {  	[sflag:s16] =	ssyncadd.s32 $0xFFFF8000  }
0x80: {  	_ =	swait.ge [sflag:s0], $0x8000  }
0x81: {  	[sflag:s0] =	ssyncset.done $0x0  }
0x82: {  	[sflag:s0] =	ssyncadd.s32 $0xFFFF8000  }
0x83: {  	v3 =	vld [tilespmem:s25+$0x80];
	_ =	sdelay $0x4  }
0x84: {  	v60 =	vshll.u32 v3, $0x3  }
0x85: {  	v3 =	vand.u32 $0x7, v3;
	v4 =	vand.u32 $0xFFFFFFC0, v60  }
0x86: {  	v3 =	vor.u32 v3, v4  }
0x87: {  	v4 =	vperm.xlane v3, v0;
	_ =	sdelay $0x1  }
0x88: {  	v4 =	vadd.s32 v1, v4;
	_ =	sdelay $0x4  }
0x89: {  	[hbm4b:s3+s2] =	stream.indirect_vreg.scatter [tilespmem:s1], [sflag:$0x3], $0x80, v4, vm0, $0xb8;
	[tilespmem:$0x12000] =	vst v63  }
0x8a: {  	s13 =	simm.s32 $0xA800;
	v3 =	vperm.xlane v3, v2  }
0x8b: {  	[hbm4b:s6+s2] =	stream.indirect_vreg.scatter [tilespmem:s13], [sflag:$0x3], $0x80, v4, vm0, $0xb8;
	[tilespmem:$0x12000] =	vst v63  }
0x8c: {  	s15 =	simm.s32 $0xB000;
	v3 =	vadd.s32 v1, v3  }
0x8d: {  	[hbm4b:s7+s2] =	stream.indirect_vreg.scatter [tilespmem:s15], [sflag:$0x3], $0x80, v4, vm0, $0xb8;
	[tilespmem:$0x12000] =	vst v63  }
0x8e: {  	s16 =	simm.s32 $0xB800  }
0x8f: {  	[hbm4b:s8+s2] =	stream.indirect_vreg.scatter [tilespmem:s16], [sflag:$0x3], $0x80, v4, vm0, $0xb8;
	[tilespmem:$0x12000] =	vst v63  }
0x90: {  	s17 =	simm.s32 $0xC000  }
0x91: {  	[hbm4b:s3+s2] =	stream.indirect_vreg.scatter [tilespmem:s17], [sflag:$0x3], $0x80, v3, vm0, $0xb8;
	[tilespmem:$0x12000] =	vst v63  }
0x92: {  	s18 =	simm.s32 $0xC800  }
0x93: {  	[hbm4b:s6+s2] =	stream.indirect_vreg.scatter [tilespmem:s18], [sflag:$0x3], $0x80, v3, vm0, $0xb8;
	[tilespmem:$0x12000] =	vst v63  }
0x94: {  	s19 =	simm.s32 $0xD000  }
0x95: {  	[hbm4b:s7+s2] =	stream.indirect_vreg.scatter [tilespmem:s19], [sflag:$0x3], $0x80, v3, vm0, $0xb8;
	[tilespmem:$0x12000] =	vst v63  }
0x96: {  	s20 =	simm.s32 $0xD800  }
0x97: {  	[hbm4b:s8+s2] =	stream.indirect_vreg.scatter [tilespmem:s20], [sflag:$0x3], $0x80, v3, vm0, $0xb8;
	[tilespmem:$0x12000] =	vst v63  }
0x98: {  	v3 =	vld [tilespmem:s25+$0x90];
	_ =	sdelay $0x4  }
0x99: {  	v61 =	vshll.u32 v3, $0x3  }
0x9a: {  	v3 =	vand.u32 $0x7, v3;
	v4 =	vand.u32 $0xFFFFFFC0, v61  }
0x9b: {  	v3 =	vor.u32 v3, v4  }
0x9c: {  	v4 =	vperm.xlane v3, v0;
	_ =	sdelay $0x1  }
0x9d: {  	v4 =	vadd.s32 v1, v4;
	_ =	sdelay $0x3  }
0x9e: {  	s4 =	simm.s32 $0xE000  }
0x9f: {  	[hbm4b:s3+s2] =	stream.indirect_vreg.scatter [tilespmem:s4], [sflag:$0x3], $0x80, v4, vm0, $0xb8;
	[tilespmem:$0x12000] =	vst v63  }
0xa0: {  	s5 =	simm.s32 $0xE800;
	v3 =	vperm.xlane v3, v2  }
0xa1: {  	[hbm4b:s6+s2] =	stream.indirect_vreg.scatter [tilespmem:s5], [sflag:$0x3], $0x80, v4, vm0, $0xb8;
	[tilespmem:$0x12000] =	vst v63  }
0xa2: {  	v3 =	vadd.s32 v1, v3;
	s5 =	simm.s32 $0xF000  }
0xa3: {  	[hbm4b:s7+s2] =	stream.indirect_vreg.scatter [tilespmem:s5], [sflag:$0x3], $0x80, v4, vm0, $0xb8;
	[tilespmem:$0x12000] =	vst v63  }
0xa4: {  	s9 =	simm.s32 $0xF800  }
0xa5: {  	[hbm4b:s8+s2] =	stream.indirect_vreg.scatter [tilespmem:s9], [sflag:$0x3], $0x80, v4, vm0, $0xb8;
	[tilespmem:$0x12000] =	vst v63  }
0xa6: {  	s9 =	simm.s32 $0x10000  }
0xa7: {  	[hbm4b:s3+s2] =	stream.indirect_vreg.scatter [tilespmem:s9], [sflag:$0x3], $0x80, v3, vm0, $0xb8;
	[tilespmem:$0x12000] =	vst v63  }
0xa8: {  	s10 =	simm.s32 $0x10800  }
0xa9: {  	[hbm4b:s6+s2] =	stream.indirect_vreg.scatter [tilespmem:s10], [sflag:$0x3], $0x80, v3, vm0, $0xb8;
	[tilespmem:$0x12000] =	vst v63  }
0xaa: {  	s10 =	simm.s32 $0x11000  }
0xab: {  	[hbm4b:s7+s2] =	stream.indirect_vreg.scatter [tilespmem:s10], [sflag:$0x3], $0x80, v3, vm0, $0xb8;
	[tilespmem:$0x12000] =	vst v63  }
0xac: {  	_ = 	snop  }
0xad: {  	[hbm4b:s8+s2] =	stream.indirect_vreg.scatter [tilespmem:s14], [sflag:$0x3], $0x80, v3, vm0, $0xb8;
	[tilespmem:$0x12000] =	vst v63  }
0xae: {  	v3 =	vld [tilespmem:s25+$0x1080];
	_ =	sdelay $0x4  }
0xaf: {  	v62 =	vshll.u32 v3, $0x3  }
0xb0: {  	v3 =	vand.u32 $0x7, v3;
	v4 =	vand.u32 $0xFFFFFFC0, v62  }
0xb1: {  	v3 =	vor.u32 v3, v4  }
0xb2: {  	v4 =	vperm.xlane v3, v0;
	_ =	sdelay $0x1  }
0xb3: {  	v4 =	vadd.s32 v1, v4;
	_ =	sdelay $0x4  }
0xb4: {  	[hbm4b:s3+s2] =	stream.indirect_vreg.scatter [tilespmem:s1], [sflag:$0x4], $0x80, v4, vm0, $0xb8;
	[tilespmem:$0x12000] =	vst v63  }
0xb5: {  	v3 =	vperm.xlane v3, v2  }
0xb6: {  	[hbm4b:s6+s2] =	stream.indirect_vreg.scatter [tilespmem:s13], [sflag:$0x4], $0x80, v4, vm0, $0xb8;
	[tilespmem:$0x12000] =	vst v63  }
0xb7: {  	v3 =	vadd.s32 v1, v3  }
0xb8: {  	[hbm4b:s7+s2] =	stream.indirect_vreg.scatter [tilespmem:s15], [sflag:$0x4], $0x80, v4, vm0, $0xb8;
	[tilespmem:$0x12000] =	vst v63  }
0xb9: {  	_ = 	snop  }
0xba: {  	[hbm4b:s8+s2] =	stream.indirect_vreg.scatter [tilespmem:s16], [sflag:$0x4], $0x80, v4, vm0, $0xb8;
	[tilespmem:$0x12000] =	vst v63  }
0xbb: {  	_ = 	snop  }
0xbc: {  	[hbm4b:s3+s2] =	stream.indirect_vreg.scatter [tilespmem:s17], [sflag:$0x4], $0x80, v3, vm0, $0xb8;
	[tilespmem:$0x12000] =	vst v63  }
0xbd: {  	_ = 	snop  }
0xbe: {  	[hbm4b:s6+s2] =	stream.indirect_vreg.scatter [tilespmem:s18], [sflag:$0x4], $0x80, v3, vm0, $0xb8;
	[tilespmem:$0x12000] =	vst v63  }
0xbf: {  	_ = 	snop  }
0xc0: {  	[hbm4b:s7+s2] =	stream.indirect_vreg.scatter [tilespmem:s19], [sflag:$0x4], $0x80, v3, vm0, $0xb8;
	[tilespmem:$0x12000] =	vst v63  }
0xc1: {  	_ = 	snop  }
0xc2: {  	[hbm4b:s8+s2] =	stream.indirect_vreg.scatter [tilespmem:s20], [sflag:$0x4], $0x80, v3, vm0, $0xb8;
	[tilespmem:$0x12000] =	vst v63  }
0xc3: {  	v3 =	vld [tilespmem:s25+$0x1090];
	_ =	sdelay $0x4  }
0xc4: {  	v63 =	vshll.u32 v3, $0x3  }
0xc5: {  	v3 =	vand.u32 $0x7, v3;
	v4 =	vand.u32 $0xFFFFFFC0, v63  }
0xc6: {  	v3 =	vor.u32 v3, v4  }
0xc7: {  	v4 =	vperm.xlane v3, v0;
	_ =	sdelay $0x1  }
0xc8: {  	v4 =	vadd.s32 v1, v4;
	_ =	sdelay $0x3  }
0xc9: {  	s17 =	simm.s32 $0xE000  }
0xca: {  	[hbm4b:s3+s2] =	stream.indirect_vreg.scatter [tilespmem:s17], [sflag:$0x4], $0x80, v4, vm0, $0xb8;
	[tilespmem:$0x12000] =	vst v63  }
0xcb: {  	s18 =	simm.s32 $0xE800;
	v3 =	vperm.xlane v3, v2  }
0xcc: {  	[hbm4b:s6+s2] =	stream.indirect_vreg.scatter [tilespmem:s18], [sflag:$0x4], $0x80, v4, vm0, $0xb8;
	[tilespmem:$0x12000] =	vst v63  }
0xcd: {  	v3 =	vadd.s32 v1, v3  }
0xce: {  	[hbm4b:s7+s2] =	stream.indirect_vreg.scatter [tilespmem:s5], [sflag:$0x4], $0x80, v4, vm0, $0xb8;
	[tilespmem:$0x12000] =	vst v63  }
0xcf: {  	s19 =	simm.s32 $0xF800  }
0xd0: {  	[hbm4b:s8+s2] =	stream.indirect_vreg.scatter [tilespmem:s19], [sflag:$0x4], $0x80, v4, vm0, $0xb8;
	[tilespmem:$0x12000] =	vst v63  }
0xd1: {  	s24 =	sadd.s32 $0x400, s24  }
0xd2: {  	[hbm4b:s3+s2] =	stream.indirect_vreg.scatter [tilespmem:s9], [sflag:$0x4], $0x80, v3, vm0, $0xb8;
	[tilespmem:$0x12000] =	vst v63  }
0xd3: {  	p0 =	sne.s32 s24, $0x4000;
	s20 =	simm.s32 $0x10800  }
0xd4: {  	[hbm4b:s6+s2] =	stream.indirect_vreg.scatter [tilespmem:s20], [sflag:$0x4], $0x80, v3, vm0, $0xb8;
	[tilespmem:$0x12000] =	vst v63  }
.Ltmp0:
0xd5: {  	_ = 	snop;
	(pc) =	sbr.rel @p0 .LBB2_2-.Ltmp0, $4  }
0xd6: {  	s12 =	simm.s32 $0x2000  }
0xd7: {  	[hbm4b:s7+s2] =	stream.indirect_vreg.scatter [tilespmem:s10], [sflag:$0x4], $0x80, v3, vm0, $0xb8;
	[tilespmem:$0x12000] =	vst v63  }
0xd8: {  	s26 =	simm.s32 $0x2800;
	s23 =	sadd.s32 $0x2000, s23;
	s25 =	simm.s32 $0x11800  }
0xd9: {  	[hbm4b:s8+s2] =	stream.indirect_vreg.scatter [tilespmem:s25], [sflag:$0x4], $0x80, v3, vm0, $0xb8;
	[tilespmem:$0x12000] =	vst v63  }
0xda: {  	s1 =	simm.s32 $0x3  }
0xdb: {  	_ =	swait.ge [sflag:s1], $0x8000  }
0xdc: {  	[sflag:s1] =	ssyncset.done $0x0  }
0xdd: {  	s25 =	simm.s32 $0x4;
	[sflag:s1] =	ssyncadd.s32 $0xFFFF8000  }
0xde: {  	_ =	swait.ge [sflag:s25], $0x8000  }
0xdf: {  	s4 =	rddreg [dreg:$0x7]  }
0xe0: {  	s23 =	rddreg [dreg:$0x5];
	s4 =	sadd.s32 $0x1, s4  }
0xe1: {  	p0 =	sne.s32 s4, s23  }
.Ltmp1:
0xe2: {  	_ = 	snop;
	(pc) =	sbr.rel @p0 .LBB2_1-.Ltmp1, $3  }
0xe3: {  	_ =	sdelay $0x1  }
0xe4: {  	[sflag:s25] =	ssyncset.done $0x0  }
0xe5: {  	[sflag:s25] =	ssyncadd.s32 $0xFFFF8000  }
0xe6: {  	_ =	sfence.sel $0x180000  }
0xe7: {  	[bflag:$0x0] =	sbarrier.arrive $0xFFFF  }
0xe8: {  	_ =	strace $0x90000047  }
0xe9: {  	s0 =	stileid.u32;
	[bflag:$0x2] =	sbarrier.arrive $0xFFFF  }
0xea: {  	p0 =	sne.s32 s0, $0x0;
	s0 =	rddreg [dreg:$0x2]  }
0xeb: {  	s0 =	sadd.s32 @!p0 $0x100000, s0  }
0xec: {  	[sflag:s0] =	ssyncadd.tile.s32 @!p0 $0x1;
	_ =	shalt  }
.Lfunc_end2:
_tile_overlayer_lowered:
.L_overlay_start_2:
0xed: {  	(tag) =	ssettag $0x2  }
0xee: {  	s0 =	rddreg [dreg:$0x0];
	s2 =	stileid.u32  }
0xef: {  	s1 =	rddreg [dreg:$0x1];
	p0 =	sne.s32 s2, $0x0  }
0xf0: {  	s3 =	rddreg [dreg:$0x2];
	[bflag:$0x3] =	sbarrier.arrive $0xFFFF;
	s2 =	simm.s32 @!p0 $0x1C05  }
0xf1: {  	[timem:s3], [sflag:s2] =	dma.local @!p0 [hbm:s0], s1  }
0xf2: {  	s0 =	simm.s32 @!p0 $0x5  }
0xf3: {  	_ =	swait.ge @!p0 [sflag:s0], s1  }
0xf4: {  	s1 =	ssub.s32 @!p0 $0x0, s1;
	[sflag:s0] =	ssyncset.done @!p0 $0x0  }
0xf5: {  	[sflag:s0] =	ssyncadd.s32 @!p0 s1  }
0xf6: {  	[bflag:$0x3] =	sbarrier.arrive $0xFFFF  }
0xf7: {  	_ =	shalt  }

</sc_bundles>
